<compile_context>
chip_gen: v7x
topology: tpu7x:2x2x1
jax: 0.10.2.dev20260603
libtpu: 0.0.44.dev20260713+nightly
codegen_flags: <defaults>
</compile_context>

<pallas_src>
import functools
import jax
import jax.numpy as jnp
import numpy as np
from jax import lax
from jax.experimental import pallas as pl
from jax.experimental.pallas import tpu as pltpu
from jax.experimental.pallas import tpu_sc as plsc

_N = 10000
_E = 160000
_C_S = 128
_C_Z = 128
_C_HID = 16
_H = 8
_PQK = 8
_PV = 12
_H_TIME = 64

_EBLK = 640
_NBLK = 400


def _ln(x, g, b):
    m = jnp.mean(x, -1, keepdims=True)
    v = jnp.mean((x - m) ** 2, -1, keepdims=True)
    return (x - m) * jax.lax.rsqrt(v + 1e-5) * g + b


def _mlp3_ln_body(x_ref, w1_ref, b1_ref, w2_ref, b2_ref, w3_ref, b3_ref,
                  g_ref, bb_ref, o_ref):
    x = x_ref[...]
    h = jnp.maximum(jnp.dot(x, w1_ref[...], preferred_element_type=jnp.float32) + b1_ref[...], 0.0)
    h = jnp.maximum(jnp.dot(h, w2_ref[...], preferred_element_type=jnp.float32) + b2_ref[...], 0.0)
    h = jnp.dot(h, w3_ref[...], preferred_element_type=jnp.float32) + b3_ref[...]
    o_ref[...] = _ln(h, g_ref[...], bb_ref[...])


def _mlp3_ln(x, lins, lnp, blk):
    n, din = x.shape
    dout = lins[2]['w'].shape[1]
    wspec = lambda shape: pl.BlockSpec(shape, lambda i: (0, 0))
    args = []
    specs = [pl.BlockSpec((blk, din), lambda i: (i, 0))]
    for L in lins:
        args.append(L['w'])
        args.append(L['b'].reshape(1, -1))
        specs.append(wspec(L['w'].shape))
        specs.append(wspec((1, L['b'].shape[0])))
    args.append(lnp['g'].reshape(1, -1))
    args.append(lnp['b'].reshape(1, -1))
    specs.append(wspec((1, dout)))
    specs.append(wspec((1, dout)))
    return pl.pallas_call(
        _mlp3_ln_body,
        grid=(n // blk,),
        in_specs=specs,
        out_specs=pl.BlockSpec((blk, dout), lambda i: (i, 0)),
        out_shape=jax.ShapeDtypeStruct((n, dout), jnp.float32),
    )(x, *args)


def _resmlp_body(x_ref, w1_ref, b1_ref, w2_ref, b2_ref, w3_ref, b3_ref,
                 g_ref, bb_ref, o_ref):
    x = x_ref[...]
    h = jnp.maximum(jnp.dot(x, w1_ref[...], preferred_element_type=jnp.float32) + b1_ref[...], 0.0)
    h = jnp.maximum(jnp.dot(h, w2_ref[...], preferred_element_type=jnp.float32) + b2_ref[...], 0.0)
    h = jnp.dot(h, w3_ref[...], preferred_element_type=jnp.float32) + b3_ref[...]
    o_ref[...] = _ln(x + h, g_ref[...], bb_ref[...])


def _resmlp_ln(x, lins, lnp, blk):
    n, din = x.shape
    dout = lins[2]['w'].shape[1]
    wspec = lambda shape: pl.BlockSpec(shape, lambda i: (0, 0))
    args = []
    specs = [pl.BlockSpec((blk, din), lambda i: (i, 0))]
    for L in lins:
        args.append(L['w'])
        args.append(L['b'].reshape(1, -1))
        specs.append(wspec(L['w'].shape))
        specs.append(wspec((1, L['b'].shape[0])))
    args.append(lnp['g'].reshape(1, -1))
    args.append(lnp['b'].reshape(1, -1))
    specs.append(wspec((1, dout)))
    specs.append(wspec((1, dout)))
    return pl.pallas_call(
        _resmlp_body,
        grid=(n // blk,),
        in_specs=specs,
        out_specs=pl.BlockSpec((blk, dout), lambda i: (i, 0)),
        out_shape=jax.ShapeDtypeStruct((n, dout), jnp.float32),
    )(x, *args)


def _edge_mlp_body(hsrc_ref, hdst_ref, z_ref, w1a_ref, w1b_ref, w1c_ref, b1_ref,
                   w2_ref, b2_ref, g_ref, bb_ref, o_ref):
    h = (jnp.dot(hsrc_ref[...], w1a_ref[...], preferred_element_type=jnp.float32)
         + jnp.dot(hdst_ref[...], w1b_ref[...], preferred_element_type=jnp.float32)
         + jnp.dot(z_ref[...], w1c_ref[...], preferred_element_type=jnp.float32)
         + b1_ref[...])
    h = jnp.maximum(h, 0.0)
    h = jnp.dot(h, w2_ref[...], preferred_element_type=jnp.float32) + b2_ref[...]
    o_ref[...] = _ln(h, g_ref[...], bb_ref[...])


def _edge_mlp(hsrc, hdst, z, mlp, lnp):
    e = z.shape[0]
    hw = hsrc.shape[1]
    w1 = mlp[0]['w']
    w1a, w1b, w1c = w1[:hw], w1[hw:2 * hw], w1[2 * hw:]
    wspec = lambda shape: pl.BlockSpec(shape, lambda i: (0, 0))
    return pl.pallas_call(
        _edge_mlp_body,
        grid=(e // _EBLK,),
        in_specs=[
            pl.BlockSpec((_EBLK, hw), lambda i: (i, 0)),
            pl.BlockSpec((_EBLK, hw), lambda i: (i, 0)),
            pl.BlockSpec((_EBLK, _C_Z), lambda i: (i, 0)),
            wspec(w1a.shape), wspec(w1b.shape), wspec(w1c.shape),
            wspec((1, _C_Z)),
            wspec(mlp[1]['w'].shape), wspec((1, _C_Z)),
            wspec((1, _C_Z)), wspec((1, _C_Z)),
        ],
        out_specs=pl.BlockSpec((_EBLK, _C_Z), lambda i: (i, 0)),
        out_shape=jax.ShapeDtypeStruct((e, _C_Z), jnp.float32),
    )(hsrc, hdst, z, w1a, w1b, w1c, mlp[0]['b'].reshape(1, -1),
      mlp[1]['w'], mlp[1]['b'].reshape(1, -1),
      lnp['g'].reshape(1, -1), lnp['b'].reshape(1, -1))


def _lin_body(x_ref, w_ref, b_ref, o_ref):
    o_ref[...] = jnp.dot(x_ref[...], w_ref[...], preferred_element_type=jnp.float32) + b_ref[...]


def _lin_pallas(x, w, b, blk):
    n, din = x.shape
    dout = w.shape[1]
    return pl.pallas_call(
        _lin_body,
        grid=(n // blk,),
        in_specs=[pl.BlockSpec((blk, din), lambda i: (i, 0)),
                  pl.BlockSpec(w.shape, lambda i: (0, 0)),
                  pl.BlockSpec((1, dout), lambda i: (0, 0))],
        out_specs=pl.BlockSpec((blk, dout), lambda i: (i, 0)),
        out_shape=jax.ShapeDtypeStruct((n, dout), jnp.float32),
    )(x, w, b.reshape(1, -1))


_SC_NW = 32


def _sc_gather_make(rows, width, chunk):
    per_w = rows // _SC_NW
    iters = per_w // chunk
    assert per_w % chunk == 0 and chunk % 8 == 0
    mesh = plsc.VectorSubcoreMesh(core_axis_name="c", subcore_axis_name="s")

    @functools.partial(
        pl.kernel, mesh=mesh,
        out_type=jax.ShapeDtypeStruct((rows, width), jnp.float32),
        scratch_types=[
            pltpu.VMEM((iters, chunk), jnp.int32),
            pltpu.VMEM((2, chunk, width), jnp.float32),
            pltpu.SemaphoreType.DMA,
            pltpu.SemaphoreType.DMA,
            pltpu.SemaphoreType.DMA,
            pltpu.SemaphoreType.DMA,
        ],
    )
    def gather(table_hbm, idx_hbm, out_hbm, idx_v, buf, li0, li1, so0, so1):
        wid = lax.axis_index("s") * 2 + lax.axis_index("c")
        base = wid * per_w
        pltpu.sync_copy(idx_hbm.at[wid], idx_v)
        lsems = (li0, li1)
        ssems = (so0, so1)

        def load(g, b):
            return pltpu.make_async_copy(
                table_hbm.at[idx_v.at[g]], buf.at[b], lsems[b])

        def store(g, b):
            return pltpu.make_async_copy(
                buf.at[b], out_hbm.at[pl.ds(base + g * chunk, chunk)], ssems[b])

        load(0, 0).start()
        load(1, 1).start()

        def body(i, carry):
            g0 = 2 * i
            load(g0, 0).wait()
            store(g0, 0).start()
            load(g0 + 1, 1).wait()
            store(g0 + 1, 1).start()

            @pl.when(g0 + 2 < iters)
            def _():
                store(g0, 0).wait()
                load(g0 + 2, 0).start()

            @pl.when(g0 + 3 < iters)
            def _():
                store(g0 + 1, 1).wait()
                load(g0 + 3, 1).start()

            @pl.when(g0 + 2 >= iters)
            def _():
                store(g0, 0).wait()

            @pl.when(g0 + 3 >= iters)
            def _():
                store(g0 + 1, 1).wait()

            return carry

        lax.fori_loop(0, iters // 2, body, 0)

    return gather


_NC = 128
_BE = 512
_JMAX = 10
_NPAD = 10240
_EPAD = 163840
_WC = 1448

_C1 = float(np.sqrt(1.0 / (3 * _C_HID)))
_C2 = float(np.sqrt(1.0 / 3))
_C3 = float(np.sqrt(1.0 / (3 * _PQK * 9.0 / 2)) * 0.5)


def _seg_att_body(eblk0_ref, nblk_ref, dst_ref, g_ref, z_ref, qcat_ref,
                  wb_ref, bb_ref, hw_ref, m128_ref, m192_ref,
                  r128_ref, r288_ref, r1024_ref, o_ref):
    c = pl.program_id(0)
    j = pl.program_id(1)

    @pl.when(j == 0)
    def _():
        o_ref[...] = jnp.zeros(o_ref.shape, o_ref.dtype)

    @pl.when(j < nblk_ref[c])
    def _():
        local = dst_ref[...] - c * _NC
        iota = jax.lax.broadcasted_iota(jnp.int32, (_BE, _NC), 1)
        pf = (local == iota).astype(jnp.float32)
        qe = jnp.dot(pf, qcat_ref[...], preferred_element_type=jnp.float32)
        q = qe[:, :_H * _C_HID]
        qp = qe[:, _H * _C_HID:]
        g = g_ref[...]
        k = g[:, :128]
        v = g[:, 128:256]
        kp = g[:, 256:448]
        vp = g[:, 448:736]
        z = z_ref[...]
        qk = jnp.dot(q * k, m128_ref[...], preferred_element_type=jnp.float32)
        pd = qp - kp
        d2 = jnp.dot(pd * pd, m192_ref[...], preferred_element_type=jnp.float32)
        b8 = jnp.dot(z, wb_ref[...], preferred_element_type=jnp.float32) + bb_ref[...]
        att = qk * _C1 + b8 * _C2 - d2 * (hw_ref[...] * _C3)
        ex = jnp.exp(att)
        ex128 = jnp.dot(ex, r128_ref[...], preferred_element_type=jnp.float32)
        ex288 = jnp.dot(ex, r288_ref[...], preferred_element_type=jnp.float32)
        ex1024 = jnp.dot(ex, r1024_ref[...], preferred_element_type=jnp.float32)
        zt = jnp.concatenate([z] * _H, axis=1)
        cmat = jnp.concatenate(
            [ex128 * v, ex288 * vp, ex1024 * zt, ex], axis=1)
        o_ref[...] += jax.lax.dot_general(
            pf, cmat, (((0,), (0,)), ((), ())),
            preferred_element_type=jnp.float32)


def _group_mat(din, h):
    w = din // h
    m = np.zeros((din, h), np.float32)
    for i in range(din):
        m[i, i // w] = 1.0
    return m


def _rep_mat(h, dout):
    w = dout // h
    m = np.zeros((h, dout), np.float32)
    for i in range(dout):
        m[i // w, i] = 1.0
    return m


_M128 = _group_mat(128, _H)
_M192 = _group_mat(192, _H)
_R128 = _rep_mat(_H, 128)
_R288 = _rep_mat(_H, 288)
_R1024 = _rep_mat(_H, 1024)


def _seg_att(eblk0, nblk, dst_col, gsrc, z_s, qcat, wb, bb, hw):
    nblocks = _EPAD // _BE

    def emap(c, j, eb, nb):
        idx = eb[c] + jnp.minimum(j, jnp.maximum(nb[c] - 1, 0))
        return (jnp.clip(idx, 0, nblocks - 1), 0)

    grid_spec = pltpu.PrefetchScalarGridSpec(
        num_scalar_prefetch=2,
        grid=(_NPAD // _NC, _JMAX),
        in_specs=[
            pl.BlockSpec((_BE, 1), emap),
            pl.BlockSpec((_BE, 768), emap),
            pl.BlockSpec((_BE, 128), emap),
            pl.BlockSpec((_NC, 320), lambda c, j, eb, nb: (c, 0)),
            pl.BlockSpec((128, _H), lambda c, j, eb, nb: (0, 0)),
            pl.BlockSpec((1, _H), lambda c, j, eb, nb: (0, 0)),
            pl.BlockSpec((1, _H), lambda c, j, eb, nb: (0, 0)),
            pl.BlockSpec((128, _H), lambda c, j, eb, nb: (0, 0)),
            pl.BlockSpec((192, _H), lambda c, j, eb, nb: (0, 0)),
            pl.BlockSpec((_H, 128), lambda c, j, eb, nb: (0, 0)),
            pl.BlockSpec((_H, 288), lambda c, j, eb, nb: (0, 0)),
            pl.BlockSpec((_H, 1024), lambda c, j, eb, nb: (0, 0)),
        ],
        out_specs=pl.BlockSpec((_NC, _WC), lambda c, j, eb, nb: (c, 0)),
    )
    return pl.pallas_call(
        _seg_att_body,
        grid_spec=grid_spec,
        out_shape=jax.ShapeDtypeStruct((_NPAD, _WC), jnp.float32),
    )(eblk0, nblk, dst_col, gsrc, z_s, qcat, wb, bb.reshape(1, -1),
      hw.reshape(1, -1), _M128, _M192, _R128, _R288, _R1024)


def _quat_to_rot(q):
    q = q / jnp.linalg.norm(q, axis=-1, keepdims=True)
    w, x, y, z = q[..., 0], q[..., 1], q[..., 2], q[..., 3]
    r00 = 1 - 2 * (y * y + z * z); r01 = 2 * (x * y - w * z); r02 = 2 * (x * z + w * y)
    r10 = 2 * (x * y + w * z); r11 = 1 - 2 * (x * x + z * z); r12 = 2 * (y * z - w * x)
    r20 = 2 * (x * z - w * y); r21 = 2 * (y * z + w * x); r22 = 1 - 2 * (x * x + y * y)
    return jnp.stack([jnp.stack([r00, r01, r02], -1),
                      jnp.stack([r10, r11, r12], -1),
                      jnp.stack([r20, r21, r22], -1)], -2)


def _quat_mul(a, b):
    aw, ax, ay, az = a[..., 0], a[..., 1], a[..., 2], a[..., 3]
    bw, bx, by, bz = b[..., 0], b[..., 1], b[..., 2], b[..., 3]
    return jnp.stack([aw * bw - ax * bx - ay * by - az * bz,
                      aw * bx + ax * bw + ay * bz - az * by,
                      aw * by - ax * bz + ay * bw + az * bx,
                      aw * bz + ax * by - ay * bx + az * bw], -1)


def _apply_lin(p, x):
    return x @ p['w'] + p['b']


def _ipa_fused(p, s, z_s, src_idx3, dst_col, eblk0, nblk, R, trans):
    n = s.shape[0]
    wcat = jnp.concatenate([p['q']['w'], p['kv']['w'], p['q_pts']['w'],
                            p['kv_pts']['w']], axis=1)
    bcat = jnp.concatenate([p['q']['b'], p['kv']['b'], p['q_pts']['b'],
                            p['kv_pts']['b']], axis=0)
    proj = _lin_pallas(s, wcat, bcat, _NBLK)
    q = proj[:, :128]
    kv = proj[:, 128:384].reshape(n, _H, 2 * _C_HID)
    k = kv[..., :_C_HID].reshape(n, 128)
    v = kv[..., _C_HID:].reshape(n, 128)
    qp = proj[:, 384:576].reshape(n, _H * _PQK, 3)
    qp = (jnp.einsum('nij,npj->npi', R, qp) + trans[:, None, :]).reshape(n, 192)
    kvp = proj[:, 576:1056].reshape(n, _H * (_PQK + _PV), 3)
    kvp = (jnp.einsum('nij,npj->npi', R, kvp) + trans[:, None, :]
           ).reshape(n, _H, _PQK + _PV, 3)
    kp = kvp[:, :, :_PQK].reshape(n, 192)
    vp = kvp[:, :, _PQK:].reshape(n, 288)
    table = jnp.concatenate([k, v, kp, vp, jnp.zeros((n, 32), jnp.float32)], 1)
    gsrc = _sc_gather_make(_EPAD, 768, 64)(table, src_idx3)
    qcat = jnp.pad(jnp.concatenate([q, qp], 1), ((0, _NPAD - n), (0, 0)))
    hw = jax.nn.softplus(p['head_w'])
    agg = _seg_att(eblk0, nblk, dst_col, gsrc, z_s, qcat,
                   p['b']['w'], p['b']['b'], hw)[:n]
    den = agg[:, 1440:1448]
    inv = 1.0 / (den + 1e-30)
    o = agg[:, :128] * jnp.repeat(inv, _C_HID, axis=1)
    op = (agg[:, 128:416] * jnp.repeat(inv, 36, axis=1)).reshape(n, _H, _PV, 3)
    op_l = jnp.einsum('nji,nhpj->nhpi', R, op - trans[:, None, None, :])
    op_norm = jnp.sqrt(jnp.sum(op_l ** 2, -1) + 1e-8)
    oz = agg[:, 416:1440] * jnp.repeat(inv, 128, axis=1)
    cat = jnp.concatenate([o, op_l.reshape(n, 288), op_norm.reshape(n, 96),
                           oz], -1)
    return _lin_pallas(cat, p['out']['w'], p['out']['b'], _NBLK)


def kernel(node_features, rigids_t, edge_features, t, noising_mask, params,
           edge_index, res_mask):
    n = node_features.shape[0]
    maskf = res_mask.astype(jnp.float32)
    quat = rigids_t[:, :4]
    trans = rigids_t[:, 4:]
    center = jnp.sum(trans * maskf[:, None], 0) / (jnp.sum(maskf) + 1e-9)
    trans = trans - center[None, :]
    ang = 2.0 * np.pi * t[:, None] * params['rbf_w'][None, :]
    temb = jnp.concatenate([jnp.cos(ang), jnp.sin(ang)], -1)
    h = jnp.concatenate([node_features, temb, noising_mask[:, None]], -1)
    s = _mlp3_ln(h, params['embed_node'], params['embed_node_ln'], _NBLK)
    src, dst = edge_index[0], edge_index[1]
    order = jnp.argsort(dst)
    src_s = src[order]
    dst_s = dst[order]
    e = dst.shape[0]
    src_idx3 = jnp.pad(src_s, (0, _EPAD - e)).astype(jnp.int32
                       ).reshape(_SC_NW, -1, 64)
    srcg = jnp.pad(src_s, (0, _EPAD - e))
    dstg = jnp.pad(dst_s, (0, _EPAD - e))
    dst_col = jnp.pad(dst_s, (0, _EPAD - e), constant_values=_NPAD
                      ).astype(jnp.int32).reshape(_EPAD, 1)
    cb = jnp.searchsorted(dst_s, jnp.arange(0, _NPAD + 1, _NC)).astype(jnp.int32)
    eblk0 = cb[:-1] // _BE
    nblk = (cb[1:] + _BE - 1) // _BE - eblk0
    ef_pad = jnp.pad(edge_features[order], ((0, _EPAD - e), (0, 0)))
    z = _mlp3_ln(ef_pad, params['embed_edge'], params['embed_edge_ln'], _EBLK)
    for L in params['layers']:
        R = _quat_to_rot(quat)
        upd = _ipa_fused(L['ipa'], s, z, src_idx3, dst_col, eblk0, nblk,
                         R, trans) * maskf[:, None]
        s = _ln(s + upd, L['ln1']['g'], L['ln1']['b'])
        s = _resmlp_ln(s, L['trans'], L['trans_ln'], _NBLK)
        s = s * maskf[:, None]
        upd6 = _apply_lin(L['bb'], s * noising_mask[:, None]) * noising_mask[:, None]
        qvec = upd6[:, :3]
        tvec = upd6[:, 3:]
        new_q = jnp.concatenate([jnp.ones((n, 1), jnp.float32), qvec], -1)
        new_q = new_q / jnp.linalg.norm(new_q, axis=-1, keepdims=True)
        quat = _quat_mul(quat / jnp.linalg.norm(quat, axis=-1, keepdims=True), new_q)
        trans = trans + jnp.einsum('nij,nj->ni', R, tvec)
        hd = jax.nn.relu(_apply_lin(L['edge_down'], s))
        z = _edge_mlp(hd[src_s], hd[dst_s], z, L['edge_mlp'], L['edge_ln'])
    return s

# --- scband reference (transcript-rebuilt; emitter-appended) ---
"""Pipeline reference for scband-graph-ipa-frame-denoiser-7627861918030 (READ-ONLY COPY).

The authoritative reference and input builder live on the scoring server;
editing this copy changes nothing except your own understanding.
"""

import jax, jax.numpy as jnp
import numpy as np

N = 10000
E = 160000
C_S = 128
C_Z = 128
C_HID = 16
H = 8
PQK = 8
PV = 12
H_TIME = 64
N_LAYERS = 2

def _lin(key, din, dout):
    return {'w': jax.random.normal(key, (din, dout), jnp.float32) * (1.0 / np.sqrt(din)),
            'b': jnp.zeros((dout,), jnp.float32)}

def _ln_p(d):
    return {'g': jnp.ones((d,), jnp.float32), 'b': jnp.zeros((d,), jnp.float32)}

def make_params(key):
    it = iter(list(jax.random.split(key, 64)))
    p = {}
    p['embed_node'] = [_lin(next(it), C_S + H_TIME + 1, C_S), _lin(next(it), C_S, C_S), _lin(next(it), C_S, C_S)]
    p['embed_node_ln'] = _ln_p(C_S)
    p['embed_edge'] = [_lin(next(it), C_Z, C_Z), _lin(next(it), C_Z, C_Z), _lin(next(it), C_Z, C_Z)]
    p['embed_edge_ln'] = _ln_p(C_Z)
    p['rbf_w'] = jax.random.normal(next(it), (H_TIME // 2,), jnp.float32)
    layers = []
    for _ in range(N_LAYERS):
        L = {}
        L['ipa'] = {'q': _lin(next(it), C_S, H * C_HID),
                    'kv': _lin(next(it), C_S, 2 * H * C_HID),
                    'q_pts': _lin(next(it), C_S, H * PQK * 3),
                    'kv_pts': _lin(next(it), C_S, H * (PQK + PV) * 3),
                    'b': _lin(next(it), C_Z, H),
                    'head_w': jnp.zeros((H,), jnp.float32),
                    'out': _lin(next(it), H * (C_Z + C_HID + PV * 4), C_S)}
        L['ln1'] = _ln_p(C_S)
        L['trans'] = [_lin(next(it), C_S, C_S), _lin(next(it), C_S, C_S), _lin(next(it), C_S, C_S)]
        L['trans_ln'] = _ln_p(C_S)
        L['bb'] = _lin(next(it), C_S, 6)
        L['edge_down'] = _lin(next(it), C_S, C_Z // 2)
        L['edge_mlp'] = [_lin(next(it), 2 * (C_Z // 2) + C_Z, C_Z), _lin(next(it), C_Z, C_Z)]
        L['edge_ln'] = _ln_p(C_Z)
        layers.append(L)
    p['layers'] = layers
    return p

def _apply_lin(p, x):
    return x @ p['w'] + p['b']

def _apply_ln(p, x):
    m = jnp.mean(x, -1, keepdims=True)
    v = jnp.var(x, -1, keepdims=True)
    return (x - m) / jnp.sqrt(v + 1e-5) * p['g'] + p['b']

def _quat_to_rot(q):
    q = q / jnp.linalg.norm(q, axis=-1, keepdims=True)
    w, x, y, z = q[..., 0], q[..., 1], q[..., 2], q[..., 3]
    r00 = 1 - 2 * (y * y + z * z); r01 = 2 * (x * y - w * z); r02 = 2 * (x * z + w * y)
    r10 = 2 * (x * y + w * z); r11 = 1 - 2 * (x * x + z * z); r12 = 2 * (y * z - w * x)
    r20 = 2 * (x * z - w * y); r21 = 2 * (y * z + w * x); r22 = 1 - 2 * (x * x + y * y)
    return jnp.stack([jnp.stack([r00, r01, r02], -1), jnp.stack([r10, r11, r12], -1), jnp.stack([r20, r21, r22], -1)], -2)

def _quat_mul(a, b):
    aw, ax, ay, az = a[..., 0], a[..., 1], a[..., 2], a[..., 3]
    bw, bx, by, bz = b[..., 0], b[..., 1], b[..., 2], b[..., 3]
    return jnp.stack([aw * bw - ax * bx - ay * by - az * bz,
                      aw * bx + ax * bw + ay * bz - az * by,
                      aw * by - ax * bz + ay * bw + az * bx,
                      aw * bz + ax * by - ay * bx + az * bw], -1)

def _ipa(p, s, z, edge_index, R, trans, maskf):
    n = s.shape[0]
    src, dst = edge_index[0], edge_index[1]
    q = _apply_lin(p['q'], s).reshape(n, H, C_HID)
    kv = _apply_lin(p['kv'], s).reshape(n, H, 2 * C_HID)
    k, v = kv[..., :C_HID], kv[..., C_HID:]
    qp = _apply_lin(p['q_pts'], s).reshape(n, H * PQK, 3)
    qp = jnp.einsum('nij,npj->npi', R, qp) + trans[:, None, :]
    qp = qp.reshape(n, H, PQK, 3)
    kvp = _apply_lin(p['kv_pts'], s).reshape(n, H * (PQK + PV), 3)
    kvp = jnp.einsum('nij,npj->npi', R, kvp) + trans[:, None, :]
    kvp = kvp.reshape(n, H, PQK + PV, 3)
    kp, vp = kvp[:, :, :PQK], kvp[:, :, PQK:]
    b = _apply_lin(p['b'], z)
    att = jnp.sum(q[dst] * k[src], -1) * np.sqrt(1.0 / (3 * C_HID)) + b * np.sqrt(1.0 / 3)
    hw = jax.nn.softplus(p['head_w'])
    d2 = jnp.sum(jnp.sum((qp[dst] - kp[src]) ** 2, -1), -1)
    att = att - d2 * hw[None, :] * np.sqrt(1.0 / (3 * PQK * 9.0 / 2)) * 0.5
    att = att + (maskf[src] - 1.0)[:, None] * 1e5
    amax = jax.ops.segment_max(att, dst, num_segments=n)
    amax = jnp.where(jnp.isfinite(amax), amax, 0.0)
    ex = jnp.exp(att - amax[dst])
    den = jax.ops.segment_sum(ex, dst, num_segments=n)
    a = ex / (den[dst] + 1e-9)
    o = jax.ops.segment_sum(a[..., None] * v[src], dst, num_segments=n)
    op = jax.ops.segment_sum(a[..., None, None] * vp[src], dst, num_segments=n)
    op_l = jnp.einsum('nji,nhpj->nhpi', R, op - trans[:, None, None, :])
    op_norm = jnp.sqrt(jnp.sum(op_l ** 2, -1) + 1e-8)
    oz = jax.ops.segment_sum(a[..., None] * z[:, None, :], dst, num_segments=n)
    cat = jnp.concatenate([o.reshape(n, H * C_HID), op_l.reshape(n, H * PV * 3), op_norm.reshape(n, H * PV), oz.reshape(n, H * C_Z)], -1)
    return _apply_lin(p['out'], cat)

def _forward(node_features, rigids_t, edge_features, t, noising_mask, params, edge_index, res_mask):
    n = node_features.shape[0]
    maskf = res_mask.astype(jnp.float32)
    quat = rigids_t[:, :4]
    trans = rigids_t[:, 4:]
    center = jnp.sum(trans * maskf[:, None], 0) / (jnp.sum(maskf) + 1e-9)
    trans = trans - center[None, :]
    ang = 2.0 * np.pi * t[:, None] * params['rbf_w'][None, :]
    temb = jnp.concatenate([jnp.cos(ang), jnp.sin(ang)], -1)
    h = jnp.concatenate([node_features, temb, noising_mask[:, None]], -1)
    for i, L in enumerate(params['embed_node']):
        h = _apply_lin(L, h)
        if i < 2:
            h = jax.nn.relu(h)
    s = _apply_ln(params['embed_node_ln'], h)
    e = edge_features
    for i, L in enumerate(params['embed_edge']):
        e = _apply_lin(L, e)
        if i < 2:
            e = jax.nn.relu(e)
    z = _apply_ln(params['embed_edge_ln'], e)
    src, dst = edge_index[0], edge_index[1]
    for L in params['layers']:
        R = _quat_to_rot(quat)
        upd = _ipa(L['ipa'], s, z, edge_index, R, trans, maskf) * maskf[:, None]
        s = _apply_ln(L['ln1'], s + upd)
        h2 = s
        for i, lp in enumerate(L['trans']):
            h2 = _apply_lin(lp, h2)
            if i < 2:
                h2 = jax.nn.relu(h2)
        s = _apply_ln(L['trans_ln'], s + h2)
        s = s * maskf[:, None]
        upd6 = _apply_lin(L['bb'], s * noising_mask[:, None]) * noising_mask[:, None]
        qvec = upd6[:, :3]
        tvec = upd6[:, 3:]
        new_q = jnp.concatenate([jnp.ones((n, 1), jnp.float32), qvec], -1)
        new_q = new_q / jnp.linalg.norm(new_q, axis=-1, keepdims=True)
        quat = _quat_mul(quat / jnp.linalg.norm(quat, axis=-1, keepdims=True), new_q)
        trans = trans + jnp.einsum('nij,nj->ni', R, tvec)
        hd = jax.nn.relu(_apply_lin(L['edge_down'], s))
        e_in = jnp.concatenate([hd[src], hd[dst], z], -1)
        e2 = jax.nn.relu(_apply_lin(L['edge_mlp'][0], e_in))
        e2 = _apply_lin(L['edge_mlp'][1], e2)
        z = _apply_ln(L['edge_ln'], e2)
    return s

def setup_inputs(seed: int = 0):
    key = jax.random.key(seed)
    ks = jax.random.split(key, 8)
    node_features = jax.random.normal(ks[0], (N, C_S), jnp.float32)
    rigids_t = jax.random.normal(ks[1], (N, 7), jnp.float32)
    rigids_t = rigids_t.at[:, 0].add(2.0)
    edge_features = jax.random.normal(ks[2], (E, C_Z), jnp.float32)
    t = jax.random.uniform(ks[3], (N,), jnp.float32)
    noising_mask = jnp.ones((N,), jnp.float32)
    edge_index = jax.random.randint(ks[4], (2, E), 0, N)
    res_mask = jnp.ones((N,), bool)
    params = make_params(ks[5])
    return {'node_features': node_features, 'rigids_t': rigids_t, 'edge_features': edge_features,
            't': t, 'noising_mask': noising_mask, 'params': params,
            'edge_index': edge_index, 'res_mask': res_mask}

def reference(node_features, rigids_t, edge_features, t, noising_mask, params, edge_index, res_mask):
    return _forward(node_features, rigids_t, edge_features, t, noising_mask, params, edge_index, res_mask)

if __name__ == "__main__":
    import jax
    _d = setup_inputs()
    print(jax.jit(kernel)(*tuple(_d.values())))

</pallas_src>

<mosaic_0001>
#map = affine_map<(d0, d1) -> (0, 0)>
#map1 = affine_map<(d0, d1) -> (0, 0, 0)>
module attributes {stable_mosaic.version = 14 : i64} {
  func.func @gather(%arg0: i32, %arg1: i32, %arg2: memref<10000x768xf32, #tpu.memory_space<hbm>>, %arg3: memref<32x80x64xi32, #tpu.memory_space<hbm>>, %arg4: memref<163840x768xf32, #tpu.memory_space<hbm>>, %arg5: memref<80x64xi32, #tpu.memory_space<vmem>>, %arg6: memref<2x64x768xf32, #tpu.memory_space<vmem>>, %arg7: memref<!tpu.dma_semaphore, #tpu.memory_space<semaphore_mem>>, %arg8: memref<!tpu.dma_semaphore, #tpu.memory_space<semaphore_mem>>, %arg9: memref<!tpu.dma_semaphore, #tpu.memory_space<semaphore_mem>>, %arg10: memref<!tpu.dma_semaphore, #tpu.memory_space<semaphore_mem>>) attributes {dimension_semantics = [#tpu.dimension_semantics<core_parallel>, #tpu.dimension_semantics<subcore_parallel>], iteration_bounds = array<i64: 2, 16>, scalar_prefetch = 0 : i64, scratch_operands = 6 : i64, tpu.core_type = #tpu.core_type<sc_vector_subcore>, window_params = [{transform_indices = #map}, {transform_indices = #map1}, {transform_indices = #map}]} {
    %mul3A = arith.constant 2 : i32
    %mul3A_0 = arith.muli %arg1, %mul3A : i32
    %add3A = arith.addi %mul3A_0, %arg0 : i32
    %mul3A_1 = arith.constant 5120 : i32
    %mul3A_2 = arith.muli %add3A, %mul3A_1 : i32
    "tpu.region"() ({
      %run_scoped3A = tpu.sem_alloc : memref<!tpu.dma_semaphore, #tpu.memory_space<semaphore_mem>>
      %dma_start3A_31 = arith.constant 0 : i32
      %dma_start3A_32 = arith.constant 0 : i32
      %dma_start3A_33 = tpu.memref_slice %arg3[%add3A, %dma_start3A_31, %dma_start3A_32] : memref<32x80x64xi32, #tpu.memory_space<hbm>> -> memref<1x80x64xi32, #tpu.memory_space<hbm>>
      %dma_start3A_34 = tpu.memref_squeeze %dma_start3A_33 : memref<1x80x64xi32, #tpu.memory_space<hbm>> -> memref<80x64xi32, #tpu.memory_space<hbm>>
      %dma_start3A_35 = arith.constant 0 : i32
      %dma_start3A_36 = arith.constant 0 : i32
      %dma_start3A_37 = tpu.memref_slice %arg3[%add3A, %dma_start3A_35, %dma_start3A_36] : memref<32x80x64xi32, #tpu.memory_space<hbm>> -> memref<1x80x64xi32, #tpu.memory_space<hbm>>
      %dma_start3A_38 = tpu.memref_squeeze %dma_start3A_37 : memref<1x80x64xi32, #tpu.memory_space<hbm>> -> memref<80x64xi32, #tpu.memory_space<hbm>>
      tpu.enqueue_dma source(%dma_start3A_38 : memref<80x64xi32, #tpu.memory_space<hbm>>) target(%arg5 : memref<80x64xi32, #tpu.memory_space<vmem>>) target_semaphore(%run_scoped3A : memref<!tpu.dma_semaphore, #tpu.memory_space<semaphore_mem>>)
      %dma_wait3A = arith.constant 0 : i32
      %dma_wait3A_39 = arith.constant 0 : i32
      %dma_wait3A_40 = tpu.memref_slice %arg3[%add3A, %dma_wait3A, %dma_wait3A_39] : memref<32x80x64xi32, #tpu.memory_space<hbm>> -> memref<1x80x64xi32, #tpu.memory_space<hbm>>
      %dma_wait3A_41 = tpu.memref_squeeze %dma_wait3A_40 : memref<1x80x64xi32, #tpu.memory_space<hbm>> -> memref<80x64xi32, #tpu.memory_space<hbm>>
      %dma_wait3A_42 = arith.constant 0 : i32
      %dma_wait3A_43 = arith.constant 0 : i32
      %dma_wait3A_44 = tpu.memref_slice %arg3[%add3A, %dma_wait3A_42, %dma_wait3A_43] : memref<32x80x64xi32, #tpu.memory_space<hbm>> -> memref<1x80x64xi32, #tpu.memory_space<hbm>>
      %dma_wait3A_45 = tpu.memref_squeeze %dma_wait3A_44 : memref<1x80x64xi32, #tpu.memory_space<hbm>> -> memref<80x64xi32, #tpu.memory_space<hbm>>
      tpu.wait_dma2 semaphore(%run_scoped3A : memref<!tpu.dma_semaphore, #tpu.memory_space<semaphore_mem>>) src(%dma_wait3A_45 : memref<80x64xi32, #tpu.memory_space<hbm>>) dst(%arg5 : memref<80x64xi32, #tpu.memory_space<vmem>>)
      tpu.yield
    }) : () -> ()
    %dma_start3A = arith.constant 0 : i32
    %dma_start3A_3 = arith.constant 0 : i32
    %dma_start3A_4 = arith.constant 0 : i32
    %dma_start3A_5 = arith.constant 0 : i32
    %dma_start3A_6 = tpu.memref_slice %arg6[%dma_start3A_3, %dma_start3A_4, %dma_start3A_5] : memref<2x64x768xf32, #tpu.memory_space<vmem>> -> memref<1x64x768xf32, #tpu.memory_space<vmem>>
    %dma_start3A_7 = tpu.memref_squeeze %dma_start3A_6 : memref<1x64x768xf32, #tpu.memory_space<vmem>> -> memref<64x768xf32, #tpu.memory_space<vmem>>
    %dma_start3A_8 = arith.constant 0 : i32
    %dma_start3A_9 = tpu.memref_slice %arg5[%dma_start3A, %dma_start3A_8] : memref<80x64xi32, #tpu.memory_space<vmem>> -> memref<1x64xi32, #tpu.memory_space<vmem>>
    %dma_start3A_10 = tpu.memref_squeeze %dma_start3A_9 : memref<1x64xi32, #tpu.memory_space<vmem>> -> memref<64xi32, #tpu.memory_space<vmem>>
    %dma_start3A_11 = arith.constant 0 : i32
    %dma_start3A_12 = arith.constant 0 : i32
    %dma_start3A_13 = tpu.memref_slice %arg2[%dma_start3A_11, %dma_start3A_12] : memref<10000x768xf32, #tpu.memory_space<hbm>> -> memref<10000x768xf32, #tpu.memory_space<hbm>>
    tpu.enqueue_indirect_dma source(%dma_start3A_13 : memref<10000x768xf32, #tpu.memory_space<hbm>>) target(%dma_start3A_7 : memref<64x768xf32, #tpu.memory_space<vmem>>) offsets(%dma_start3A_10 : memref<64xi32, #tpu.memory_space<vmem>>) semaphore(%arg7 : memref<!tpu.dma_semaphore, #tpu.memory_space<semaphore_mem>>)
    %dma_start3A_14 = arith.constant 1 : i32
    %dma_start3A_15 = arith.constant 1 : i32
    %dma_start3A_16 = arith.constant 0 : i32
    %dma_start3A_17 = arith.constant 0 : i32
    %dma_start3A_18 = tpu.memref_slice %arg6[%dma_start3A_15, %dma_start3A_16, %dma_start3A_17] : memref<2x64x768xf32, #tpu.memory_space<vmem>> -> memref<1x64x768xf32, #tpu.memory_space<vmem>>
    %dma_start3A_19 = tpu.memref_squeeze %dma_start3A_18 : memref<1x64x768xf32, #tpu.memory_space<vmem>> -> memref<64x768xf32, #tpu.memory_space<vmem>>
    %dma_start3A_20 = arith.constant 0 : i32
    %dma_start3A_21 = tpu.memref_slice %arg5[%dma_start3A_14, %dma_start3A_20] : memref<80x64xi32, #tpu.memory_space<vmem>> -> memref<1x64xi32, #tpu.memory_space<vmem>>
    %dma_start3A_22 = tpu.memref_squeeze %dma_start3A_21 : memref<1x64xi32, #tpu.memory_space<vmem>> -> memref<64xi32, #tpu.memory_space<vmem>>
    %dma_start3A_23 = arith.constant 0 : i32
    %dma_start3A_24 = arith.constant 0 : i32
    %dma_start3A_25 = tpu.memref_slice %arg2[%dma_start3A_23, %dma_start3A_24] : memref<10000x768xf32, #tpu.memory_space<hbm>> -> memref<10000x768xf32, #tpu.memory_space<hbm>>
    tpu.enqueue_indirect_dma source(%dma_start3A_25 : memref<10000x768xf32, #tpu.memory_space<hbm>>) target(%dma_start3A_19 : memref<64x768xf32, #tpu.memory_space<vmem>>) offsets(%dma_start3A_22 : memref<64xi32, #tpu.memory_space<vmem>>) semaphore(%arg8 : memref<!tpu.dma_semaphore, #tpu.memory_space<semaphore_mem>>)
    %scan3A = arith.constant 0 : i32
    %scan3A_26 = arith.constant 0 : i32
    %scan3A_27 = arith.constant 40 : i32
    %scan3A_28 = arith.addi %scan3A_26, %scan3A_27 : i32
    %scan3A_29 = arith.constant 1 : i32
    scf.for %scan3A_31 = %scan3A_26 to %scan3A_28 step %scan3A_29  : i32 {
      %mul3A_32 = arith.constant 2 : i32
      %mul3A_33 = arith.muli %mul3A_32, %scan3A_31 : i32
      %dma_wait3A = arith.constant 0 : i32
      %dma_wait3A_34 = arith.constant 0 : i32
      %dma_wait3A_35 = arith.constant 0 : i32
      %dma_wait3A_36 = tpu.memref_slice %arg6[%dma_wait3A, %dma_wait3A_34, %dma_wait3A_35] : memref<2x64x768xf32, #tpu.memory_space<vmem>> -> memref<1x64x768xf32, #tpu.memory_space<vmem>>
      %dma_wait3A_37 = tpu.memref_squeeze %dma_wait3A_36 : memref<1x64x768xf32, #tpu.memory_space<vmem>> -> memref<64x768xf32, #tpu.memory_space<vmem>>
      %dma_wait3A_38 = arith.constant 0 : i32
      %dma_wait3A_39 = tpu.memref_slice %arg5[%mul3A_33, %dma_wait3A_38] : memref<80x64xi32, #tpu.memory_space<vmem>> -> memref<1x64xi32, #tpu.memory_space<vmem>>
      %dma_wait3A_40 = tpu.memref_squeeze %dma_wait3A_39 : memref<1x64xi32, #tpu.memory_space<vmem>> -> memref<64xi32, #tpu.memory_space<vmem>>
      %dma_wait3A_41 = arith.constant 0 : i32
      %dma_wait3A_42 = arith.constant 0 : i32
      %dma_wait3A_43 = tpu.memref_slice %arg2[%dma_wait3A_41, %dma_wait3A_42] : memref<10000x768xf32, #tpu.memory_space<hbm>> -> memref<10000x768xf32, #tpu.memory_space<hbm>>
      tpu.wait_indirect_dma semaphore(%arg7 : memref<!tpu.dma_semaphore, #tpu.memory_space<semaphore_mem>>) src(%dma_wait3A_43 : memref<10000x768xf32, #tpu.memory_space<hbm>>) dst(%dma_wait3A_37 : memref<64x768xf32, #tpu.memory_space<vmem>>)
      %mul3A_44 = arith.constant 64 : i32
      %mul3A_45 = arith.muli %mul3A_33, %mul3A_44 : i32
      %add3A_46 = arith.addi %mul3A_2, %mul3A_45 : i32
      %dma_start3A_47 = arith.constant 0 : i32
      %dma_start3A_48 = arith.constant 0 : i32
      %dma_start3A_49 = arith.constant 0 : i32
      %dma_start3A_50 = tpu.memref_slice %arg6[%dma_start3A_47, %dma_start3A_48, %dma_start3A_49] : memref<2x64x768xf32, #tpu.memory_space<vmem>> -> memref<1x64x768xf32, #tpu.memory_space<vmem>>
      %dma_start3A_51 = tpu.memref_squeeze %dma_start3A_50 : memref<1x64x768xf32, #tpu.memory_space<vmem>> -> memref<64x768xf32, #tpu.memory_space<vmem>>
      %dma_start3A_52 = arith.constant 0 : i32
      %dma_start3A_53 = tpu.memref_slice %arg4[%add3A_46, %dma_start3A_52] : memref<163840x768xf32, #tpu.memory_space<hbm>> -> memref<64x768xf32, #tpu.memory_space<hbm>>
      %dma_start3A_54 = arith.constant 0 : i32
      %dma_start3A_55 = tpu.memref_slice %arg4[%add3A_46, %dma_start3A_54] : memref<163840x768xf32, #tpu.memory_space<hbm>> -> memref<64x768xf32, #tpu.memory_space<hbm>>
      %dma_start3A_56 = arith.constant 0 : i32
      %dma_start3A_57 = arith.constant 0 : i32
      %dma_start3A_58 = tpu.memref_slice %arg6[%dma_start3A_47, %dma_start3A_56, %dma_start3A_57] : memref<2x64x768xf32, #tpu.memory_space<vmem>> -> memref<1x64x768xf32, #tpu.memory_space<vmem>>
      %dma_start3A_59 = tpu.memref_squeeze %dma_start3A_58 : memref<1x64x768xf32, #tpu.memory_space<vmem>> -> memref<64x768xf32, #tpu.memory_space<vmem>>
      tpu.enqueue_dma source(%dma_start3A_59 : memref<64x768xf32, #tpu.memory_space<vmem>>) target(%dma_start3A_55 : memref<64x768xf32, #tpu.memory_space<hbm>>) target_semaphore(%arg9 : memref<!tpu.dma_semaphore, #tpu.memory_space<semaphore_mem>>)
      %add3A_60 = arith.constant 1 : i32
      %add3A_61 = arith.addi %mul3A_33, %add3A_60 : i32
      %dma_wait3A_62 = arith.constant 1 : i32
      %dma_wait3A_63 = arith.constant 0 : i32
      %dma_wait3A_64 = arith.constant 0 : i32
      %dma_wait3A_65 = tpu.memref_slice %arg6[%dma_wait3A_62, %dma_wait3A_63, %dma_wait3A_64] : memref<2x64x768xf32, #tpu.memory_space<vmem>> -> memref<1x64x768xf32, #tpu.memory_space<vmem>>
      %dma_wait3A_66 = tpu.memref_squeeze %dma_wait3A_65 : memref<1x64x768xf32, #tpu.memory_space<vmem>> -> memref<64x768xf32, #tpu.memory_space<vmem>>
      %dma_wait3A_67 = arith.constant 0 : i32
      %dma_wait3A_68 = tpu.memref_slice %arg5[%add3A_61, %dma_wait3A_67] : memref<80x64xi32, #tpu.memory_space<vmem>> -> memref<1x64xi32, #tpu.memory_space<vmem>>
      %dma_wait3A_69 = tpu.memref_squeeze %dma_wait3A_68 : memref<1x64xi32, #tpu.memory_space<vmem>> -> memref<64xi32, #tpu.memory_space<vmem>>
      %dma_wait3A_70 = arith.constant 0 : i32
      %dma_wait3A_71 = arith.constant 0 : i32
      %dma_wait3A_72 = tpu.memref_slice %arg2[%dma_wait3A_70, %dma_wait3A_71] : memref<10000x768xf32, #tpu.memory_space<hbm>> -> memref<10000x768xf32, #tpu.memory_space<hbm>>
      tpu.wait_indirect_dma semaphore(%arg8 : memref<!tpu.dma_semaphore, #tpu.memory_space<semaphore_mem>>) src(%dma_wait3A_72 : memref<10000x768xf32, #tpu.memory_space<hbm>>) dst(%dma_wait3A_66 : memref<64x768xf32, #tpu.memory_space<vmem>>)
      %add3A_73 = arith.constant 1 : i32
      %add3A_74 = arith.addi %mul3A_33, %add3A_73 : i32
      %mul3A_75 = arith.constant 64 : i32
      %mul3A_76 = arith.muli %add3A_74, %mul3A_75 : i32
      %add3A_77 = arith.addi %mul3A_2, %mul3A_76 : i32
      %dma_start3A_78 = arith.constant 1 : i32
      %dma_start3A_79 = arith.constant 0 : i32
      %dma_start3A_80 = arith.constant 0 : i32
      %dma_start3A_81 = tpu.memref_slice %arg6[%dma_start3A_78, %dma_start3A_79, %dma_start3A_80] : memref<2x64x768xf32, #tpu.memory_space<vmem>> -> memref<1x64x768xf32, #tpu.memory_space<vmem>>
      %dma_start3A_82 = tpu.memref_squeeze %dma_start3A_81 : memref<1x64x768xf32, #tpu.memory_space<vmem>> -> memref<64x768xf32, #tpu.memory_space<vmem>>
      %dma_start3A_83 = arith.constant 0 : i32
      %dma_start3A_84 = tpu.memref_slice %arg4[%add3A_77, %dma_start3A_83] : memref<163840x768xf32, #tpu.memory_space<hbm>> -> memref<64x768xf32, #tpu.memory_space<hbm>>
      %dma_start3A_85 = arith.constant 0 : i32
      %dma_start3A_86 = tpu.memref_slice %arg4[%add3A_77, %dma_start3A_85] : memref<163840x768xf32, #tpu.memory_space<hbm>> -> memref<64x768xf32, #tpu.memory_space<hbm>>
      %dma_start3A_87 = arith.constant 0 : i32
      %dma_start3A_88 = arith.constant 0 : i32
      %dma_start3A_89 = tpu.memref_slice %arg6[%dma_start3A_78, %dma_start3A_87, %dma_start3A_88] : memref<2x64x768xf32, #tpu.memory_space<vmem>> -> memref<1x64x768xf32, #tpu.memory_space<vmem>>
      %dma_start3A_90 = tpu.memref_squeeze %dma_start3A_89 : memref<1x64x768xf32, #tpu.memory_space<vmem>> -> memref<64x768xf32, #tpu.memory_space<vmem>>
      tpu.enqueue_dma source(%dma_start3A_90 : memref<64x768xf32, #tpu.memory_space<vmem>>) target(%dma_start3A_86 : memref<64x768xf32, #tpu.memory_space<hbm>>) target_semaphore(%arg10 : memref<!tpu.dma_semaphore, #tpu.memory_space<semaphore_mem>>)
      %add3A_91 = arith.constant 2 : i32
      %add3A_92 = arith.addi %mul3A_33, %add3A_91 : i32
      %lt3A = arith.constant 80 : i32
      %lt3A_93 = arith.cmpi slt, %add3A_92, %lt3A : i32
      %convert_element_type3A = arith.extui %lt3A_93 : i1 to i32
      %cond3A = arith.constant 0 : i32
      %cond3A_94 = arith.cmpi ne, %convert_element_type3A, %cond3A : i32
      scf.if %cond3A_94 {
        %mul3A_115 = arith.constant 64 : i32
        %mul3A_116 = arith.muli %mul3A_33, %mul3A_115 : i32
        %add3A_117 = arith.addi %mul3A_2, %mul3A_116 : i32
        %dma_wait3A_118 = arith.constant 0 : i32
        %dma_wait3A_119 = arith.constant 0 : i32
        %dma_wait3A_120 = arith.constant 0 : i32
        %dma_wait3A_121 = tpu.memref_slice %arg6[%dma_wait3A_118, %dma_wait3A_119, %dma_wait3A_120] : memref<2x64x768xf32, #tpu.memory_space<vmem>> -> memref<1x64x768xf32, #tpu.memory_space<vmem>>
        %dma_wait3A_122 = tpu.memref_squeeze %dma_wait3A_121 : memref<1x64x768xf32, #tpu.memory_space<vmem>> -> memref<64x768xf32, #tpu.memory_space<vmem>>
        %dma_wait3A_123 = arith.constant 0 : i32
        %dma_wait3A_124 = tpu.memref_slice %arg4[%add3A_117, %dma_wait3A_123] : memref<163840x768xf32, #tpu.memory_space<hbm>> -> memref<64x768xf32, #tpu.memory_space<hbm>>
        %dma_wait3A_125 = arith.constant 0 : i32
        %dma_wait3A_126 = tpu.memref_slice %arg4[%add3A_117, %dma_wait3A_125] : memref<163840x768xf32, #tpu.memory_space<hbm>> -> memref<64x768xf32, #tpu.memory_space<hbm>>
        %dma_wait3A_127 = arith.constant 0 : i32
        %dma_wait3A_128 = arith.constant 0 : i32
        %dma_wait3A_129 = tpu.memref_slice %arg6[%dma_wait3A_118, %dma_wait3A_127, %dma_wait3A_128] : memref<2x64x768xf32, #tpu.memory_space<vmem>> -> memref<1x64x768xf32, #tpu.memory_space<vmem>>
        %dma_wait3A_130 = tpu.memref_squeeze %dma_wait3A_129 : memref<1x64x768xf32, #tpu.memory_space<vmem>> -> memref<64x768xf32, #tpu.memory_space<vmem>>
        tpu.wait_dma2 semaphore(%arg9 : memref<!tpu.dma_semaphore, #tpu.memory_space<semaphore_mem>>) src(%dma_wait3A_130 : memref<64x768xf32, #tpu.memory_space<vmem>>) dst(%dma_wait3A_126 : memref<64x768xf32, #tpu.memory_space<hbm>>)
        %add3A_131 = arith.constant 2 : i32
        %add3A_132 = arith.addi %mul3A_33, %add3A_131 : i32
        %dma_start3A_133 = arith.constant 0 : i32
        %dma_start3A_134 = arith.constant 0 : i32
        %dma_start3A_135 = arith.constant 0 : i32
        %dma_start3A_136 = tpu.memref_slice %arg6[%dma_start3A_133, %dma_start3A_134, %dma_start3A_135] : memref<2x64x768xf32, #tpu.memory_space<vmem>> -> memref<1x64x768xf32, #tpu.memory_space<vmem>>
        %dma_start3A_137 = tpu.memref_squeeze %dma_start3A_136 : memref<1x64x768xf32, #tpu.memory_space<vmem>> -> memref<64x768xf32, #tpu.memory_space<vmem>>
        %dma_start3A_138 = arith.constant 0 : i32
        %dma_start3A_139 = tpu.memref_slice %arg5[%add3A_132, %dma_start3A_138] : memref<80x64xi32, #tpu.memory_space<vmem>> -> memref<1x64xi32, #tpu.memory_space<vmem>>
        %dma_start3A_140 = tpu.memref_squeeze %dma_start3A_139 : memref<1x64xi32, #tpu.memory_space<vmem>> -> memref<64xi32, #tpu.memory_space<vmem>>
        %dma_start3A_141 = arith.constant 0 : i32
        %dma_start3A_142 = arith.constant 0 : i32
        %dma_start3A_143 = tpu.memref_slice %arg2[%dma_start3A_141, %dma_start3A_142] : memref<10000x768xf32, #tpu.memory_space<hbm>> -> memref<10000x768xf32, #tpu.memory_space<hbm>>
        tpu.enqueue_indirect_dma source(%dma_start3A_143 : memref<10000x768xf32, #tpu.memory_space<hbm>>) target(%dma_start3A_137 : memref<64x768xf32, #tpu.memory_space<vmem>>) offsets(%dma_start3A_140 : memref<64xi32, #tpu.memory_space<vmem>>) semaphore(%arg7 : memref<!tpu.dma_semaphore, #tpu.memory_space<semaphore_mem>>)
      } else {
      }
      %add3A_95 = arith.constant 3 : i32
      %add3A_96 = arith.addi %mul3A_33, %add3A_95 : i32
      %lt3A_97 = arith.constant 80 : i32
      %lt3A_98 = arith.cmpi slt, %add3A_96, %lt3A_97 : i32
      %convert_element_type3A_99 = arith.extui %lt3A_98 : i1 to i32
      %cond3A_100 = arith.constant 0 : i32
      %cond3A_101 = arith.cmpi ne, %convert_element_type3A_99, %cond3A_100 : i32
      scf.if %cond3A_101 {
        %add3A_115 = arith.constant 1 : i32
        %add3A_116 = arith.addi %mul3A_33, %add3A_115 : i32
        %mul3A_117 = arith.constant 64 : i32
        %mul3A_118 = arith.muli %add3A_116, %mul3A_117 : i32
        %add3A_119 = arith.addi %mul3A_2, %mul3A_118 : i32
        %dma_wait3A_120 = arith.constant 1 : i32
        %dma_wait3A_121 = arith.constant 0 : i32
        %dma_wait3A_122 = arith.constant 0 : i32
        %dma_wait3A_123 = tpu.memref_slice %arg6[%dma_wait3A_120, %dma_wait3A_121, %dma_wait3A_122] : memref<2x64x768xf32, #tpu.memory_space<vmem>> -> memref<1x64x768xf32, #tpu.memory_space<vmem>>
        %dma_wait3A_124 = tpu.memref_squeeze %dma_wait3A_123 : memref<1x64x768xf32, #tpu.memory_space<vmem>> -> memref<64x768xf32, #tpu.memory_space<vmem>>
        %dma_wait3A_125 = arith.constant 0 : i32
        %dma_wait3A_126 = tpu.memref_slice %arg4[%add3A_119, %dma_wait3A_125] : memref<163840x768xf32, #tpu.memory_space<hbm>> -> memref<64x768xf32, #tpu.memory_space<hbm>>
        %dma_wait3A_127 = arith.constant 0 : i32
        %dma_wait3A_128 = tpu.memref_slice %arg4[%add3A_119, %dma_wait3A_127] : memref<163840x768xf32, #tpu.memory_space<hbm>> -> memref<64x768xf32, #tpu.memory_space<hbm>>
        %dma_wait3A_129 = arith.constant 0 : i32
        %dma_wait3A_130 = arith.constant 0 : i32
        %dma_wait3A_131 = tpu.memref_slice %arg6[%dma_wait3A_120, %dma_wait3A_129, %dma_wait3A_130] : memref<2x64x768xf32, #tpu.memory_space<vmem>> -> memref<1x64x768xf32, #tpu.memory_space<vmem>>
        %dma_wait3A_132 = tpu.memref_squeeze %dma_wait3A_131 : memref<1x64x768xf32, #tpu.memory_space<vmem>> -> memref<64x768xf32, #tpu.memory_space<vmem>>
        tpu.wait_dma2 semaphore(%arg10 : memref<!tpu.dma_semaphore, #tpu.memory_space<semaphore_mem>>) src(%dma_wait3A_132 : memref<64x768xf32, #tpu.memory_space<vmem>>) dst(%dma_wait3A_128 : memref<64x768xf32, #tpu.memory_space<hbm>>)
        %add3A_133 = arith.constant 3 : i32
        %add3A_134 = arith.addi %mul3A_33, %add3A_133 : i32
        %dma_start3A_135 = arith.constant 1 : i32
        %dma_start3A_136 = arith.constant 0 : i32
        %dma_start3A_137 = arith.constant 0 : i32
        %dma_start3A_138 = tpu.memref_slice %arg6[%dma_start3A_135, %dma_start3A_136, %dma_start3A_137] : memref<2x64x768xf32, #tpu.memory_space<vmem>> -> memref<1x64x768xf32, #tpu.memory_space<vmem>>
        %dma_start3A_139 = tpu.memref_squeeze %dma_start3A_138 : memref<1x64x768xf32, #tpu.memory_space<vmem>> -> memref<64x768xf32, #tpu.memory_space<vmem>>
        %dma_start3A_140 = arith.constant 0 : i32
        %dma_start3A_141 = tpu.memref_slice %arg5[%add3A_134, %dma_start3A_140] : memref<80x64xi32, #tpu.memory_space<vmem>> -> memref<1x64xi32, #tpu.memory_space<vmem>>
        %dma_start3A_142 = tpu.memref_squeeze %dma_start3A_141 : memref<1x64xi32, #tpu.memory_space<vmem>> -> memref<64xi32, #tpu.memory_space<vmem>>
        %dma_start3A_143 = arith.constant 0 : i32
        %dma_start3A_144 = arith.constant 0 : i32
        %dma_start3A_145 = tpu.memref_slice %arg2[%dma_start3A_143, %dma_start3A_144] : memref<10000x768xf32, #tpu.memory_space<hbm>> -> memref<10000x768xf32, #tpu.memory_space<hbm>>
        tpu.enqueue_indirect_dma source(%dma_start3A_145 : memref<10000x768xf32, #tpu.memory_space<hbm>>) target(%dma_start3A_139 : memref<64x768xf32, #tpu.memory_space<vmem>>) offsets(%dma_start3A_142 : memref<64xi32, #tpu.memory_space<vmem>>) semaphore(%arg8 : memref<!tpu.dma_semaphore, #tpu.memory_space<semaphore_mem>>)
      } else {
      }
      %add3A_102 = arith.constant 2 : i32
      %add3A_103 = arith.addi %mul3A_33, %add3A_102 : i32
      %ge3A = arith.constant 80 : i32
      %ge3A_104 = arith.cmpi sge, %add3A_103, %ge3A : i32
      %convert_element_type3A_105 = arith.extui %ge3A_104 : i1 to i32
      %cond3A_106 = arith.constant 0 : i32
      %cond3A_107 = arith.cmpi ne, %convert_element_type3A_105, %cond3A_106 : i32
      scf.if %cond3A_107 {
        %mul3A_115 = arith.constant 64 : i32
        %mul3A_116 = arith.muli %mul3A_33, %mul3A_115 : i32
        %add3A_117 = arith.addi %mul3A_2, %mul3A_116 : i32
        %dma_wait3A_118 = arith.constant 0 : i32
        %dma_wait3A_119 = arith.constant 0 : i32
        %dma_wait3A_120 = arith.constant 0 : i32
        %dma_wait3A_121 = tpu.memref_slice %arg6[%dma_wait3A_118, %dma_wait3A_119, %dma_wait3A_120] : memref<2x64x768xf32, #tpu.memory_space<vmem>> -> memref<1x64x768xf32, #tpu.memory_space<vmem>>
        %dma_wait3A_122 = tpu.memref_squeeze %dma_wait3A_121 : memref<1x64x768xf32, #tpu.memory_space<vmem>> -> memref<64x768xf32, #tpu.memory_space<vmem>>
        %dma_wait3A_123 = arith.constant 0 : i32
        %dma_wait3A_124 = tpu.memref_slice %arg4[%add3A_117, %dma_wait3A_123] : memref<163840x768xf32, #tpu.memory_space<hbm>> -> memref<64x768xf32, #tpu.memory_space<hbm>>
        %dma_wait3A_125 = arith.constant 0 : i32
        %dma_wait3A_126 = tpu.memref_slice %arg4[%add3A_117, %dma_wait3A_125] : memref<163840x768xf32, #tpu.memory_space<hbm>> -> memref<64x768xf32, #tpu.memory_space<hbm>>
        %dma_wait3A_127 = arith.constant 0 : i32
        %dma_wait3A_128 = arith.constant 0 : i32
        %dma_wait3A_129 = tpu.memref_slice %arg6[%dma_wait3A_118, %dma_wait3A_127, %dma_wait3A_128] : memref<2x64x768xf32, #tpu.memory_space<vmem>> -> memref<1x64x768xf32, #tpu.memory_space<vmem>>
        %dma_wait3A_130 = tpu.memref_squeeze %dma_wait3A_129 : memref<1x64x768xf32, #tpu.memory_space<vmem>> -> memref<64x768xf32, #tpu.memory_space<vmem>>
        tpu.wait_dma2 semaphore(%arg9 : memref<!tpu.dma_semaphore, #tpu.memory_space<semaphore_mem>>) src(%dma_wait3A_130 : memref<64x768xf32, #tpu.memory_space<vmem>>) dst(%dma_wait3A_126 : memref<64x768xf32, #tpu.memory_space<hbm>>)
      } else {
      }
      %add3A_108 = arith.constant 3 : i32
      %add3A_109 = arith.addi %mul3A_33, %add3A_108 : i32
      %ge3A_110 = arith.constant 80 : i32
      %ge3A_111 = arith.cmpi sge, %add3A_109, %ge3A_110 : i32
      %convert_element_type3A_112 = arith.extui %ge3A_111 : i1 to i32
      %cond3A_113 = arith.constant 0 : i32
      %cond3A_114 = arith.cmpi ne, %convert_element_type3A_112, %cond3A_113 : i32
      scf.if %cond3A_114 {
        %add3A_115 = arith.constant 1 : i32
        %add3A_116 = arith.addi %mul3A_33, %add3A_115 : i32
        %mul3A_117 = arith.constant 64 : i32
        %mul3A_118 = arith.muli %add3A_116, %mul3A_117 : i32
        %add3A_119 = arith.addi %mul3A_2, %mul3A_118 : i32
        %dma_wait3A_120 = arith.constant 1 : i32
        %dma_wait3A_121 = arith.constant 0 : i32
        %dma_wait3A_122 = arith.constant 0 : i32
        %dma_wait3A_123 = tpu.memref_slice %arg6[%dma_wait3A_120, %dma_wait3A_121, %dma_wait3A_122] : memref<2x64x768xf32, #tpu.memory_space<vmem>> -> memref<1x64x768xf32, #tpu.memory_space<vmem>>
        %dma_wait3A_124 = tpu.memref_squeeze %dma_wait3A_123 : memref<1x64x768xf32, #tpu.memory_space<vmem>> -> memref<64x768xf32, #tpu.memory_space<vmem>>
        %dma_wait3A_125 = arith.constant 0 : i32
        %dma_wait3A_126 = tpu.memref_slice %arg4[%add3A_119, %dma_wait3A_125] : memref<163840x768xf32, #tpu.memory_space<hbm>> -> memref<64x768xf32, #tpu.memory_space<hbm>>
        %dma_wait3A_127 = arith.constant 0 : i32
        %dma_wait3A_128 = tpu.memref_slice %arg4[%add3A_119, %dma_wait3A_127] : memref<163840x768xf32, #tpu.memory_space<hbm>> -> memref<64x768xf32, #tpu.memory_space<hbm>>
        %dma_wait3A_129 = arith.constant 0 : i32
        %dma_wait3A_130 = arith.constant 0 : i32
        %dma_wait3A_131 = tpu.memref_slice %arg6[%dma_wait3A_120, %dma_wait3A_129, %dma_wait3A_130] : memref<2x64x768xf32, #tpu.memory_space<vmem>> -> memref<1x64x768xf32, #tpu.memory_space<vmem>>
        %dma_wait3A_132 = tpu.memref_squeeze %dma_wait3A_131 : memref<1x64x768xf32, #tpu.memory_space<vmem>> -> memref<64x768xf32, #tpu.memory_space<vmem>>
        tpu.wait_dma2 semaphore(%arg10 : memref<!tpu.dma_semaphore, #tpu.memory_space<semaphore_mem>>) src(%dma_wait3A_132 : memref<64x768xf32, #tpu.memory_space<vmem>>) dst(%dma_wait3A_128 : memref<64x768xf32, #tpu.memory_space<hbm>>)
      } else {
      }
    }
    %scan3A_30 = arith.constant 40 : i32
    return
  }
}

#map = affine_map<(d0, d1) -> (0, 0)>
#map1 = affine_map<(d0, d1) -> (0, 0, 0)>
module attributes {stable_mosaic.version = 14 : i64} {
  func.func @gather(%arg0: i32, %arg1: i32, %arg2: memref<10000x768xf32, #tpu.memory_space<hbm>>, %arg3: memref<32x80x64xi32, #tpu.memory_space<hbm>>, %arg4: memref<163840x768xf32, #tpu.memory_space<hbm>>, %arg5: memref<80x64xi32, #tpu.memory_space<vmem>>, %arg6: memref<2x64x768xf32, #tpu.memory_space<vmem>>, %arg7: memref<!tpu.dma_semaphore, #tpu.memory_space<semaphore_mem>>, %arg8: memref<!tpu.dma_semaphore, #tpu.memory_space<semaphore_mem>>, %arg9: memref<!tpu.dma_semaphore, #tpu.memory_space<semaphore_mem>>, %arg10: memref<!tpu.dma_semaphore, #tpu.memory_space<semaphore_mem>>) attributes {dimension_semantics = [#tpu.dimension_semantics<core_parallel>, #tpu.dimension_semantics<subcore_parallel>], iteration_bounds = array<i64: 2, 16>, scalar_prefetch = 0 : i64, scratch_operands = 6 : i64, tpu.core_type = #tpu.core_type<sc_vector_subcore>, window_params = [{transform_indices = #map}, {transform_indices = #map1}, {transform_indices = #map}]} {
    %mul3A = arith.constant 2 : i32
    %mul3A_0 = arith.muli %arg1, %mul3A : i32
    %add3A = arith.addi %mul3A_0, %arg0 : i32
    %mul3A_1 = arith.constant 5120 : i32
    %mul3A_2 = arith.muli %add3A, %mul3A_1 : i32
    "tpu.region"() ({
      %run_scoped3A = tpu.sem_alloc : memref<!tpu.dma_semaphore, #tpu.memory_space<semaphore_mem>>
      %dma_start3A_31 = arith.constant 0 : i32
      %dma_start3A_32 = arith.constant 0 : i32
      %dma_start3A_33 = tpu.memref_slice %arg3[%add3A, %dma_start3A_31, %dma_start3A_32] : memref<32x80x64xi32, #tpu.memory_space<hbm>> -> memref<1x80x64xi32, #tpu.memory_space<hbm>>
      %dma_start3A_34 = tpu.memref_squeeze %dma_start3A_33 : memref<1x80x64xi32, #tpu.memory_space<hbm>> -> memref<80x64xi32, #tpu.memory_space<hbm>>
      %dma_start3A_35 = arith.constant 0 : i32
      %dma_start3A_36 = arith.constant 0 : i32
      %dma_start3A_37 = tpu.memref_slice %arg3[%add3A, %dma_start3A_35, %dma_start3A_36] : memref<32x80x64xi32, #tpu.memory_space<hbm>> -> memref<1x80x64xi32, #tpu.memory_space<hbm>>
      %dma_start3A_38 = tpu.memref_squeeze %dma_start3A_37 : memref<1x80x64xi32, #tpu.memory_space<hbm>> -> memref<80x64xi32, #tpu.memory_space<hbm>>
      tpu.enqueue_dma source(%dma_start3A_38 : memref<80x64xi32, #tpu.memory_space<hbm>>) target(%arg5 : memref<80x64xi32, #tpu.memory_space<vmem>>) target_semaphore(%run_scoped3A : memref<!tpu.dma_semaphore, #tpu.memory_space<semaphore_mem>>)
      %dma_wait3A = arith.constant 0 : i32
      %dma_wait3A_39 = arith.constant 0 : i32
      %dma_wait3A_40 = tpu.memref_slice %arg3[%add3A, %dma_wait3A, %dma_wait3A_39] : memref<32x80x64xi32, #tpu.memory_space<hbm>> -> memref<1x80x64xi32, #tpu.memory_space<hbm>>
      %dma_wait3A_41 = tpu.memref_squeeze %dma_wait3A_40 : memref<1x80x64xi32, #tpu.memory_space<hbm>> -> memref<80x64xi32, #tpu.memory_space<hbm>>
      %dma_wait3A_42 = arith.constant 0 : i32
      %dma_wait3A_43 = arith.constant 0 : i32
      %dma_wait3A_44 = tpu.memref_slice %arg3[%add3A, %dma_wait3A_42, %dma_wait3A_43] : memref<32x80x64xi32, #tpu.memory_space<hbm>> -> memref<1x80x64xi32, #tpu.memory_space<hbm>>
      %dma_wait3A_45 = tpu.memref_squeeze %dma_wait3A_44 : memref<1x80x64xi32, #tpu.memory_space<hbm>> -> memref<80x64xi32, #tpu.memory_space<hbm>>
      tpu.wait_dma2 semaphore(%run_scoped3A : memref<!tpu.dma_semaphore, #tpu.memory_space<semaphore_mem>>) src(%dma_wait3A_45 : memref<80x64xi32, #tpu.memory_space<hbm>>) dst(%arg5 : memref<80x64xi32, #tpu.memory_space<vmem>>)
      tpu.yield
    }) : () -> ()
    %dma_start3A = arith.constant 0 : i32
    %dma_start3A_3 = arith.constant 0 : i32
    %dma_start3A_4 = arith.constant 0 : i32
    %dma_start3A_5 = arith.constant 0 : i32
    %dma_start3A_6 = tpu.memref_slice %arg6[%dma_start3A_3, %dma_start3A_4, %dma_start3A_5] : memref<2x64x768xf32, #tpu.memory_space<vmem>> -> memref<1x64x768xf32, #tpu.memory_space<vmem>>
    %dma_start3A_7 = tpu.memref_squeeze %dma_start3A_6 : memref<1x64x768xf32, #tpu.memory_space<vmem>> -> memref<64x768xf32, #tpu.memory_space<vmem>>
    %dma_start3A_8 = arith.constant 0 : i32
    %dma_start3A_9 = tpu.memref_slice %arg5[%dma_start3A, %dma_start3A_8] : memref<80x64xi32, #tpu.memory_space<vmem>> -> memref<1x64xi32, #tpu.memory_space<vmem>>
    %dma_start3A_10 = tpu.memref_squeeze %dma_start3A_9 : memref<1x64xi32, #tpu.memory_space<vmem>> -> memref<64xi32, #tpu.memory_space<vmem>>
    %dma_start3A_11 = arith.constant 0 : i32
    %dma_start3A_12 = arith.constant 0 : i32
    %dma_start3A_13 = tpu.memref_slice %arg2[%dma_start3A_11, %dma_start3A_12] : memref<10000x768xf32, #tpu.memory_space<hbm>> -> memref<10000x768xf32, #tpu.memory_space<hbm>>
    tpu.enqueue_indirect_dma source(%dma_start3A_13 : memref<10000x768xf32, #tpu.memory_space<hbm>>) target(%dma_start3A_7 : memref<64x768xf32, #tpu.memory_space<vmem>>) offsets(%dma_start3A_10 : memref<64xi32, #tpu.memory_space<vmem>>) semaphore(%arg7 : memref<!tpu.dma_semaphore, #tpu.memory_space<semaphore_mem>>)
    %dma_start3A_14 = arith.constant 1 : i32
    %dma_start3A_15 = arith.constant 1 : i32
    %dma_start3A_16 = arith.constant 0 : i32
    %dma_start3A_17 = arith.constant 0 : i32
    %dma_start3A_18 = tpu.memref_slice %arg6[%dma_start3A_15, %dma_start3A_16, %dma_start3A_17] : memref<2x64x768xf32, #tpu.memory_space<vmem>> -> memref<1x64x768xf32, #tpu.memory_space<vmem>>
    %dma_start3A_19 = tpu.memref_squeeze %dma_start3A_18 : memref<1x64x768xf32, #tpu.memory_space<vmem>> -> memref<64x768xf32, #tpu.memory_space<vmem>>
    %dma_start3A_20 = arith.constant 0 : i32
    %dma_start3A_21 = tpu.memref_slice %arg5[%dma_start3A_14, %dma_start3A_20] : memref<80x64xi32, #tpu.memory_space<vmem>> -> memref<1x64xi32, #tpu.memory_space<vmem>>
    %dma_start3A_22 = tpu.memref_squeeze %dma_start3A_21 : memref<1x64xi32, #tpu.memory_space<vmem>> -> memref<64xi32, #tpu.memory_space<vmem>>
    %dma_start3A_23 = arith.constant 0 : i32
    %dma_start3A_24 = arith.constant 0 : i32
    %dma_start3A_25 = tpu.memref_slice %arg2[%dma_start3A_23, %dma_start3A_24] : memref<10000x768xf32, #tpu.memory_space<hbm>> -> memref<10000x768xf32, #tpu.memory_space<hbm>>
    tpu.enqueue_indirect_dma source(%dma_start3A_25 : memref<10000x768xf32, #tpu.memory_space<hbm>>) target(%dma_start3A_19 : memref<64x768xf32, #tpu.memory_space<vmem>>) offsets(%dma_start3A_22 : memref<64xi32, #tpu.memory_space<vmem>>) semaphore(%arg8 : memref<!tpu.dma_semaphore, #tpu.memory_space<semaphore_mem>>)
    %scan3A = arith.constant 0 : i32
    %scan3A_26 = arith.constant 0 : i32
    %scan3A_27 = arith.constant 40 : i32
    %scan3A_28 = arith.addi %scan3A_26, %scan3A_27 : i32
    %scan3A_29 = arith.constant 1 : i32
    scf.for %scan3A_31 = %scan3A_26 to %scan3A_28 step %scan3A_29  : i32 {
      %mul3A_32 = arith.constant 2 : i32
      %mul3A_33 = arith.muli %mul3A_32, %scan3A_31 : i32
      %dma_wait3A = arith.constant 0 : i32
      %dma_wait3A_34 = arith.constant 0 : i32
      %dma_wait3A_35 = arith.constant 0 : i32
      %dma_wait3A_36 = tpu.memref_slice %arg6[%dma_wait3A, %dma_wait3A_34, %dma_wait3A_35] : memref<2x64x768xf32, #tpu.memory_space<vmem>> -> memref<1x64x768xf32, #tpu.memory_space<vmem>>
      %dma_wait3A_37 = tpu.memref_squeeze %dma_wait3A_36 : memref<1x64x768xf32, #tpu.memory_space<vmem>> -> memref<64x768xf32, #tpu.memory_space<vmem>>
      %dma_wait3A_38 = arith.constant 0 : i32
      %dma_wait3A_39 = tpu.memref_slice %arg5[%mul3A_33, %dma_wait3A_38] : memref<80x64xi32, #tpu.memory_space<vmem>> -> memref<1x64xi32, #tpu.memory_space<vmem>>
      %dma_wait3A_40 = tpu.memref_squeeze %dma_wait3A_39 : memref<1x64xi32, #tpu.memory_space<vmem>> -> memref<64xi32, #tpu.memory_space<vmem>>
      %dma_wait3A_41 = arith.constant 0 : i32
      %dma_wait3A_42 = arith.constant 0 : i32
      %dma_wait3A_43 = tpu.memref_slice %arg2[%dma_wait3A_41, %dma_wait3A_42] : memref<10000x768xf32, #tpu.memory_space<hbm>> -> memref<10000x768xf32, #tpu.memory_space<hbm>>
      tpu.wait_indirect_dma semaphore(%arg7 : memref<!tpu.dma_semaphore, #tpu.memory_space<semaphore_mem>>) src(%dma_wait3A_43 : memref<10000x768xf32, #tpu.memory_space<hbm>>) dst(%dma_wait3A_37 : memref<64x768xf32, #tpu.memory_space<vmem>>)
      %mul3A_44 = arith.constant 64 : i32
      %mul3A_45 = arith.muli %mul3A_33, %mul3A_44 : i32
      %add3A_46 = arith.addi %mul3A_2, %mul3A_45 : i32
      %dma_start3A_47 = arith.constant 0 : i32
      %dma_start3A_48 = arith.constant 0 : i32
      %dma_start3A_49 = arith.constant 0 : i32
      %dma_start3A_50 = tpu.memref_slice %arg6[%dma_start3A_47, %dma_start3A_48, %dma_start3A_49] : memref<2x64x768xf32, #tpu.memory_space<vmem>> -> memref<1x64x768xf32, #tpu.memory_space<vmem>>
      %dma_start3A_51 = tpu.memref_squeeze %dma_start3A_50 : memref<1x64x768xf32, #tpu.memory_space<vmem>> -> memref<64x768xf32, #tpu.memory_space<vmem>>
      %dma_start3A_52 = arith.constant 0 : i32
      %dma_start3A_53 = tpu.memref_slice %arg4[%add3A_46, %dma_start3A_52] : memref<163840x768xf32, #tpu.memory_space<hbm>> -> memref<64x768xf32, #tpu.memory_space<hbm>>
      %dma_start3A_54 = arith.constant 0 : i32
      %dma_start3A_55 = tpu.memref_slice %arg4[%add3A_46, %dma_start3A_54] : memref<163840x768xf32, #tpu.memory_space<hbm>> -> memref<64x768xf32, #tpu.memory_space<hbm>>
      %dma_start3A_56 = arith.constant 0 : i32
      %dma_start3A_57 = arith.constant 0 : i32
      %dma_start3A_58 = tpu.memref_slice %arg6[%dma_start3A_47, %dma_start3A_56, %dma_start3A_57] : memref<2x64x768xf32, #tpu.memory_space<vmem>> -> memref<1x64x768xf32, #tpu.memory_space<vmem>>
      %dma_start3A_59 = tpu.memref_squeeze %dma_start3A_58 : memref<1x64x768xf32, #tpu.memory_space<vmem>> -> memref<64x768xf32, #tpu.memory_space<vmem>>
      tpu.enqueue_dma source(%dma_start3A_59 : memref<64x768xf32, #tpu.memory_space<vmem>>) target(%dma_start3A_55 : memref<64x768xf32, #tpu.memory_space<hbm>>) target_semaphore(%arg9 : memref<!tpu.dma_semaphore, #tpu.memory_space<semaphore_mem>>)
      %add3A_60 = arith.constant 1 : i32
      %add3A_61 = arith.addi %mul3A_33, %add3A_60 : i32
      %dma_wait3A_62 = arith.constant 1 : i32
      %dma_wait3A_63 = arith.constant 0 : i32
      %dma_wait3A_64 = arith.constant 0 : i32
      %dma_wait3A_65 = tpu.memref_slice %arg6[%dma_wait3A_62, %dma_wait3A_63, %dma_wait3A_64] : memref<2x64x768xf32, #tpu.memory_space<vmem>> -> memref<1x64x768xf32, #tpu.memory_space<vmem>>
      %dma_wait3A_66 = tpu.memref_squeeze %dma_wait3A_65 : memref<1x64x768xf32, #tpu.memory_space<vmem>> -> memref<64x768xf32, #tpu.memory_space<vmem>>
      %dma_wait3A_67 = arith.constant 0 : i32
      %dma_wait3A_68 = tpu.memref_slice %arg5[%add3A_61, %dma_wait3A_67] : memref<80x64xi32, #tpu.memory_space<vmem>> -> memref<1x64xi32, #tpu.memory_space<vmem>>
      %dma_wait3A_69 = tpu.memref_squeeze %dma_wait3A_68 : memref<1x64xi32, #tpu.memory_space<vmem>> -> memref<64xi32, #tpu.memory_space<vmem>>
      %dma_wait3A_70 = arith.constant 0 : i32
      %dma_wait3A_71 = arith.constant 0 : i32
      %dma_wait3A_72 = tpu.memref_slice %arg2[%dma_wait3A_70, %dma_wait3A_71] : memref<10000x768xf32, #tpu.memory_space<hbm>> -> memref<10000x768xf32, #tpu.memory_space<hbm>>
      tpu.wait_indirect_dma semaphore(%arg8 : memref<!tpu.dma_semaphore, #tpu.memory_space<semaphore_mem>>) src(%dma_wait3A_72 : memref<10000x768xf32, #tpu.memory_space<hbm>>) dst(%dma_wait3A_66 : memref<64x768xf32, #tpu.memory_space<vmem>>)
      %add3A_73 = arith.constant 1 : i32
      %add3A_74 = arith.addi %mul3A_33, %add3A_73 : i32
      %mul3A_75 = arith.constant 64 : i32
      %mul3A_76 = arith.muli %add3A_74, %mul3A_75 : i32
      %add3A_77 = arith.addi %mul3A_2, %mul3A_76 : i32
      %dma_start3A_78 = arith.constant 1 : i32
      %dma_start3A_79 = arith.constant 0 : i32
      %dma_start3A_80 = arith.constant 0 : i32
      %dma_start3A_81 = tpu.memref_slice %arg6[%dma_start3A_78, %dma_start3A_79, %dma_start3A_80] : memref<2x64x768xf32, #tpu.memory_space<vmem>> -> memref<1x64x768xf32, #tpu.memory_space<vmem>>
      %dma_start3A_82 = tpu.memref_squeeze %dma_start3A_81 : memref<1x64x768xf32, #tpu.memory_space<vmem>> -> memref<64x768xf32, #tpu.memory_space<vmem>>
      %dma_start3A_83 = arith.constant 0 : i32
      %dma_start3A_84 = tpu.memref_slice %arg4[%add3A_77, %dma_start3A_83] : memref<163840x768xf32, #tpu.memory_space<hbm>> -> memref<64x768xf32, #tpu.memory_space<hbm>>
      %dma_start3A_85 = arith.constant 0 : i32
      %dma_start3A_86 = tpu.memref_slice %arg4[%add3A_77, %dma_start3A_85] : memref<163840x768xf32, #tpu.memory_space<hbm>> -> memref<64x768xf32, #tpu.memory_space<hbm>>
      %dma_start3A_87 = arith.constant 0 : i32
      %dma_start3A_88 = arith.constant 0 : i32
      %dma_start3A_89 = tpu.memref_slice %arg6[%dma_start3A_78, %dma_start3A_87, %dma_start3A_88] : memref<2x64x768xf32, #tpu.memory_space<vmem>> -> memref<1x64x768xf32, #tpu.memory_space<vmem>>
      %dma_start3A_90 = tpu.memref_squeeze %dma_start3A_89 : memref<1x64x768xf32, #tpu.memory_space<vmem>> -> memref<64x768xf32, #tpu.memory_space<vmem>>
      tpu.enqueue_dma source(%dma_start3A_90 : memref<64x768xf32, #tpu.memory_space<vmem>>) target(%dma_start3A_86 : memref<64x768xf32, #tpu.memory_space<hbm>>) target_semaphore(%arg10 : memref<!tpu.dma_semaphore, #tpu.memory_space<semaphore_mem>>)
      %add3A_91 = arith.constant 2 : i32
      %add3A_92 = arith.addi %mul3A_33, %add3A_91 : i32
      %lt3A = arith.constant 80 : i32
      %lt3A_93 = arith.cmpi slt, %add3A_92, %lt3A : i32
      %convert_element_type3A = arith.extui %lt3A_93 : i1 to i32
      %cond3A = arith.constant 0 : i32
      %cond3A_94 = arith.cmpi ne, %convert_element_type3A, %cond3A : i32
      scf.if %cond3A_94 {
        %mul3A_115 = arith.constant 64 : i32
        %mul3A_116 = arith.muli %mul3A_33, %mul3A_115 : i32
        %add3A_117 = arith.addi %mul3A_2, %mul3A_116 : i32
        %dma_wait3A_118 = arith.constant 0 : i32
        %dma_wait3A_119 = arith.constant 0 : i32
        %dma_wait3A_120 = arith.constant 0 : i32
        %dma_wait3A_121 = tpu.memref_slice %arg6[%dma_wait3A_118, %dma_wait3A_119, %dma_wait3A_120] : memref<2x64x768xf32, #tpu.memory_space<vmem>> -> memref<1x64x768xf32, #tpu.memory_space<vmem>>
        %dma_wait3A_122 = tpu.memref_squeeze %dma_wait3A_121 : memref<1x64x768xf32, #tpu.memory_space<vmem>> -> memref<64x768xf32, #tpu.memory_space<vmem>>
        %dma_wait3A_123 = arith.constant 0 : i32
        %dma_wait3A_124 = tpu.memref_slice %arg4[%add3A_117, %dma_wait3A_123] : memref<163840x768xf32, #tpu.memory_space<hbm>> -> memref<64x768xf32, #tpu.memory_space<hbm>>
        %dma_wait3A_125 = arith.constant 0 : i32
        %dma_wait3A_126 = tpu.memref_slice %arg4[%add3A_117, %dma_wait3A_125] : memref<163840x768xf32, #tpu.memory_space<hbm>> -> memref<64x768xf32, #tpu.memory_space<hbm>>
        %dma_wait3A_127 = arith.constant 0 : i32
        %dma_wait3A_128 = arith.constant 0 : i32
        %dma_wait3A_129 = tpu.memref_slice %arg6[%dma_wait3A_118, %dma_wait3A_127, %dma_wait3A_128] : memref<2x64x768xf32, #tpu.memory_space<vmem>> -> memref<1x64x768xf32, #tpu.memory_space<vmem>>
        %dma_wait3A_130 = tpu.memref_squeeze %dma_wait3A_129 : memref<1x64x768xf32, #tpu.memory_space<vmem>> -> memref<64x768xf32, #tpu.memory_space<vmem>>
        tpu.wait_dma2 semaphore(%arg9 : memref<!tpu.dma_semaphore, #tpu.memory_space<semaphore_mem>>) src(%dma_wait3A_130 : memref<64x768xf32, #tpu.memory_space<vmem>>) dst(%dma_wait3A_126 : memref<64x768xf32, #tpu.memory_space<hbm>>)
        %add3A_131 = arith.constant 2 : i32
        %add3A_132 = arith.addi %mul3A_33, %add3A_131 : i32
        %dma_start3A_133 = arith.constant 0 : i32
        %dma_start3A_134 = arith.constant 0 : i32
        %dma_start3A_135 = arith.constant 0 : i32
        %dma_start3A_136 = tpu.memref_slice %arg6[%dma_start3A_133, %dma_start3A_134, %dma_start3A_135] : memref<2x64x768xf32, #tpu.memory_space<vmem>> -> memref<1x64x768xf32, #tpu.memory_space<vmem>>
        %dma_start3A_137 = tpu.memref_squeeze %dma_start3A_136 : memref<1x64x768xf32, #tpu.memory_space<vmem>> -> memref<64x768xf32, #tpu.memory_space<vmem>>
        %dma_start3A_138 = arith.constant 0 : i32
        %dma_start3A_139 = tpu.memref_slice %arg5[%add3A_132, %dma_start3A_138] : memref<80x64xi32, #tpu.memory_space<vmem>> -> memref<1x64xi32, #tpu.memory_space<vmem>>
        %dma_start3A_140 = tpu.memref_squeeze %dma_start3A_139 : memref<1x64xi32, #tpu.memory_space<vmem>> -> memref<64xi32, #tpu.memory_space<vmem>>
        %dma_start3A_141 = arith.constant 0 : i32
        %dma_start3A_142 = arith.constant 0 : i32
        %dma_start3A_143 = tpu.memref_slice %arg2[%dma_start3A_141, %dma_start3A_142] : memref<10000x768xf32, #tpu.memory_space<hbm>> -> memref<10000x768xf32, #tpu.memory_space<hbm>>
        tpu.enqueue_indirect_dma source(%dma_start3A_143 : memref<10000x768xf32, #tpu.memory_space<hbm>>) target(%dma_start3A_137 : memref<64x768xf32, #tpu.memory_space<vmem>>) offsets(%dma_start3A_140 : memref<64xi32, #tpu.memory_space<vmem>>) semaphore(%arg7 : memref<!tpu.dma_semaphore, #tpu.memory_space<semaphore_mem>>)
      } else {
      }
      %add3A_95 = arith.constant 3 : i32
      %add3A_96 = arith.addi %mul3A_33, %add3A_95 : i32
      %lt3A_97 = arith.constant 80 : i32
      %lt3A_98 = arith.cmpi slt, %add3A_96, %lt3A_97 : i32
      %convert_element_type3A_99 = arith.extui %lt3A_98 : i1 to i32
      %cond3A_100 = arith.constant 0 : i32
      %cond3A_101 = arith.cmpi ne, %convert_element_type3A_99, %cond3A_100 : i32
      scf.if %cond3A_101 {
        %add3A_115 = arith.constant 1 : i32
        %add3A_116 = arith.addi %mul3A_33, %add3A_115 : i32
        %mul3A_117 = arith.constant 64 : i32
        %mul3A_118 = arith.muli %add3A_116, %mul3A_117 : i32
        %add3A_119 = arith.addi %mul3A_2, %mul3A_118 : i32
        %dma_wait3A_120 = arith.constant 1 : i32
        %dma_wait3A_121 = arith.constant 0 : i32
        %dma_wait3A_122 = arith.constant 0 : i32
        %dma_wait3A_123 = tpu.memref_slice %arg6[%dma_wait3A_120, %dma_wait3A_121, %dma_wait3A_122] : memref<2x64x768xf32, #tpu.memory_space<vmem>> -> memref<1x64x768xf32, #tpu.memory_space<vmem>>
        %dma_wait3A_124 = tpu.memref_squeeze %dma_wait3A_123 : memref<1x64x768xf32, #tpu.memory_space<vmem>> -> memref<64x768xf32, #tpu.memory_space<vmem>>
        %dma_wait3A_125 = arith.constant 0 : i32
        %dma_wait3A_126 = tpu.memref_slice %arg4[%add3A_119, %dma_wait3A_125] : memref<163840x768xf32, #tpu.memory_space<hbm>> -> memref<64x768xf32, #tpu.memory_space<hbm>>
        %dma_wait3A_127 = arith.constant 0 : i32
        %dma_wait3A_128 = tpu.memref_slice %arg4[%add3A_119, %dma_wait3A_127] : memref<163840x768xf32, #tpu.memory_space<hbm>> -> memref<64x768xf32, #tpu.memory_space<hbm>>
        %dma_wait3A_129 = arith.constant 0 : i32
        %dma_wait3A_130 = arith.constant 0 : i32
        %dma_wait3A_131 = tpu.memref_slice %arg6[%dma_wait3A_120, %dma_wait3A_129, %dma_wait3A_130] : memref<2x64x768xf32, #tpu.memory_space<vmem>> -> memref<1x64x768xf32, #tpu.memory_space<vmem>>
        %dma_wait3A_132 = tpu.memref_squeeze %dma_wait3A_131 : memref<1x64x768xf32, #tpu.memory_space<vmem>> -> memref<64x768xf32, #tpu.memory_space<vmem>>
        tpu.wait_dma2 semaphore(%arg10 : memref<!tpu.dma_semaphore, #tpu.memory_space<semaphore_mem>>) src(%dma_wait3A_132 : memref<64x768xf32, #tpu.memory_space<vmem>>) dst(%dma_wait3A_128 : memref<64x768xf32, #tpu.memory_space<hbm>>)
        %add3A_133 = arith.constant 3 : i32
        %add3A_134 = arith.addi %mul3A_33, %add3A_133 : i32
        %dma_start3A_135 = arith.constant 1 : i32
        %dma_start3A_136 = arith.constant 0 : i32
        %dma_start3A_137 = arith.constant 0 : i32
        %dma_start3A_138 = tpu.memref_slice %arg6[%dma_start3A_135, %dma_start3A_136, %dma_start3A_137] : memref<2x64x768xf32, #tpu.memory_space<vmem>> -> memref<1x64x768xf32, #tpu.memory_space<vmem>>
        %dma_start3A_139 = tpu.memref_squeeze %dma_start3A_138 : memref<1x64x768xf32, #tpu.memory_space<vmem>> -> memref<64x768xf32, #tpu.memory_space<vmem>>
        %dma_start3A_140 = arith.constant 0 : i32
        %dma_start3A_141 = tpu.memref_slice %arg5[%add3A_134, %dma_start3A_140] : memref<80x64xi32, #tpu.memory_space<vmem>> -> memref<1x64xi32, #tpu.memory_space<vmem>>
        %dma_start3A_142 = tpu.memref_squeeze %dma_start3A_141 : memref<1x64xi32, #tpu.memory_space<vmem>> -> memref<64xi32, #tpu.memory_space<vmem>>
        %dma_start3A_143 = arith.constant 0 : i32
        %dma_start3A_144 = arith.constant 0 : i32
        %dma_start3A_145 = tpu.memref_slice %arg2[%dma_start3A_143, %dma_start3A_144] : memref<10000x768xf32, #tpu.memory_space<hbm>> -> memref<10000x768xf32, #tpu.memory_space<hbm>>
        tpu.enqueue_indirect_dma source(%dma_start3A_145 : memref<10000x768xf32, #tpu.memory_space<hbm>>) target(%dma_start3A_139 : memref<64x768xf32, #tpu.memory_space<vmem>>) offsets(%dma_start3A_142 : memref<64xi32, #tpu.memory_space<vmem>>) semaphore(%arg8 : memref<!tpu.dma_semaphore, #tpu.memory_space<semaphore_mem>>)
      } else {
      }
      %add3A_102 = arith.constant 2 : i32
      %add3A_103 = arith.addi %mul3A_33, %add3A_102 : i32
      %ge3A = arith.constant 80 : i32
      %ge3A_104 = arith.cmpi sge, %add3A_103, %ge3A : i32
      %convert_element_type3A_105 = arith.extui %ge3A_104 : i1 to i32
      %cond3A_106 = arith.constant 0 : i32
      %cond3A_107 = arith.cmpi ne, %convert_element_type3A_105, %cond3A_106 : i32
      scf.if %cond3A_107 {
        %mul3A_115 = arith.constant 64 : i32
        %mul3A_116 = arith.muli %mul3A_33, %mul3A_115 : i32
        %add3A_117 = arith.addi %mul3A_2, %mul3A_116 : i32
        %dma_wait3A_118 = arith.constant 0 : i32
        %dma_wait3A_119 = arith.constant 0 : i32
        %dma_wait3A_120 = arith.constant 0 : i32
        %dma_wait3A_121 = tpu.memref_slice %arg6[%dma_wait3A_118, %dma_wait3A_119, %dma_wait3A_120] : memref<2x64x768xf32, #tpu.memory_space<vmem>> -> memref<1x64x768xf32, #tpu.memory_space<vmem>>
        %dma_wait3A_122 = tpu.memref_squeeze %dma_wait3A_121 : memref<1x64x768xf32, #tpu.memory_space<vmem>> -> memref<64x768xf32, #tpu.memory_space<vmem>>
        %dma_wait3A_123 = arith.constant 0 : i32
        %dma_wait3A_124 = tpu.memref_slice %arg4[%add3A_117, %dma_wait3A_123] : memref<163840x768xf32, #tpu.memory_space<hbm>> -> memref<64x768xf32, #tpu.memory_space<hbm>>
        %dma_wait3A_125 = arith.constant 0 : i32
        %dma_wait3A_126 = tpu.memref_slice %arg4[%add3A_117, %dma_wait3A_125] : memref<163840x768xf32, #tpu.memory_space<hbm>> -> memref<64x768xf32, #tpu.memory_space<hbm>>
        %dma_wait3A_127 = arith.constant 0 : i32
        %dma_wait3A_128 = arith.constant 0 : i32
        %dma_wait3A_129 = tpu.memref_slice %arg6[%dma_wait3A_118, %dma_wait3A_127, %dma_wait3A_128] : memref<2x64x768xf32, #tpu.memory_space<vmem>> -> memref<1x64x768xf32, #tpu.memory_space<vmem>>
        %dma_wait3A_130 = tpu.memref_squeeze %dma_wait3A_129 : memref<1x64x768xf32, #tpu.memory_space<vmem>> -> memref<64x768xf32, #tpu.memory_space<vmem>>
        tpu.wait_dma2 semaphore(%arg9 : memref<!tpu.dma_semaphore, #tpu.memory_space<semaphore_mem>>) src(%dma_wait3A_130 : memref<64x768xf32, #tpu.memory_space<vmem>>) dst(%dma_wait3A_126 : memref<64x768xf32, #tpu.memory_space<hbm>>)
      } else {
      }
      %add3A_108 = arith.constant 3 : i32
      %add3A_109 = arith.addi %mul3A_33, %add3A_108 : i32
      %ge3A_110 = arith.constant 80 : i32
      %ge3A_111 = arith.cmpi sge, %add3A_109, %ge3A_110 : i32
      %convert_element_type3A_112 = arith.extui %ge3A_111 : i1 to i32
      %cond3A_113 = arith.constant 0 : i32
      %cond3A_114 = arith.cmpi ne, %convert_element_type3A_112, %cond3A_113 : i32
      scf.if %cond3A_114 {
        %add3A_115 = arith.constant 1 : i32
        %add3A_116 = arith.addi %mul3A_33, %add3A_115 : i32
        %mul3A_117 = arith.constant 64 : i32
        %mul3A_118 = arith.muli %add3A_116, %mul3A_117 : i32
        %add3A_119 = arith.addi %mul3A_2, %mul3A_118 : i32
        %dma_wait3A_120 = arith.constant 1 : i32
        %dma_wait3A_121 = arith.constant 0 : i32
        %dma_wait3A_122 = arith.constant 0 : i32
        %dma_wait3A_123 = tpu.memref_slice %arg6[%dma_wait3A_120, %dma_wait3A_121, %dma_wait3A_122] : memref<2x64x768xf32, #tpu.memory_space<vmem>> -> memref<1x64x768xf32, #tpu.memory_space<vmem>>
        %dma_wait3A_124 = tpu.memref_squeeze %dma_wait3A_123 : memref<1x64x768xf32, #tpu.memory_space<vmem>> -> memref<64x768xf32, #tpu.memory_space<vmem>>
        %dma_wait3A_125 = arith.constant 0 : i32
        %dma_wait3A_126 = tpu.memref_slice %arg4[%add3A_119, %dma_wait3A_125] : memref<163840x768xf32, #tpu.memory_space<hbm>> -> memref<64x768xf32, #tpu.memory_space<hbm>>
        %dma_wait3A_127 = arith.constant 0 : i32
        %dma_wait3A_128 = tpu.memref_slice %arg4[%add3A_119, %dma_wait3A_127] : memref<163840x768xf32, #tpu.memory_space<hbm>> -> memref<64x768xf32, #tpu.memory_space<hbm>>
        %dma_wait3A_129 = arith.constant 0 : i32
        %dma_wait3A_130 = arith.constant 0 : i32
        %dma_wait3A_131 = tpu.memref_slice %arg6[%dma_wait3A_120, %dma_wait3A_129, %dma_wait3A_130] : memref<2x64x768xf32, #tpu.memory_space<vmem>> -> memref<1x64x768xf32, #tpu.memory_space<vmem>>
        %dma_wait3A_132 = tpu.memref_squeeze %dma_wait3A_131 : memref<1x64x768xf32, #tpu.memory_space<vmem>> -> memref<64x768xf32, #tpu.memory_space<vmem>>
        tpu.wait_dma2 semaphore(%arg10 : memref<!tpu.dma_semaphore, #tpu.memory_space<semaphore_mem>>) src(%dma_wait3A_132 : memref<64x768xf32, #tpu.memory_space<vmem>>) dst(%dma_wait3A_128 : memref<64x768xf32, #tpu.memory_space<hbm>>)
      } else {
      }
    }
    %scan3A_30 = arith.constant 40 : i32
    return
  }
}

module attributes {stable_mosaic.version = 14 : i64} {
  func.func @_mlp3_ln_body(%arg0: i32, %arg1: memref<400x193xf32, #tpu.memory_space<vmem>>, %arg2: memref<193x128xf32, #tpu.memory_space<vmem>>, %arg3: memref<1x128xf32, #tpu.memory_space<vmem>>, %arg4: memref<128x128xf32, #tpu.memory_space<vmem>>, %arg5: memref<1x128xf32, #tpu.memory_space<vmem>>, %arg6: memref<128x128xf32, #tpu.memory_space<vmem>>, %arg7: memref<1x128xf32, #tpu.memory_space<vmem>>, %arg8: memref<1x128xf32, #tpu.memory_space<vmem>>, %arg9: memref<1x128xf32, #tpu.memory_space<vmem>>, %arg10: memref<400x128xf32, #tpu.memory_space<vmem>>) attributes {dimension_semantics = [#tpu.dimension_semantics<arbitrary>], iteration_bounds = array<i64: 25>, scalar_prefetch = 0 : i64, scratch_operands = 0 : i64, tpu.core_type = #tpu.core_type<tc>, window_params = [{transform_indices = @transform_0, window_bounds = array<i64: 400, 193>}, {pipeline_mode = #tpu.pipeline_mode<synchronous>, transform_indices = @transform_1, window_bounds = array<i64: 193, 128>}, {pipeline_mode = #tpu.pipeline_mode<synchronous>, transform_indices = @transform_2, window_bounds = array<i64: 1, 128>}, {pipeline_mode = #tpu.pipeline_mode<synchronous>, transform_indices = @transform_3, window_bounds = array<i64: 128, 128>}, {pipeline_mode = #tpu.pipeline_mode<synchronous>, transform_indices = @transform_4, window_bounds = array<i64: 1, 128>}, {pipeline_mode = #tpu.pipeline_mode<synchronous>, transform_indices = @transform_5, window_bounds = array<i64: 128, 128>}, {pipeline_mode = #tpu.pipeline_mode<synchronous>, transform_indices = @transform_6, window_bounds = array<i64: 1, 128>}, {pipeline_mode = #tpu.pipeline_mode<synchronous>, transform_indices = @transform_7, window_bounds = array<i64: 1, 128>}, {pipeline_mode = #tpu.pipeline_mode<synchronous>, transform_indices = @transform_8, window_bounds = array<i64: 1, 128>}, {transform_indices = @transform_9, window_bounds = array<i64: 400, 128>}]} {
    %get3A = arith.constant 0 : index
    %get3A_0 = arith.constant 0 : index
    %get3A_1 = vector.load %arg1[%get3A, %get3A_0] : memref<400x193xf32, #tpu.memory_space<vmem>>, vector<400x193xf32>
    %get3A_2 = arith.constant 0 : index
    %get3A_3 = arith.constant 0 : index
    %get3A_4 = vector.load %arg2[%get3A_2, %get3A_3] : memref<193x128xf32, #tpu.memory_space<vmem>>, vector<193x128xf32>
    %dot_general3A = arith.constant dense<0.000000e+00> : vector<400x128xf32>
    %dot_general3A_5 = tpu.matmul %get3A_1, %get3A_4, %dot_general3A {dimension_numbers = #tpu.dot_dimension_numbers<[1], [0], [0], [1], [0, 0, 1, 1], [], []>, transpose_lhs_hint = false} : vector<400x193xf32>, vector<193x128xf32>, vector<400x128xf32> -> vector<400x128xf32>
    %get3A_6 = arith.constant 0 : index
    %get3A_7 = arith.constant 0 : index
    %get3A_8 = vector.load %arg3[%get3A_6, %get3A_7] : memref<1x128xf32, #tpu.memory_space<vmem>>, vector<1x128xf32>
    %add3A = vector.broadcast %get3A_8 : vector<1x128xf32> to vector<400x128xf32>
    %add3A_9 = arith.addf %dot_general3A_5, %add3A : vector<400x128xf32>
    %max3A = arith.constant 0.000000e+00 : f32
    %max3A_10 = vector.broadcast %max3A : f32 to vector<400x128xf32>
    %max3A_11 = arith.maximumf %add3A_9, %max3A_10 : vector<400x128xf32>
    %get3A_12 = arith.constant 0 : index
    %get3A_13 = arith.constant 0 : index
    %get3A_14 = vector.load %arg4[%get3A_12, %get3A_13] : memref<128x128xf32, #tpu.memory_space<vmem>>, vector<128x128xf32>
    %dot_general3A_15 = arith.constant dense<0.000000e+00> : vector<400x128xf32>
    %dot_general3A_16 = tpu.matmul %max3A_11, %get3A_14, %dot_general3A_15 {dimension_numbers = #tpu.dot_dimension_numbers<[1], [0], [0], [1], [0, 0, 1, 1], [], []>, transpose_lhs_hint = false} : vector<400x128xf32>, vector<128x128xf32>, vector<400x128xf32> -> vector<400x128xf32>
    %get3A_17 = arith.constant 0 : index
    %get3A_18 = arith.constant 0 : index
    %get3A_19 = vector.load %arg5[%get3A_17, %get3A_18] : memref<1x128xf32, #tpu.memory_space<vmem>>, vector<1x128xf32>
    %add3A_20 = vector.broadcast %get3A_19 : vector<1x128xf32> to vector<400x128xf32>
    %add3A_21 = arith.addf %dot_general3A_16, %add3A_20 : vector<400x128xf32>
    %max3A_22 = arith.constant 0.000000e+00 : f32
    %max3A_23 = vector.broadcast %max3A_22 : f32 to vector<400x128xf32>
    %max3A_24 = arith.maximumf %add3A_21, %max3A_23 : vector<400x128xf32>
    %get3A_25 = arith.constant 0 : index
    %get3A_26 = arith.constant 0 : index
    %get3A_27 = vector.load %arg6[%get3A_25, %get3A_26] : memref<128x128xf32, #tpu.memory_space<vmem>>, vector<128x128xf32>
    %dot_general3A_28 = arith.constant dense<0.000000e+00> : vector<400x128xf32>
    %dot_general3A_29 = tpu.matmul %max3A_24, %get3A_27, %dot_general3A_28 {dimension_numbers = #tpu.dot_dimension_numbers<[1], [0], [0], [1], [0, 0, 1, 1], [], []>, transpose_lhs_hint = false} : vector<400x128xf32>, vector<128x128xf32>, vector<400x128xf32> -> vector<400x128xf32>
    %get3A_30 = arith.constant 0 : index
    %get3A_31 = arith.constant 0 : index
    %get3A_32 = vector.load %arg7[%get3A_30, %get3A_31] : memref<1x128xf32, #tpu.memory_space<vmem>>, vector<1x128xf32>
    %add3A_33 = vector.broadcast %get3A_32 : vector<1x128xf32> to vector<400x128xf32>
    %add3A_34 = arith.addf %dot_general3A_29, %add3A_33 : vector<400x128xf32>
    %get3A_35 = arith.constant 0 : index
    %get3A_36 = arith.constant 0 : index
    %get3A_37 = vector.load %arg8[%get3A_35, %get3A_36] : memref<1x128xf32, #tpu.memory_space<vmem>>, vector<1x128xf32>
    %get3A_38 = arith.constant 0 : index
    %get3A_39 = arith.constant 0 : index
    %get3A_40 = vector.load %arg9[%get3A_38, %get3A_39] : memref<1x128xf32, #tpu.memory_space<vmem>>, vector<1x128xf32>
    %reduce_sum3A = arith.constant dense<0.000000e+00> : vector<400xf32>
    %reduce_sum3A_41 = vector.multi_reduction <add>, %add3A_34, %reduce_sum3A [1] : vector<400x128xf32> to vector<400xf32>
    %broadcast_in_dim3A = vector.shape_cast %reduce_sum3A_41 : vector<400xf32> to vector<400x1xf32>
    %div3A = arith.constant 1.280000e+02 : f32
    %div3A_42 = vector.broadcast %div3A : f32 to vector<400x1xf32>
    %div3A_43 = arith.divf %broadcast_in_dim3A, %div3A_42 : vector<400x1xf32>
    %sub3A = vector.broadcast %div3A_43 : vector<400x1xf32> to vector<400x128xf32>
    %sub3A_44 = arith.subf %add3A_34, %sub3A : vector<400x128xf32>
    %integer_pow3A = arith.mulf %sub3A_44, %sub3A_44 : vector<400x128xf32>
    %reduce_sum3A_45 = arith.constant dense<0.000000e+00> : vector<400xf32>
    %reduce_sum3A_46 = vector.multi_reduction <add>, %integer_pow3A, %reduce_sum3A_45 [1] : vector<400x128xf32> to vector<400xf32>
    %broadcast_in_dim3A_47 = vector.shape_cast %reduce_sum3A_46 : vector<400xf32> to vector<400x1xf32>
    %div3A_48 = arith.constant 1.280000e+02 : f32
    %div3A_49 = vector.broadcast %div3A_48 : f32 to vector<400x1xf32>
    %div3A_50 = arith.divf %broadcast_in_dim3A_47, %div3A_49 : vector<400x1xf32>
    %sub3A_51 = vector.broadcast %div3A_43 : vector<400x1xf32> to vector<400x128xf32>
    %sub3A_52 = arith.subf %add3A_34, %sub3A_51 : vector<400x128xf32>
    %add3A_53 = arith.constant 9.99999974E-6 : f32
    %add3A_54 = vector.broadcast %add3A_53 : f32 to vector<400x1xf32>
    %add3A_55 = arith.addf %div3A_50, %add3A_54 : vector<400x1xf32>
    %rsqrt3A = math.rsqrt %add3A_55 : vector<400x1xf32>
    %mul3A = vector.broadcast %rsqrt3A : vector<400x1xf32> to vector<400x128xf32>
    %mul3A_56 = arith.mulf %sub3A_52, %mul3A : vector<400x128xf32>
    %mul3A_57 = vector.broadcast %get3A_37 : vector<1x128xf32> to vector<400x128xf32>
    %mul3A_58 = arith.mulf %mul3A_56, %mul3A_57 : vector<400x128xf32>
    %add3A_59 = vector.broadcast %get3A_40 : vector<1x128xf32> to vector<400x128xf32>
    %add3A_60 = arith.addf %mul3A_58, %add3A_59 : vector<400x128xf32>
    %swap3A = arith.constant 0 : index
    %swap3A_61 = arith.constant 0 : index
    %swap3A_62 = vector.load %arg10[%swap3A, %swap3A_61] : memref<400x128xf32, #tpu.memory_space<vmem>>, vector<400x128xf32>
    tpu.vector_store %arg10[%swap3A, %swap3A_61], %add3A_60 {strides = array<i32>} : memref<400x128xf32, #tpu.memory_space<vmem>>, vector<400x128xf32>,
    return
  }
  func.func @transform_0(%arg0: i32) -> (i32, i32) {
    %c0_i32 = arith.constant 0 : i32
    %c0_i32_0 = arith.constant 0 : i32
    return %arg0, %c0_i32 : i32, i32
  }
  func.func @transform_1(%arg0: i32) -> (i32, i32) {
    %c0_i32 = arith.constant 0 : i32
    %c0_i32_0 = arith.constant 0 : i32
    %c0_i32_1 = arith.constant 0 : i32
    return %c0_i32, %c0_i32_0 : i32, i32
  }
  func.func @transform_2(%arg0: i32) -> (i32, i32) {
    %c0_i32 = arith.constant 0 : i32
    %c0_i32_0 = arith.constant 0 : i32
    %c0_i32_1 = arith.constant 0 : i32
    return %c0_i32, %c0_i32_0 : i32, i32
  }
  func.func @transform_3(%arg0: i32) -> (i32, i32) {
    %c0_i32 = arith.constant 0 : i32
    %c0_i32_0 = arith.constant 0 : i32
    %c0_i32_1 = arith.constant 0 : i32
    return %c0_i32, %c0_i32_0 : i32, i32
  }
  func.func @transform_4(%arg0: i32) -> (i32, i32) {
    %c0_i32 = arith.constant 0 : i32
    %c0_i32_0 = arith.constant 0 : i32
    %c0_i32_1 = arith.constant 0 : i32
    return %c0_i32, %c0_i32_0 : i32, i32
  }
  func.func @transform_5(%arg0: i32) -> (i32, i32) {
    %c0_i32 = arith.constant 0 : i32
    %c0_i32_0 = arith.constant 0 : i32
    %c0_i32_1 = arith.constant 0 : i32
    return %c0_i32, %c0_i32_0 : i32, i32
  }
  func.func @transform_6(%arg0: i32) -> (i32, i32) {
    %c0_i32 = arith.constant 0 : i32
    %c0_i32_0 = arith.constant 0 : i32
    %c0_i32_1 = arith.constant 0 : i32
    return %c0_i32, %c0_i32_0 : i32, i32
  }
  func.func @transform_7(%arg0: i32) -> (i32, i32) {
    %c0_i32 = arith.constant 0 : i32
    %c0_i32_0 = arith.constant 0 : i32
    %c0_i32_1 = arith.constant 0 : i32
    return %c0_i32, %c0_i32_0 : i32, i32
  }
  func.func @transform_8(%arg0: i32) -> (i32, i32) {
    %c0_i32 = arith.constant 0 : i32
    %c0_i32_0 = arith.constant 0 : i32
    %c0_i32_1 = arith.constant 0 : i32
    return %c0_i32, %c0_i32_0 : i32, i32
  }
  func.func @transform_9(%arg0: i32) -> (i32, i32) {
    %c0_i32 = arith.constant 0 : i32
    %c0_i32_0 = arith.constant 0 : i32
    return %arg0, %c0_i32 : i32, i32
  }
}

module attributes {stable_mosaic.version = 14 : i64} {
  func.func @_lin_body(%arg0: i32, %arg1: memref<400x128xf32, #tpu.memory_space<vmem>>, %arg2: memref<128x1056xf32, #tpu.memory_space<vmem>>, %arg3: memref<1x1056xf32, #tpu.memory_space<vmem>>, %arg4: memref<400x1056xf32, #tpu.memory_space<vmem>>) attributes {dimension_semantics = [#tpu.dimension_semantics<arbitrary>], iteration_bounds = array<i64: 25>, scalar_prefetch = 0 : i64, scratch_operands = 0 : i64, tpu.core_type = #tpu.core_type<tc>, window_params = [{transform_indices = @transform_0, window_bounds = array<i64: 400, 128>}, {pipeline_mode = #tpu.pipeline_mode<synchronous>, transform_indices = @transform_1, window_bounds = array<i64: 128, 1056>}, {pipeline_mode = #tpu.pipeline_mode<synchronous>, transform_indices = @transform_2, window_bounds = array<i64: 1, 1056>}, {transform_indices = @transform_3, window_bounds = array<i64: 400, 1056>}]} {
    %get3A = arith.constant 0 : index
    %get3A_0 = arith.constant 0 : index
    %get3A_1 = vector.load %arg1[%get3A, %get3A_0] : memref<400x128xf32, #tpu.memory_space<vmem>>, vector<400x128xf32>
    %get3A_2 = arith.constant 0 : index
    %get3A_3 = arith.constant 0 : index
    %get3A_4 = vector.load %arg2[%get3A_2, %get3A_3] : memref<128x1056xf32, #tpu.memory_space<vmem>>, vector<128x1056xf32>
    %dot_general3A = arith.constant dense<0.000000e+00> : vector<400x1056xf32>
    %dot_general3A_5 = tpu.matmul %get3A_1, %get3A_4, %dot_general3A {dimension_numbers = #tpu.dot_dimension_numbers<[1], [0], [0], [1], [0, 0, 1, 1], [], []>, transpose_lhs_hint = false} : vector<400x128xf32>, vector<128x1056xf32>, vector<400x1056xf32> -> vector<400x1056xf32>
    %get3A_6 = arith.constant 0 : index
    %get3A_7 = arith.constant 0 : index
    %get3A_8 = vector.load %arg3[%get3A_6, %get3A_7] : memref<1x1056xf32, #tpu.memory_space<vmem>>, vector<1x1056xf32>
    %add3A = vector.broadcast %get3A_8 : vector<1x1056xf32> to vector<400x1056xf32>
    %add3A_9 = arith.addf %dot_general3A_5, %add3A : vector<400x1056xf32>
    %swap3A = arith.constant 0 : index
    %swap3A_10 = arith.constant 0 : index
    %swap3A_11 = vector.load %arg4[%swap3A, %swap3A_10] : memref<400x1056xf32, #tpu.memory_space<vmem>>, vector<400x1056xf32>
    tpu.vector_store %arg4[%swap3A, %swap3A_10], %add3A_9 {strides = array<i32>} : memref<400x1056xf32, #tpu.memory_space<vmem>>, vector<400x1056xf32>,
    return
  }
  func.func @transform_0(%arg0: i32) -> (i32, i32) {
    %c0_i32 = arith.constant 0 : i32
    %c0_i32_0 = arith.constant 0 : i32
    return %arg0, %c0_i32 : i32, i32
  }
  func.func @transform_1(%arg0: i32) -> (i32, i32) {
    %c0_i32 = arith.constant 0 : i32
    %c0_i32_0 = arith.constant 0 : i32
    %c0_i32_1 = arith.constant 0 : i32
    return %c0_i32, %c0_i32_0 : i32, i32
  }
  func.func @transform_2(%arg0: i32) -> (i32, i32) {
    %c0_i32 = arith.constant 0 : i32
    %c0_i32_0 = arith.constant 0 : i32
    %c0_i32_1 = arith.constant 0 : i32
    return %c0_i32, %c0_i32_0 : i32, i32
  }
  func.func @transform_3(%arg0: i32) -> (i32, i32) {
    %c0_i32 = arith.constant 0 : i32
    %c0_i32_0 = arith.constant 0 : i32
    return %arg0, %c0_i32 : i32, i32
  }
}

module attributes {stable_mosaic.version = 14 : i64} {
  func.func @_mlp3_ln_body(%arg0: i32, %arg1: memref<640x128xf32, #tpu.memory_space<vmem>>, %arg2: memref<128x128xf32, #tpu.memory_space<vmem>>, %arg3: memref<1x128xf32, #tpu.memory_space<vmem>>, %arg4: memref<128x128xf32, #tpu.memory_space<vmem>>, %arg5: memref<1x128xf32, #tpu.memory_space<vmem>>, %arg6: memref<128x128xf32, #tpu.memory_space<vmem>>, %arg7: memref<1x128xf32, #tpu.memory_space<vmem>>, %arg8: memref<1x128xf32, #tpu.memory_space<vmem>>, %arg9: memref<1x128xf32, #tpu.memory_space<vmem>>, %arg10: memref<640x128xf32, #tpu.memory_space<vmem>>) attributes {dimension_semantics = [#tpu.dimension_semantics<arbitrary>], iteration_bounds = array<i64: 256>, scalar_prefetch = 0 : i64, scratch_operands = 0 : i64, tpu.core_type = #tpu.core_type<tc>, window_params = [{transform_indices = @transform_0, window_bounds = array<i64: 640, 128>}, {pipeline_mode = #tpu.pipeline_mode<synchronous>, transform_indices = @transform_1, window_bounds = array<i64: 128, 128>}, {pipeline_mode = #tpu.pipeline_mode<synchronous>, transform_indices = @transform_2, window_bounds = array<i64: 1, 128>}, {pipeline_mode = #tpu.pipeline_mode<synchronous>, transform_indices = @transform_3, window_bounds = array<i64: 128, 128>}, {pipeline_mode = #tpu.pipeline_mode<synchronous>, transform_indices = @transform_4, window_bounds = array<i64: 1, 128>}, {pipeline_mode = #tpu.pipeline_mode<synchronous>, transform_indices = @transform_5, window_bounds = array<i64: 128, 128>}, {pipeline_mode = #tpu.pipeline_mode<synchronous>, transform_indices = @transform_6, window_bounds = array<i64: 1, 128>}, {pipeline_mode = #tpu.pipeline_mode<synchronous>, transform_indices = @transform_7, window_bounds = array<i64: 1, 128>}, {pipeline_mode = #tpu.pipeline_mode<synchronous>, transform_indices = @transform_8, window_bounds = array<i64: 1, 128>}, {transform_indices = @transform_9, window_bounds = array<i64: 640, 128>}]} {
    %get3A = arith.constant 0 : index
    %get3A_0 = arith.constant 0 : index
    %get3A_1 = vector.load %arg1[%get3A, %get3A_0] : memref<640x128xf32, #tpu.memory_space<vmem>>, vector<640x128xf32>
    %get3A_2 = arith.constant 0 : index
    %get3A_3 = arith.constant 0 : index
    %get3A_4 = vector.load %arg2[%get3A_2, %get3A_3] : memref<128x128xf32, #tpu.memory_space<vmem>>, vector<128x128xf32>
    %dot_general3A = arith.constant dense<0.000000e+00> : vector<640x128xf32>
    %dot_general3A_5 = tpu.matmul %get3A_1, %get3A_4, %dot_general3A {dimension_numbers = #tpu.dot_dimension_numbers<[1], [0], [0], [1], [0, 0, 1, 1], [], []>, transpose_lhs_hint = false} : vector<640x128xf32>, vector<128x128xf32>, vector<640x128xf32> -> vector<640x128xf32>
    %get3A_6 = arith.constant 0 : index
    %get3A_7 = arith.constant 0 : index
    %get3A_8 = vector.load %arg3[%get3A_6, %get3A_7] : memref<1x128xf32, #tpu.memory_space<vmem>>, vector<1x128xf32>
    %add3A = vector.broadcast %get3A_8 : vector<1x128xf32> to vector<640x128xf32>
    %add3A_9 = arith.addf %dot_general3A_5, %add3A : vector<640x128xf32>
    %max3A = arith.constant 0.000000e+00 : f32
    %max3A_10 = vector.broadcast %max3A : f32 to vector<640x128xf32>
    %max3A_11 = arith.maximumf %add3A_9, %max3A_10 : vector<640x128xf32>
    %get3A_12 = arith.constant 0 : index
    %get3A_13 = arith.constant 0 : index
    %get3A_14 = vector.load %arg4[%get3A_12, %get3A_13] : memref<128x128xf32, #tpu.memory_space<vmem>>, vector<128x128xf32>
    %dot_general3A_15 = arith.constant dense<0.000000e+00> : vector<640x128xf32>
    %dot_general3A_16 = tpu.matmul %max3A_11, %get3A_14, %dot_general3A_15 {dimension_numbers = #tpu.dot_dimension_numbers<[1], [0], [0], [1], [0, 0, 1, 1], [], []>, transpose_lhs_hint = false} : vector<640x128xf32>, vector<128x128xf32>, vector<640x128xf32> -> vector<640x128xf32>
    %get3A_17 = arith.constant 0 : index
    %get3A_18 = arith.constant 0 : index
    %get3A_19 = vector.load %arg5[%get3A_17, %get3A_18] : memref<1x128xf32, #tpu.memory_space<vmem>>, vector<1x128xf32>
    %add3A_20 = vector.broadcast %get3A_19 : vector<1x128xf32> to vector<640x128xf32>
    %add3A_21 = arith.addf %dot_general3A_16, %add3A_20 : vector<640x128xf32>
    %max3A_22 = arith.constant 0.000000e+00 : f32
    %max3A_23 = vector.broadcast %max3A_22 : f32 to vector<640x128xf32>
    %max3A_24 = arith.maximumf %add3A_21, %max3A_23 : vector<640x128xf32>
    %get3A_25 = arith.constant 0 : index
    %get3A_26 = arith.constant 0 : index
    %get3A_27 = vector.load %arg6[%get3A_25, %get3A_26] : memref<128x128xf32, #tpu.memory_space<vmem>>, vector<128x128xf32>
    %dot_general3A_28 = arith.constant dense<0.000000e+00> : vector<640x128xf32>
    %dot_general3A_29 = tpu.matmul %max3A_24, %get3A_27, %dot_general3A_28 {dimension_numbers = #tpu.dot_dimension_numbers<[1], [0], [0], [1], [0, 0, 1, 1], [], []>, transpose_lhs_hint = false} : vector<640x128xf32>, vector<128x128xf32>, vector<640x128xf32> -> vector<640x128xf32>
    %get3A_30 = arith.constant 0 : index
    %get3A_31 = arith.constant 0 : index
    %get3A_32 = vector.load %arg7[%get3A_30, %get3A_31] : memref<1x128xf32, #tpu.memory_space<vmem>>, vector<1x128xf32>
    %add3A_33 = vector.broadcast %get3A_32 : vector<1x128xf32> to vector<640x128xf32>
    %add3A_34 = arith.addf %dot_general3A_29, %add3A_33 : vector<640x128xf32>
    %get3A_35 = arith.constant 0 : index
    %get3A_36 = arith.constant 0 : index
    %get3A_37 = vector.load %arg8[%get3A_35, %get3A_36] : memref<1x128xf32, #tpu.memory_space<vmem>>, vector<1x128xf32>
    %get3A_38 = arith.constant 0 : index
    %get3A_39 = arith.constant 0 : index
    %get3A_40 = vector.load %arg9[%get3A_38, %get3A_39] : memref<1x128xf32, #tpu.memory_space<vmem>>, vector<1x128xf32>
    %reduce_sum3A = arith.constant dense<0.000000e+00> : vector<640xf32>
    %reduce_sum3A_41 = vector.multi_reduction <add>, %add3A_34, %reduce_sum3A [1] : vector<640x128xf32> to vector<640xf32>
    %broadcast_in_dim3A = vector.shape_cast %reduce_sum3A_41 : vector<640xf32> to vector<640x1xf32>
    %div3A = arith.constant 1.280000e+02 : f32
    %div3A_42 = vector.broadcast %div3A : f32 to vector<640x1xf32>
    %div3A_43 = arith.divf %broadcast_in_dim3A, %div3A_42 : vector<640x1xf32>
    %sub3A = vector.broadcast %div3A_43 : vector<640x1xf32> to vector<640x128xf32>
    %sub3A_44 = arith.subf %add3A_34, %sub3A : vector<640x128xf32>
    %integer_pow3A = arith.mulf %sub3A_44, %sub3A_44 : vector<640x128xf32>
    %reduce_sum3A_45 = arith.constant dense<0.000000e+00> : vector<640xf32>
    %reduce_sum3A_46 = vector.multi_reduction <add>, %integer_pow3A, %reduce_sum3A_45 [1] : vector<640x128xf32> to vector<640xf32>
    %broadcast_in_dim3A_47 = vector.shape_cast %reduce_sum3A_46 : vector<640xf32> to vector<640x1xf32>
    %div3A_48 = arith.constant 1.280000e+02 : f32
    %div3A_49 = vector.broadcast %div3A_48 : f32 to vector<640x1xf32>
    %div3A_50 = arith.divf %broadcast_in_dim3A_47, %div3A_49 : vector<640x1xf32>
    %sub3A_51 = vector.broadcast %div3A_43 : vector<640x1xf32> to vector<640x128xf32>
    %sub3A_52 = arith.subf %add3A_34, %sub3A_51 : vector<640x128xf32>
    %add3A_53 = arith.constant 9.99999974E-6 : f32
    %add3A_54 = vector.broadcast %add3A_53 : f32 to vector<640x1xf32>
    %add3A_55 = arith.addf %div3A_50, %add3A_54 : vector<640x1xf32>
    %rsqrt3A = math.rsqrt %add3A_55 : vector<640x1xf32>
    %mul3A = vector.broadcast %rsqrt3A : vector<640x1xf32> to vector<640x128xf32>
    %mul3A_56 = arith.mulf %sub3A_52, %mul3A : vector<640x128xf32>
    %mul3A_57 = vector.broadcast %get3A_37 : vector<1x128xf32> to vector<640x128xf32>
    %mul3A_58 = arith.mulf %mul3A_56, %mul3A_57 : vector<640x128xf32>
    %add3A_59 = vector.broadcast %get3A_40 : vector<1x128xf32> to vector<640x128xf32>
    %add3A_60 = arith.addf %mul3A_58, %add3A_59 : vector<640x128xf32>
    %swap3A = arith.constant 0 : index
    %swap3A_61 = arith.constant 0 : index
    %swap3A_62 = vector.load %arg10[%swap3A, %swap3A_61] : memref<640x128xf32, #tpu.memory_space<vmem>>, vector<640x128xf32>
    tpu.vector_store %arg10[%swap3A, %swap3A_61], %add3A_60 {strides = array<i32>} : memref<640x128xf32, #tpu.memory_space<vmem>>, vector<640x128xf32>,
    return
  }
  func.func @transform_0(%arg0: i32) -> (i32, i32) {
    %c0_i32 = arith.constant 0 : i32
    %c0_i32_0 = arith.constant 0 : i32
    return %arg0, %c0_i32 : i32, i32
  }
  func.func @transform_1(%arg0: i32) -> (i32, i32) {
    %c0_i32 = arith.constant 0 : i32
    %c0_i32_0 = arith.constant 0 : i32
    %c0_i32_1 = arith.constant 0 : i32
    return %c0_i32, %c0_i32_0 : i32, i32
  }
  func.func @transform_2(%arg0: i32) -> (i32, i32) {
    %c0_i32 = arith.constant 0 : i32
    %c0_i32_0 = arith.constant 0 : i32
    %c0_i32_1 = arith.constant 0 : i32
    return %c0_i32, %c0_i32_0 : i32, i32
  }
  func.func @transform_3(%arg0: i32) -> (i32, i32) {
    %c0_i32 = arith.constant 0 : i32
    %c0_i32_0 = arith.constant 0 : i32
    %c0_i32_1 = arith.constant 0 : i32
    return %c0_i32, %c0_i32_0 : i32, i32
  }
  func.func @transform_4(%arg0: i32) -> (i32, i32) {
    %c0_i32 = arith.constant 0 : i32
    %c0_i32_0 = arith.constant 0 : i32
    %c0_i32_1 = arith.constant 0 : i32
    return %c0_i32, %c0_i32_0 : i32, i32
  }
  func.func @transform_5(%arg0: i32) -> (i32, i32) {
    %c0_i32 = arith.constant 0 : i32
    %c0_i32_0 = arith.constant 0 : i32
    %c0_i32_1 = arith.constant 0 : i32
    return %c0_i32, %c0_i32_0 : i32, i32
  }
  func.func @transform_6(%arg0: i32) -> (i32, i32) {
    %c0_i32 = arith.constant 0 : i32
    %c0_i32_0 = arith.constant 0 : i32
    %c0_i32_1 = arith.constant 0 : i32
    return %c0_i32, %c0_i32_0 : i32, i32
  }
  func.func @transform_7(%arg0: i32) -> (i32, i32) {
    %c0_i32 = arith.constant 0 : i32
    %c0_i32_0 = arith.constant 0 : i32
    %c0_i32_1 = arith.constant 0 : i32
    return %c0_i32, %c0_i32_0 : i32, i32
  }
  func.func @transform_8(%arg0: i32) -> (i32, i32) {
    %c0_i32 = arith.constant 0 : i32
    %c0_i32_0 = arith.constant 0 : i32
    %c0_i32_1 = arith.constant 0 : i32
    return %c0_i32, %c0_i32_0 : i32, i32
  }
  func.func @transform_9(%arg0: i32) -> (i32, i32) {
    %c0_i32 = arith.constant 0 : i32
    %c0_i32_0 = arith.constant 0 : i32
    return %arg0, %c0_i32 : i32, i32
  }
}

module attributes {stable_mosaic.version = 14 : i64} {
  func.func @_seg_att_body(%arg0: i32, %arg1: i32, %arg2: memref<80xi32, #tpu.memory_space<smem>>, %arg3: memref<80xi32, #tpu.memory_space<smem>>, %arg4: memref<512x1xi32, #tpu.memory_space<vmem>>, %arg5: memref<512x768xf32, #tpu.memory_space<vmem>>, %arg6: memref<512x128xf32, #tpu.memory_space<vmem>>, %arg7: memref<128x320xf32, #tpu.memory_space<vmem>>, %arg8: memref<128x8xf32, #tpu.memory_space<vmem>>, %arg9: memref<1x8xf32, #tpu.memory_space<vmem>>, %arg10: memref<1x8xf32, #tpu.memory_space<vmem>>, %arg11: memref<128x8xf32, #tpu.memory_space<vmem>>, %arg12: memref<192x8xf32, #tpu.memory_space<vmem>>, %arg13: memref<8x128xf32, #tpu.memory_space<vmem>>, %arg14: memref<8x288xf32, #tpu.memory_space<vmem>>, %arg15: memref<8x1024xf32, #tpu.memory_space<vmem>>, %arg16: memref<128x1448xf32, #tpu.memory_space<vmem>>) attributes {dimension_semantics = [#tpu.dimension_semantics<arbitrary>, #tpu.dimension_semantics<arbitrary>], iteration_bounds = array<i64: 80, 10>, scalar_prefetch = 2 : i64, scratch_operands = 0 : i64, tpu.core_type = #tpu.core_type<tc>, window_params = [{transform_indices = @transform_0, window_bounds = array<i64: 512, 1>}, {transform_indices = @transform_1, window_bounds = array<i64: 512, 768>}, {transform_indices = @transform_2, window_bounds = array<i64: 512, 128>}, {transform_indices = @transform_3, window_bounds = array<i64: 128, 320>}, {pipeline_mode = #tpu.pipeline_mode<synchronous>, transform_indices = @transform_4, window_bounds = array<i64: 128, 8>}, {pipeline_mode = #tpu.pipeline_mode<synchronous>, transform_indices = @transform_5, window_bounds = array<i64: 1, 8>}, {pipeline_mode = #tpu.pipeline_mode<synchronous>, transform_indices = @transform_6, window_bounds = array<i64: 1, 8>}, {pipeline_mode = #tpu.pipeline_mode<synchronous>, transform_indices = @transform_7, window_bounds = array<i64: 128, 8>}, {pipeline_mode = #tpu.pipeline_mode<synchronous>, transform_indices = @transform_8, window_bounds = array<i64: 192, 8>}, {pipeline_mode = #tpu.pipeline_mode<synchronous>, transform_indices = @transform_9, window_bounds = array<i64: 8, 128>}, {pipeline_mode = #tpu.pipeline_mode<synchronous>, transform_indices = @transform_10, window_bounds = array<i64: 8, 288>}, {pipeline_mode = #tpu.pipeline_mode<synchronous>, transform_indices = @transform_11, window_bounds = array<i64: 8, 1024>}, {transform_indices = @transform_12, window_bounds = array<i64: 128, 1448>}]} {
    %eq3A = arith.constant 0 : i32
    %eq3A_0 = arith.cmpi eq, %arg1, %eq3A : i32
    %convert_element_type3A = arith.extui %eq3A_0 : i1 to i32
    %cond3A = arith.constant 0 : i32
    %cond3A_1 = arith.cmpi ne, %convert_element_type3A, %cond3A : i32
    scf.if %cond3A_1 {
      %broadcast_in_dim3A = arith.constant 0.000000e+00 : f32
      %broadcast_in_dim3A_6 = vector.broadcast %broadcast_in_dim3A : f32 to vector<128x1448xf32>
      %swap3A = arith.constant 0 : index
      %swap3A_7 = arith.constant 0 : index
      %swap3A_8 = vector.load %arg16[%swap3A, %swap3A_7] : memref<128x1448xf32, #tpu.memory_space<vmem>>, vector<128x1448xf32>
      tpu.vector_store %arg16[%swap3A, %swap3A_7], %broadcast_in_dim3A_6 {strides = array<i32>} : memref<128x1448xf32, #tpu.memory_space<vmem>>, vector<128x1448xf32>,
    } else {
    }
    %get3A = arith.index_cast %arg0 : i32 to index
    %get3A_2 = memref.load %arg3[%get3A] : memref<80xi32, #tpu.memory_space<smem>>
    %lt3A = arith.cmpi slt, %arg1, %get3A_2 : i32
    %convert_element_type3A_3 = arith.extui %lt3A : i1 to i32
    %cond3A_4 = arith.constant 0 : i32
    %cond3A_5 = arith.cmpi ne, %convert_element_type3A_3, %cond3A_4 : i32
    scf.if %cond3A_5 {
      %get3A_6 = arith.constant 0 : index
      %get3A_7 = arith.constant 0 : index
      %get3A_8 = vector.load %arg4[%get3A_6, %get3A_7] : memref<512x1xi32, #tpu.memory_space<vmem>>, vector<512x1xi32>
      %mul3A = arith.constant 128 : i32
      %mul3A_9 = arith.muli %arg0, %mul3A : i32
      %sub3A = vector.broadcast %mul3A_9 : i32 to vector<512x1xi32>
      %sub3A_10 = arith.subi %get3A_8, %sub3A : vector<512x1xi32>
      %iota3A = tpu.iota {dimensions = array<i32: 1>} : vector<512x128xi32>
      %eq3A_11 = vector.broadcast %sub3A_10 : vector<512x1xi32> to vector<512x128xi32>
      %eq3A_12 = arith.cmpi eq, %eq3A_11, %iota3A : vector<512x128xi32>
      %convert_element_type3A_13 = arith.extui %eq3A_12 : vector<512x128xi1> to vector<512x128xi32>
      %convert_element_type3A_14 = arith.sitofp %convert_element_type3A_13 : vector<512x128xi32> to vector<512x128xf32>
      %get3A_15 = arith.constant 0 : index
      %get3A_16 = arith.constant 0 : index
      %get3A_17 = vector.load %arg7[%get3A_15, %get3A_16] : memref<128x320xf32, #tpu.memory_space<vmem>>, vector<128x320xf32>
      %dot_general3A = arith.constant dense<0.000000e+00> : vector<512x320xf32>
      %dot_general3A_18 = tpu.matmul %convert_element_type3A_14, %get3A_17, %dot_general3A {dimension_numbers = #tpu.dot_dimension_numbers<[1], [0], [0], [1], [0, 0, 1, 1], [], []>, transpose_lhs_hint = false} : vector<512x128xf32>, vector<128x320xf32>, vector<512x320xf32> -> vector<512x320xf32>
      %slice3A = vector.extract_strided_slice %dot_general3A_18 {offsets = [0, 0], sizes = [512, 128], strides = [1, 1]} : vector<512x320xf32> to vector<512x128xf32>
      %slice3A_19 = vector.extract_strided_slice %dot_general3A_18 {offsets = [0, 128], sizes = [512, 192], strides = [1, 1]} : vector<512x320xf32> to vector<512x192xf32>
      %get3A_20 = arith.constant 0 : index
      %get3A_21 = arith.constant 0 : index
      %get3A_22 = vector.load %arg5[%get3A_20, %get3A_21] : memref<512x768xf32, #tpu.memory_space<vmem>>, vector<512x768xf32>
      %slice3A_23 = vector.extract_strided_slice %get3A_22 {offsets = [0, 0], sizes = [512, 128], strides = [1, 1]} : vector<512x768xf32> to vector<512x128xf32>
      %slice3A_24 = vector.extract_strided_slice %get3A_22 {offsets = [0, 128], sizes = [512, 128], strides = [1, 1]} : vector<512x768xf32> to vector<512x128xf32>
      %slice3A_25 = vector.extract_strided_slice %get3A_22 {offsets = [0, 256], sizes = [512, 192], strides = [1, 1]} : vector<512x768xf32> to vector<512x192xf32>
      %slice3A_26 = vector.extract_strided_slice %get3A_22 {offsets = [0, 448], sizes = [512, 288], strides = [1, 1]} : vector<512x768xf32> to vector<512x288xf32>
      %get3A_27 = arith.constant 0 : index
      %get3A_28 = arith.constant 0 : index
      %get3A_29 = vector.load %arg6[%get3A_27, %get3A_28] : memref<512x128xf32, #tpu.memory_space<vmem>>, vector<512x128xf32>
      %mul3A_30 = arith.mulf %slice3A, %slice3A_23 : vector<512x128xf32>
      %get3A_31 = arith.constant 0 : index
      %get3A_32 = arith.constant 0 : index
      %get3A_33 = vector.load %arg11[%get3A_31, %get3A_32] : memref<128x8xf32, #tpu.memory_space<vmem>>, vector<128x8xf32>
      %dot_general3A_34 = arith.constant dense<0.000000e+00> : vector<512x8xf32>
      %dot_general3A_35 = tpu.matmul %mul3A_30, %get3A_33, %dot_general3A_34 {dimension_numbers = #tpu.dot_dimension_numbers<[1], [0], [0], [1], [0, 0, 1, 1], [], []>, transpose_lhs_hint = false} : vector<512x128xf32>, vector<128x8xf32>, vector<512x8xf32> -> vector<512x8xf32>
      %sub3A_36 = arith.subf %slice3A_19, %slice3A_25 : vector<512x192xf32>
      %mul3A_37 = arith.mulf %sub3A_36, %sub3A_36 : vector<512x192xf32>
      %get3A_38 = arith.constant 0 : index
      %get3A_39 = arith.constant 0 : index
      %get3A_40 = vector.load %arg12[%get3A_38, %get3A_39] : memref<192x8xf32, #tpu.memory_space<vmem>>, vector<192x8xf32>
      %dot_general3A_41 = arith.constant dense<0.000000e+00> : vector<512x8xf32>
      %dot_general3A_42 = tpu.matmul %mul3A_37, %get3A_40, %dot_general3A_41 {dimension_numbers = #tpu.dot_dimension_numbers<[1], [0], [0], [1], [0, 0, 1, 1], [], []>, transpose_lhs_hint = false} : vector<512x192xf32>, vector<192x8xf32>, vector<512x8xf32> -> vector<512x8xf32>
      %get3A_43 = arith.constant 0 : index
      %get3A_44 = arith.constant 0 : index
      %get3A_45 = vector.load %arg8[%get3A_43, %get3A_44] : memref<128x8xf32, #tpu.memory_space<vmem>>, vector<128x8xf32>
      %dot_general3A_46 = arith.constant dense<0.000000e+00> : vector<512x8xf32>
      %dot_general3A_47 = tpu.matmul %get3A_29, %get3A_45, %dot_general3A_46 {dimension_numbers = #tpu.dot_dimension_numbers<[1], [0], [0], [1], [0, 0, 1, 1], [], []>, transpose_lhs_hint = false} : vector<512x128xf32>, vector<128x8xf32>, vector<512x8xf32> -> vector<512x8xf32>
      %get3A_48 = arith.constant 0 : index
      %get3A_49 = arith.constant 0 : index
      %get3A_50 = vector.load %arg9[%get3A_48, %get3A_49] : memref<1x8xf32, #tpu.memory_space<vmem>>, vector<1x8xf32>
      %add3A = vector.broadcast %get3A_50 : vector<1x8xf32> to vector<512x8xf32>
      %add3A_51 = arith.addf %dot_general3A_47, %add3A : vector<512x8xf32>
      %mul3A_52 = arith.constant 0.144337565 : f32
      %mul3A_53 = vector.broadcast %mul3A_52 : f32 to vector<512x8xf32>
      %mul3A_54 = arith.mulf %dot_general3A_35, %mul3A_53 : vector<512x8xf32>
      %mul3A_55 = arith.constant 0.577350259 : f32
      %mul3A_56 = vector.broadcast %mul3A_55 : f32 to vector<512x8xf32>
      %mul3A_57 = arith.mulf %add3A_51, %mul3A_56 : vector<512x8xf32>
      %add3A_58 = arith.addf %mul3A_54, %mul3A_57 : vector<512x8xf32>
      %get3A_59 = arith.constant 0 : index
      %get3A_60 = arith.constant 0 : index
      %get3A_61 = vector.load %arg10[%get3A_59, %get3A_60] : memref<1x8xf32, #tpu.memory_space<vmem>>, vector<1x8xf32>
      %mul3A_62 = arith.constant 0.0481125228 : f32
      %mul3A_63 = vector.broadcast %mul3A_62 : f32 to vector<1x8xf32>
      %mul3A_64 = arith.mulf %get3A_61, %mul3A_63 : vector<1x8xf32>
      %mul3A_65 = vector.broadcast %mul3A_64 : vector<1x8xf32> to vector<512x8xf32>
      %mul3A_66 = arith.mulf %dot_general3A_42, %mul3A_65 : vector<512x8xf32>
      %sub3A_67 = arith.subf %add3A_58, %mul3A_66 : vector<512x8xf32>
      %exp3A = math.exp %sub3A_67 : vector<512x8xf32>
      %get3A_68 = arith.constant 0 : index
      %get3A_69 = arith.constant 0 : index
      %get3A_70 = vector.load %arg13[%get3A_68, %get3A_69] : memref<8x128xf32, #tpu.memory_space<vmem>>, vector<8x128xf32>
      %dot_general3A_71 = arith.constant dense<0.000000e+00> : vector<512x128xf32>
      %dot_general3A_72 = tpu.matmul %exp3A, %get3A_70, %dot_general3A_71 {dimension_numbers = #tpu.dot_dimension_numbers<[1], [0], [0], [1], [0, 0, 1, 1], [], []>, transpose_lhs_hint = false} : vector<512x8xf32>, vector<8x128xf32>, vector<512x128xf32> -> vector<512x128xf32>
      %get3A_73 = arith.constant 0 : index
      %get3A_74 = arith.constant 0 : index
      %get3A_75 = vector.load %arg14[%get3A_73, %get3A_74] : memref<8x288xf32, #tpu.memory_space<vmem>>, vector<8x288xf32>
      %dot_general3A_76 = arith.constant dense<0.000000e+00> : vector<512x288xf32>
      %dot_general3A_77 = tpu.matmul %exp3A, %get3A_75, %dot_general3A_76 {dimension_numbers = #tpu.dot_dimension_numbers<[1], [0], [0], [1], [0, 0, 1, 1], [], []>, transpose_lhs_hint = false} : vector<512x8xf32>, vector<8x288xf32>, vector<512x288xf32> -> vector<512x288xf32>
      %get3A_78 = arith.constant 0 : index
      %get3A_79 = arith.constant 0 : index
      %get3A_80 = vector.load %arg15[%get3A_78, %get3A_79] : memref<8x1024xf32, #tpu.memory_space<vmem>>, vector<8x1024xf32>
      %dot_general3A_81 = arith.constant dense<0.000000e+00> : vector<512x1024xf32>
      %dot_general3A_82 = tpu.matmul %exp3A, %get3A_80, %dot_general3A_81 {dimension_numbers = #tpu.dot_dimension_numbers<[1], [0], [0], [1], [0, 0, 1, 1], [], []>, transpose_lhs_hint = false} : vector<512x8xf32>, vector<8x1024xf32>, vector<512x1024xf32> -> vector<512x1024xf32>
      %concatenate3A = tpu.concatenate %get3A_29, %get3A_29, %get3A_29, %get3A_29, %get3A_29, %get3A_29, %get3A_29, %get3A_29 in 1 : vector<512x128xf32>, vector<512x128xf32>, vector<512x128xf32>, vector<512x128xf32>, vector<512x128xf32>, vector<512x128xf32>, vector<512x128xf32>, vector<512x128xf32> -> vector<512x1024xf32>
      %mul3A_83 = arith.mulf %dot_general3A_72, %slice3A_24 : vector<512x128xf32>
      %mul3A_84 = arith.mulf %dot_general3A_77, %slice3A_26 : vector<512x288xf32>
      %mul3A_85 = arith.mulf %dot_general3A_82, %concatenate3A : vector<512x1024xf32>
      %concatenate3A_86 = tpu.concatenate %mul3A_83, %mul3A_84, %mul3A_85, %exp3A in 1 : vector<512x128xf32>, vector<512x288xf32>, vector<512x1024xf32>, vector<512x8xf32> -> vector<512x1448xf32>
      %get3A_87 = arith.constant 0 : index
      %get3A_88 = arith.constant 0 : index
      %get3A_89 = vector.load %arg16[%get3A_87, %get3A_88] : memref<128x1448xf32, #tpu.memory_space<vmem>>, vector<128x1448xf32>
      %dot_general3A_90 = arith.constant dense<0.000000e+00> : vector<128x1448xf32>
      %dot_general3A_91 = tpu.matmul %convert_element_type3A_14, %concatenate3A_86, %dot_general3A_90 {dimension_numbers = #tpu.dot_dimension_numbers<[0], [0], [1], [1], [0, 1, 1, 1], [], []>, transpose_lhs_hint = false} : vector<512x128xf32>, vector<512x1448xf32>, vector<128x1448xf32> -> vector<128x1448xf32>
      %add3A_92 = arith.addf %get3A_89, %dot_general3A_91 : vector<128x1448xf32>
      %swap3A = arith.constant 0 : index
      %swap3A_93 = arith.constant 0 : index
      %swap3A_94 = vector.load %arg16[%swap3A, %swap3A_93] : memref<128x1448xf32, #tpu.memory_space<vmem>>, vector<128x1448xf32>
      tpu.vector_store %arg16[%swap3A, %swap3A_93], %add3A_92 {strides = array<i32>} : memref<128x1448xf32, #tpu.memory_space<vmem>>, vector<128x1448xf32>,
    } else {
    }
    return
  }
  func.func @transform_0(%arg0: i32, %arg1: i32, %arg2: memref<80xi32, #tpu.memory_space<smem>>, %arg3: memref<80xi32, #tpu.memory_space<smem>>) -> (i32, i32) {
    %get3A = arith.index_cast %arg0 : i32 to index
    %get3A_0 = memref.load %arg2[%get3A] : memref<80xi32, #tpu.memory_space<smem>>
    %get3A_1 = arith.index_cast %arg0 : i32 to index
    %get3A_2 = memref.load %arg3[%get3A_1] : memref<80xi32, #tpu.memory_space<smem>>
    %sub3A = arith.constant 1 : i32
    %sub3A_3 = arith.subi %get3A_2, %sub3A : i32
    %max3A = arith.constant 0 : i32
    %max3A_4 = arith.maxsi %sub3A_3, %max3A : i32
    %min3A = arith.minsi %arg1, %max3A_4 : i32
    %add3A = arith.addi %get3A_0, %min3A : i32
    %jit3A = arith.constant 0 : i32
    %jit3A_5 = arith.constant 319 : i32
    %max3A_6 = arith.maxsi %jit3A, %add3A : i32
    %min3A_7 = arith.minsi %jit3A_5, %max3A_6 : i32
    %c0_i32 = arith.constant 0 : i32
    %c0_i32_8 = arith.constant 0 : i32
    return %min3A_7, %c0_i32 : i32, i32
  }
  func.func @transform_1(%arg0: i32, %arg1: i32, %arg2: memref<80xi32, #tpu.memory_space<smem>>, %arg3: memref<80xi32, #tpu.memory_space<smem>>) -> (i32, i32) {
    %get3A = arith.index_cast %arg0 : i32 to index
    %get3A_0 = memref.load %arg2[%get3A] : memref<80xi32, #tpu.memory_space<smem>>
    %get3A_1 = arith.index_cast %arg0 : i32 to index
    %get3A_2 = memref.load %arg3[%get3A_1] : memref<80xi32, #tpu.memory_space<smem>>
    %sub3A = arith.constant 1 : i32
    %sub3A_3 = arith.subi %get3A_2, %sub3A : i32
    %max3A = arith.constant 0 : i32
    %max3A_4 = arith.maxsi %sub3A_3, %max3A : i32
    %min3A = arith.minsi %arg1, %max3A_4 : i32
    %add3A = arith.addi %get3A_0, %min3A : i32
    %jit3A = arith.constant 0 : i32
    %jit3A_5 = arith.constant 319 : i32
    %max3A_6 = arith.maxsi %jit3A, %add3A : i32
    %min3A_7 = arith.minsi %jit3A_5, %max3A_6 : i32
    %c0_i32 = arith.constant 0 : i32
    %c0_i32_8 = arith.constant 0 : i32
    return %min3A_7, %c0_i32 : i32, i32
  }
  func.func @transform_2(%arg0: i32, %arg1: i32, %arg2: memref<80xi32, #tpu.memory_space<smem>>, %arg3: memref<80xi32, #tpu.memory_space<smem>>) -> (i32, i32) {
    %get3A = arith.index_cast %arg0 : i32 to index
    %get3A_0 = memref.load %arg2[%get3A] : memref<80xi32, #tpu.memory_space<smem>>
    %get3A_1 = arith.index_cast %arg0 : i32 to index
    %get3A_2 = memref.load %arg3[%get3A_1] : memref<80xi32, #tpu.memory_space<smem>>
    %sub3A = arith.constant 1 : i32
    %sub3A_3 = arith.subi %get3A_2, %sub3A : i32
    %max3A = arith.constant 0 : i32
    %max3A_4 = arith.maxsi %sub3A_3, %max3A : i32
    %min3A = arith.minsi %arg1, %max3A_4 : i32
    %add3A = arith.addi %get3A_0, %min3A : i32
    %jit3A = arith.constant 0 : i32
    %jit3A_5 = arith.constant 319 : i32
    %max3A_6 = arith.maxsi %jit3A, %add3A : i32
    %min3A_7 = arith.minsi %jit3A_5, %max3A_6 : i32
    %c0_i32 = arith.constant 0 : i32
    %c0_i32_8 = arith.constant 0 : i32
    return %min3A_7, %c0_i32 : i32, i32
  }
  func.func @transform_3(%arg0: i32, %arg1: i32, %arg2: memref<80xi32, #tpu.memory_space<smem>>, %arg3: memref<80xi32, #tpu.memory_space<smem>>) -> (i32, i32) {
    %c0_i32 = arith.constant 0 : i32
    %c0_i32_0 = arith.constant 0 : i32
    return %arg0, %c0_i32 : i32, i32
  }
  func.func @transform_4(%arg0: i32, %arg1: i32, %arg2: memref<80xi32, #tpu.memory_space<smem>>, %arg3: memref<80xi32, #tpu.memory_space<smem>>) -> (i32, i32) {
    %c0_i32 = arith.constant 0 : i32
    %c0_i32_0 = arith.constant 0 : i32
    %c0_i32_1 = arith.constant 0 : i32
    return %c0_i32, %c0_i32_0 : i32, i32
  }
  func.func @transform_5(%arg0: i32, %arg1: i32, %arg2: memref<80xi32, #tpu.memory_space<smem>>, %arg3: memref<80xi32, #tpu.memory_space<smem>>) -> (i32, i32) {
    %c0_i32 = arith.constant 0 : i32
    %c0_i32_0 = arith.constant 0 : i32
    %c0_i32_1 = arith.constant 0 : i32
    return %c0_i32, %c0_i32_0 : i32, i32
  }
  func.func @transform_6(%arg0: i32, %arg1: i32, %arg2: memref<80xi32, #tpu.memory_space<smem>>, %arg3: memref<80xi32, #tpu.memory_space<smem>>) -> (i32, i32) {
    %c0_i32 = arith.constant 0 : i32
    %c0_i32_0 = arith.constant 0 : i32
    %c0_i32_1 = arith.constant 0 : i32
    return %c0_i32, %c0_i32_0 : i32, i32
  }
  func.func @transform_7(%arg0: i32, %arg1: i32, %arg2: memref<80xi32, #tpu.memory_space<smem>>, %arg3: memref<80xi32, #tpu.memory_space<smem>>) -> (i32, i32) {
    %c0_i32 = arith.constant 0 : i32
    %c0_i32_0 = arith.constant 0 : i32
    %c0_i32_1 = arith.constant 0 : i32
    return %c0_i32, %c0_i32_0 : i32, i32
  }
  func.func @transform_8(%arg0: i32, %arg1: i32, %arg2: memref<80xi32, #tpu.memory_space<smem>>, %arg3: memref<80xi32, #tpu.memory_space<smem>>) -> (i32, i32) {
    %c0_i32 = arith.constant 0 : i32
    %c0_i32_0 = arith.constant 0 : i32
    %c0_i32_1 = arith.constant 0 : i32
    return %c0_i32, %c0_i32_0 : i32, i32
  }
  func.func @transform_9(%arg0: i32, %arg1: i32, %arg2: memref<80xi32, #tpu.memory_space<smem>>, %arg3: memref<80xi32, #tpu.memory_space<smem>>) -> (i32, i32) {
    %c0_i32 = arith.constant 0 : i32
    %c0_i32_0 = arith.constant 0 : i32
    %c0_i32_1 = arith.constant 0 : i32
    return %c0_i32, %c0_i32_0 : i32, i32
  }
  func.func @transform_10(%arg0: i32, %arg1: i32, %arg2: memref<80xi32, #tpu.memory_space<smem>>, %arg3: memref<80xi32, #tpu.memory_space<smem>>) -> (i32, i32) {
    %c0_i32 = arith.constant 0 : i32
    %c0_i32_0 = arith.constant 0 : i32
    %c0_i32_1 = arith.constant 0 : i32
    return %c0_i32, %c0_i32_0 : i32, i32
  }
  func.func @transform_11(%arg0: i32, %arg1: i32, %arg2: memref<80xi32, #tpu.memory_space<smem>>, %arg3: memref<80xi32, #tpu.memory_space<smem>>) -> (i32, i32) {
    %c0_i32 = arith.constant 0 : i32
    %c0_i32_0 = arith.constant 0 : i32
    %c0_i32_1 = arith.constant 0 : i32
    return %c0_i32, %c0_i32_0 : i32, i32
  }
  func.func @transform_12(%arg0: i32, %arg1: i32, %arg2: memref<80xi32, #tpu.memory_space<smem>>, %arg3: memref<80xi32, #tpu.memory_space<smem>>) -> (i32, i32) {
    %c0_i32 = arith.constant 0 : i32
    %c0_i32_0 = arith.constant 0 : i32
    return %arg0, %c0_i32 : i32, i32
  }
}

module attributes {stable_mosaic.version = 14 : i64} {
  func.func @_lin_body(%arg0: i32, %arg1: memref<400x1536xf32, #tpu.memory_space<vmem>>, %arg2: memref<1536x128xf32, #tpu.memory_space<vmem>>, %arg3: memref<1x128xf32, #tpu.memory_space<vmem>>, %arg4: memref<400x128xf32, #tpu.memory_space<vmem>>) attributes {dimension_semantics = [#tpu.dimension_semantics<arbitrary>], iteration_bounds = array<i64: 25>, scalar_prefetch = 0 : i64, scratch_operands = 0 : i64, tpu.core_type = #tpu.core_type<tc>, window_params = [{transform_indices = @transform_0, window_bounds = array<i64: 400, 1536>}, {pipeline_mode = #tpu.pipeline_mode<synchronous>, transform_indices = @transform_1, window_bounds = array<i64: 1536, 128>}, {pipeline_mode = #tpu.pipeline_mode<synchronous>, transform_indices = @transform_2, window_bounds = array<i64: 1, 128>}, {transform_indices = @transform_3, window_bounds = array<i64: 400, 128>}]} {
    %get3A = arith.constant 0 : index
    %get3A_0 = arith.constant 0 : index
    %get3A_1 = vector.load %arg1[%get3A, %get3A_0] : memref<400x1536xf32, #tpu.memory_space<vmem>>, vector<400x1536xf32>
    %get3A_2 = arith.constant 0 : index
    %get3A_3 = arith.constant 0 : index
    %get3A_4 = vector.load %arg2[%get3A_2, %get3A_3] : memref<1536x128xf32, #tpu.memory_space<vmem>>, vector<1536x128xf32>
    %dot_general3A = arith.constant dense<0.000000e+00> : vector<400x128xf32>
    %dot_general3A_5 = tpu.matmul %get3A_1, %get3A_4, %dot_general3A {dimension_numbers = #tpu.dot_dimension_numbers<[1], [0], [0], [1], [0, 0, 1, 1], [], []>, transpose_lhs_hint = false} : vector<400x1536xf32>, vector<1536x128xf32>, vector<400x128xf32> -> vector<400x128xf32>
    %get3A_6 = arith.constant 0 : index
    %get3A_7 = arith.constant 0 : index
    %get3A_8 = vector.load %arg3[%get3A_6, %get3A_7] : memref<1x128xf32, #tpu.memory_space<vmem>>, vector<1x128xf32>
    %add3A = vector.broadcast %get3A_8 : vector<1x128xf32> to vector<400x128xf32>
    %add3A_9 = arith.addf %dot_general3A_5, %add3A : vector<400x128xf32>
    %swap3A = arith.constant 0 : index
    %swap3A_10 = arith.constant 0 : index
    %swap3A_11 = vector.load %arg4[%swap3A, %swap3A_10] : memref<400x128xf32, #tpu.memory_space<vmem>>, vector<400x128xf32>
    tpu.vector_store %arg4[%swap3A, %swap3A_10], %add3A_9 {strides = array<i32>} : memref<400x128xf32, #tpu.memory_space<vmem>>, vector<400x128xf32>,
    return
  }
  func.func @transform_0(%arg0: i32) -> (i32, i32) {
    %c0_i32 = arith.constant 0 : i32
    %c0_i32_0 = arith.constant 0 : i32
    return %arg0, %c0_i32 : i32, i32
  }
  func.func @transform_1(%arg0: i32) -> (i32, i32) {
    %c0_i32 = arith.constant 0 : i32
    %c0_i32_0 = arith.constant 0 : i32
    %c0_i32_1 = arith.constant 0 : i32
    return %c0_i32, %c0_i32_0 : i32, i32
  }
  func.func @transform_2(%arg0: i32) -> (i32, i32) {
    %c0_i32 = arith.constant 0 : i32
    %c0_i32_0 = arith.constant 0 : i32
    %c0_i32_1 = arith.constant 0 : i32
    return %c0_i32, %c0_i32_0 : i32, i32
  }
  func.func @transform_3(%arg0: i32) -> (i32, i32) {
    %c0_i32 = arith.constant 0 : i32
    %c0_i32_0 = arith.constant 0 : i32
    return %arg0, %c0_i32 : i32, i32
  }
}

module attributes {stable_mosaic.version = 14 : i64} {
  func.func @_resmlp_body(%arg0: i32, %arg1: memref<400x128xf32, #tpu.memory_space<vmem>>, %arg2: memref<128x128xf32, #tpu.memory_space<vmem>>, %arg3: memref<1x128xf32, #tpu.memory_space<vmem>>, %arg4: memref<128x128xf32, #tpu.memory_space<vmem>>, %arg5: memref<1x128xf32, #tpu.memory_space<vmem>>, %arg6: memref<128x128xf32, #tpu.memory_space<vmem>>, %arg7: memref<1x128xf32, #tpu.memory_space<vmem>>, %arg8: memref<1x128xf32, #tpu.memory_space<vmem>>, %arg9: memref<1x128xf32, #tpu.memory_space<vmem>>, %arg10: memref<400x128xf32, #tpu.memory_space<vmem>>) attributes {dimension_semantics = [#tpu.dimension_semantics<arbitrary>], iteration_bounds = array<i64: 25>, scalar_prefetch = 0 : i64, scratch_operands = 0 : i64, tpu.core_type = #tpu.core_type<tc>, window_params = [{transform_indices = @transform_0, window_bounds = array<i64: 400, 128>}, {pipeline_mode = #tpu.pipeline_mode<synchronous>, transform_indices = @transform_1, window_bounds = array<i64: 128, 128>}, {pipeline_mode = #tpu.pipeline_mode<synchronous>, transform_indices = @transform_2, window_bounds = array<i64: 1, 128>}, {pipeline_mode = #tpu.pipeline_mode<synchronous>, transform_indices = @transform_3, window_bounds = array<i64: 128, 128>}, {pipeline_mode = #tpu.pipeline_mode<synchronous>, transform_indices = @transform_4, window_bounds = array<i64: 1, 128>}, {pipeline_mode = #tpu.pipeline_mode<synchronous>, transform_indices = @transform_5, window_bounds = array<i64: 128, 128>}, {pipeline_mode = #tpu.pipeline_mode<synchronous>, transform_indices = @transform_6, window_bounds = array<i64: 1, 128>}, {pipeline_mode = #tpu.pipeline_mode<synchronous>, transform_indices = @transform_7, window_bounds = array<i64: 1, 128>}, {pipeline_mode = #tpu.pipeline_mode<synchronous>, transform_indices = @transform_8, window_bounds = array<i64: 1, 128>}, {transform_indices = @transform_9, window_bounds = array<i64: 400, 128>}]} {
    %get3A = arith.constant 0 : index
    %get3A_0 = arith.constant 0 : index
    %get3A_1 = vector.load %arg1[%get3A, %get3A_0] : memref<400x128xf32, #tpu.memory_space<vmem>>, vector<400x128xf32>
    %get3A_2 = arith.constant 0 : index
    %get3A_3 = arith.constant 0 : index
    %get3A_4 = vector.load %arg2[%get3A_2, %get3A_3] : memref<128x128xf32, #tpu.memory_space<vmem>>, vector<128x128xf32>
    %dot_general3A = arith.constant dense<0.000000e+00> : vector<400x128xf32>
    %dot_general3A_5 = tpu.matmul %get3A_1, %get3A_4, %dot_general3A {dimension_numbers = #tpu.dot_dimension_numbers<[1], [0], [0], [1], [0, 0, 1, 1], [], []>, transpose_lhs_hint = false} : vector<400x128xf32>, vector<128x128xf32>, vector<400x128xf32> -> vector<400x128xf32>
    %get3A_6 = arith.constant 0 : index
    %get3A_7 = arith.constant 0 : index
    %get3A_8 = vector.load %arg3[%get3A_6, %get3A_7] : memref<1x128xf32, #tpu.memory_space<vmem>>, vector<1x128xf32>
    %add3A = vector.broadcast %get3A_8 : vector<1x128xf32> to vector<400x128xf32>
    %add3A_9 = arith.addf %dot_general3A_5, %add3A : vector<400x128xf32>
    %max3A = arith.constant 0.000000e+00 : f32
    %max3A_10 = vector.broadcast %max3A : f32 to vector<400x128xf32>
    %max3A_11 = arith.maximumf %add3A_9, %max3A_10 : vector<400x128xf32>
    %get3A_12 = arith.constant 0 : index
    %get3A_13 = arith.constant 0 : index
    %get3A_14 = vector.load %arg4[%get3A_12, %get3A_13] : memref<128x128xf32, #tpu.memory_space<vmem>>, vector<128x128xf32>
    %dot_general3A_15 = arith.constant dense<0.000000e+00> : vector<400x128xf32>
    %dot_general3A_16 = tpu.matmul %max3A_11, %get3A_14, %dot_general3A_15 {dimension_numbers = #tpu.dot_dimension_numbers<[1], [0], [0], [1], [0, 0, 1, 1], [], []>, transpose_lhs_hint = false} : vector<400x128xf32>, vector<128x128xf32>, vector<400x128xf32> -> vector<400x128xf32>
    %get3A_17 = arith.constant 0 : index
    %get3A_18 = arith.constant 0 : index
    %get3A_19 = vector.load %arg5[%get3A_17, %get3A_18] : memref<1x128xf32, #tpu.memory_space<vmem>>, vector<1x128xf32>
    %add3A_20 = vector.broadcast %get3A_19 : vector<1x128xf32> to vector<400x128xf32>
    %add3A_21 = arith.addf %dot_general3A_16, %add3A_20 : vector<400x128xf32>
    %max3A_22 = arith.constant 0.000000e+00 : f32
    %max3A_23 = vector.broadcast %max3A_22 : f32 to vector<400x128xf32>
    %max3A_24 = arith.maximumf %add3A_21, %max3A_23 : vector<400x128xf32>
    %get3A_25 = arith.constant 0 : index
    %get3A_26 = arith.constant 0 : index
    %get3A_27 = vector.load %arg6[%get3A_25, %get3A_26] : memref<128x128xf32, #tpu.memory_space<vmem>>, vector<128x128xf32>
    %dot_general3A_28 = arith.constant dense<0.000000e+00> : vector<400x128xf32>
    %dot_general3A_29 = tpu.matmul %max3A_24, %get3A_27, %dot_general3A_28 {dimension_numbers = #tpu.dot_dimension_numbers<[1], [0], [0], [1], [0, 0, 1, 1], [], []>, transpose_lhs_hint = false} : vector<400x128xf32>, vector<128x128xf32>, vector<400x128xf32> -> vector<400x128xf32>
    %get3A_30 = arith.constant 0 : index
    %get3A_31 = arith.constant 0 : index
    %get3A_32 = vector.load %arg7[%get3A_30, %get3A_31] : memref<1x128xf32, #tpu.memory_space<vmem>>, vector<1x128xf32>
    %add3A_33 = vector.broadcast %get3A_32 : vector<1x128xf32> to vector<400x128xf32>
    %add3A_34 = arith.addf %dot_general3A_29, %add3A_33 : vector<400x128xf32>
    %add3A_35 = arith.addf %get3A_1, %add3A_34 : vector<400x128xf32>
    %get3A_36 = arith.constant 0 : index
    %get3A_37 = arith.constant 0 : index
    %get3A_38 = vector.load %arg8[%get3A_36, %get3A_37] : memref<1x128xf32, #tpu.memory_space<vmem>>, vector<1x128xf32>
    %get3A_39 = arith.constant 0 : index
    %get3A_40 = arith.constant 0 : index
    %get3A_41 = vector.load %arg9[%get3A_39, %get3A_40] : memref<1x128xf32, #tpu.memory_space<vmem>>, vector<1x128xf32>
    %reduce_sum3A = arith.constant dense<0.000000e+00> : vector<400xf32>
    %reduce_sum3A_42 = vector.multi_reduction <add>, %add3A_35, %reduce_sum3A [1] : vector<400x128xf32> to vector<400xf32>
    %broadcast_in_dim3A = vector.shape_cast %reduce_sum3A_42 : vector<400xf32> to vector<400x1xf32>
    %div3A = arith.constant 1.280000e+02 : f32
    %div3A_43 = vector.broadcast %div3A : f32 to vector<400x1xf32>
    %div3A_44 = arith.divf %broadcast_in_dim3A, %div3A_43 : vector<400x1xf32>
    %sub3A = vector.broadcast %div3A_44 : vector<400x1xf32> to vector<400x128xf32>
    %sub3A_45 = arith.subf %add3A_35, %sub3A : vector<400x128xf32>
    %integer_pow3A = arith.mulf %sub3A_45, %sub3A_45 : vector<400x128xf32>
    %reduce_sum3A_46 = arith.constant dense<0.000000e+00> : vector<400xf32>
    %reduce_sum3A_47 = vector.multi_reduction <add>, %integer_pow3A, %reduce_sum3A_46 [1] : vector<400x128xf32> to vector<400xf32>
    %broadcast_in_dim3A_48 = vector.shape_cast %reduce_sum3A_47 : vector<400xf32> to vector<400x1xf32>
    %div3A_49 = arith.constant 1.280000e+02 : f32
    %div3A_50 = vector.broadcast %div3A_49 : f32 to vector<400x1xf32>
    %div3A_51 = arith.divf %broadcast_in_dim3A_48, %div3A_50 : vector<400x1xf32>
    %sub3A_52 = vector.broadcast %div3A_44 : vector<400x1xf32> to vector<400x128xf32>
    %sub3A_53 = arith.subf %add3A_35, %sub3A_52 : vector<400x128xf32>
    %add3A_54 = arith.constant 9.99999974E-6 : f32
    %add3A_55 = vector.broadcast %add3A_54 : f32 to vector<400x1xf32>
    %add3A_56 = arith.addf %div3A_51, %add3A_55 : vector<400x1xf32>
    %rsqrt3A = math.rsqrt %add3A_56 : vector<400x1xf32>
    %mul3A = vector.broadcast %rsqrt3A : vector<400x1xf32> to vector<400x128xf32>
    %mul3A_57 = arith.mulf %sub3A_53, %mul3A : vector<400x128xf32>
    %mul3A_58 = vector.broadcast %get3A_38 : vector<1x128xf32> to vector<400x128xf32>
    %mul3A_59 = arith.mulf %mul3A_57, %mul3A_58 : vector<400x128xf32>
    %add3A_60 = vector.broadcast %get3A_41 : vector<1x128xf32> to vector<400x128xf32>
    %add3A_61 = arith.addf %mul3A_59, %add3A_60 : vector<400x128xf32>
    %swap3A = arith.constant 0 : index
    %swap3A_62 = arith.constant 0 : index
    %swap3A_63 = vector.load %arg10[%swap3A, %swap3A_62] : memref<400x128xf32, #tpu.memory_space<vmem>>, vector<400x128xf32>
    tpu.vector_store %arg10[%swap3A, %swap3A_62], %add3A_61 {strides = array<i32>} : memref<400x128xf32, #tpu.memory_space<vmem>>, vector<400x128xf32>,
    return
  }
  func.func @transform_0(%arg0: i32) -> (i32, i32) {
    %c0_i32 = arith.constant 0 : i32
    %c0_i32_0 = arith.constant 0 : i32
    return %arg0, %c0_i32 : i32, i32
  }
  func.func @transform_1(%arg0: i32) -> (i32, i32) {
    %c0_i32 = arith.constant 0 : i32
    %c0_i32_0 = arith.constant 0 : i32
    %c0_i32_1 = arith.constant 0 : i32
    return %c0_i32, %c0_i32_0 : i32, i32
  }
  func.func @transform_2(%arg0: i32) -> (i32, i32) {
    %c0_i32 = arith.constant 0 : i32
    %c0_i32_0 = arith.constant 0 : i32
    %c0_i32_1 = arith.constant 0 : i32
    return %c0_i32, %c0_i32_0 : i32, i32
  }
  func.func @transform_3(%arg0: i32) -> (i32, i32) {
    %c0_i32 = arith.constant 0 : i32
    %c0_i32_0 = arith.constant 0 : i32
    %c0_i32_1 = arith.constant 0 : i32
    return %c0_i32, %c0_i32_0 : i32, i32
  }
  func.func @transform_4(%arg0: i32) -> (i32, i32) {
    %c0_i32 = arith.constant 0 : i32
    %c0_i32_0 = arith.constant 0 : i32
    %c0_i32_1 = arith.constant 0 : i32
    return %c0_i32, %c0_i32_0 : i32, i32
  }
  func.func @transform_5(%arg0: i32) -> (i32, i32) {
    %c0_i32 = arith.constant 0 : i32
    %c0_i32_0 = arith.constant 0 : i32
    %c0_i32_1 = arith.constant 0 : i32
    return %c0_i32, %c0_i32_0 : i32, i32
  }
  func.func @transform_6(%arg0: i32) -> (i32, i32) {
    %c0_i32 = arith.constant 0 : i32
    %c0_i32_0 = arith.constant 0 : i32
    %c0_i32_1 = arith.constant 0 : i32
    return %c0_i32, %c0_i32_0 : i32, i32
  }
  func.func @transform_7(%arg0: i32) -> (i32, i32) {
    %c0_i32 = arith.constant 0 : i32
    %c0_i32_0 = arith.constant 0 : i32
    %c0_i32_1 = arith.constant 0 : i32
    return %c0_i32, %c0_i32_0 : i32, i32
  }
  func.func @transform_8(%arg0: i32) -> (i32, i32) {
    %c0_i32 = arith.constant 0 : i32
    %c0_i32_0 = arith.constant 0 : i32
    %c0_i32_1 = arith.constant 0 : i32
    return %c0_i32, %c0_i32_0 : i32, i32
  }
  func.func @transform_9(%arg0: i32) -> (i32, i32) {
    %c0_i32 = arith.constant 0 : i32
    %c0_i32_0 = arith.constant 0 : i32
    return %arg0, %c0_i32 : i32, i32
  }
}

module attributes {stable_mosaic.version = 14 : i64} {
  func.func @_edge_mlp_body(%arg0: i32, %arg1: memref<640x64xf32, #tpu.memory_space<vmem>>, %arg2: memref<640x64xf32, #tpu.memory_space<vmem>>, %arg3: memref<640x128xf32, #tpu.memory_space<vmem>>, %arg4: memref<64x128xf32, #tpu.memory_space<vmem>>, %arg5: memref<64x128xf32, #tpu.memory_space<vmem>>, %arg6: memref<128x128xf32, #tpu.memory_space<vmem>>, %arg7: memref<1x128xf32, #tpu.memory_space<vmem>>, %arg8: memref<128x128xf32, #tpu.memory_space<vmem>>, %arg9: memref<1x128xf32, #tpu.memory_space<vmem>>, %arg10: memref<1x128xf32, #tpu.memory_space<vmem>>, %arg11: memref<1x128xf32, #tpu.memory_space<vmem>>, %arg12: memref<640x128xf32, #tpu.memory_space<vmem>>) attributes {dimension_semantics = [#tpu.dimension_semantics<arbitrary>], iteration_bounds = array<i64: 256>, scalar_prefetch = 0 : i64, scratch_operands = 0 : i64, tpu.core_type = #tpu.core_type<tc>, window_params = [{transform_indices = @transform_0, window_bounds = array<i64: 640, 64>}, {transform_indices = @transform_1, window_bounds = array<i64: 640, 64>}, {transform_indices = @transform_2, window_bounds = array<i64: 640, 128>}, {pipeline_mode = #tpu.pipeline_mode<synchronous>, transform_indices = @transform_3, window_bounds = array<i64: 64, 128>}, {pipeline_mode = #tpu.pipeline_mode<synchronous>, transform_indices = @transform_4, window_bounds = array<i64: 64, 128>}, {pipeline_mode = #tpu.pipeline_mode<synchronous>, transform_indices = @transform_5, window_bounds = array<i64: 128, 128>}, {pipeline_mode = #tpu.pipeline_mode<synchronous>, transform_indices = @transform_6, window_bounds = array<i64: 1, 128>}, {pipeline_mode = #tpu.pipeline_mode<synchronous>, transform_indices = @transform_7, window_bounds = array<i64: 128, 128>}, {pipeline_mode = #tpu.pipeline_mode<synchronous>, transform_indices = @transform_8, window_bounds = array<i64: 1, 128>}, {pipeline_mode = #tpu.pipeline_mode<synchronous>, transform_indices = @transform_9, window_bounds = array<i64: 1, 128>}, {pipeline_mode = #tpu.pipeline_mode<synchronous>, transform_indices = @transform_10, window_bounds = array<i64: 1, 128>}, {transform_indices = @transform_11, window_bounds = array<i64: 640, 128>}]} {
    %get3A = arith.constant 0 : index
    %get3A_0 = arith.constant 0 : index
    %get3A_1 = vector.load %arg1[%get3A, %get3A_0] : memref<640x64xf32, #tpu.memory_space<vmem>>, vector<640x64xf32>
    %get3A_2 = arith.constant 0 : index
    %get3A_3 = arith.constant 0 : index
    %get3A_4 = vector.load %arg4[%get3A_2, %get3A_3] : memref<64x128xf32, #tpu.memory_space<vmem>>, vector<64x128xf32>
    %dot_general3A = arith.constant dense<0.000000e+00> : vector<640x128xf32>
    %dot_general3A_5 = tpu.matmul %get3A_1, %get3A_4, %dot_general3A {dimension_numbers = #tpu.dot_dimension_numbers<[1], [0], [0], [1], [0, 0, 1, 1], [], []>, transpose_lhs_hint = false} : vector<640x64xf32>, vector<64x128xf32>, vector<640x128xf32> -> vector<640x128xf32>
    %get3A_6 = arith.constant 0 : index
    %get3A_7 = arith.constant 0 : index
    %get3A_8 = vector.load %arg2[%get3A_6, %get3A_7] : memref<640x64xf32, #tpu.memory_space<vmem>>, vector<640x64xf32>
    %get3A_9 = arith.constant 0 : index
    %get3A_10 = arith.constant 0 : index
    %get3A_11 = vector.load %arg5[%get3A_9, %get3A_10] : memref<64x128xf32, #tpu.memory_space<vmem>>, vector<64x128xf32>
    %dot_general3A_12 = arith.constant dense<0.000000e+00> : vector<640x128xf32>
    %dot_general3A_13 = tpu.matmul %get3A_8, %get3A_11, %dot_general3A_12 {dimension_numbers = #tpu.dot_dimension_numbers<[1], [0], [0], [1], [0, 0, 1, 1], [], []>, transpose_lhs_hint = false} : vector<640x64xf32>, vector<64x128xf32>, vector<640x128xf32> -> vector<640x128xf32>
    %add3A = arith.addf %dot_general3A_5, %dot_general3A_13 : vector<640x128xf32>
    %get3A_14 = arith.constant 0 : index
    %get3A_15 = arith.constant 0 : index
    %get3A_16 = vector.load %arg3[%get3A_14, %get3A_15] : memref<640x128xf32, #tpu.memory_space<vmem>>, vector<640x128xf32>
    %get3A_17 = arith.constant 0 : index
    %get3A_18 = arith.constant 0 : index
    %get3A_19 = vector.load %arg6[%get3A_17, %get3A_18] : memref<128x128xf32, #tpu.memory_space<vmem>>, vector<128x128xf32>
    %dot_general3A_20 = arith.constant dense<0.000000e+00> : vector<640x128xf32>
    %dot_general3A_21 = tpu.matmul %get3A_16, %get3A_19, %dot_general3A_20 {dimension_numbers = #tpu.dot_dimension_numbers<[1], [0], [0], [1], [0, 0, 1, 1], [], []>, transpose_lhs_hint = false} : vector<640x128xf32>, vector<128x128xf32>, vector<640x128xf32> -> vector<640x128xf32>
    %add3A_22 = arith.addf %add3A, %dot_general3A_21 : vector<640x128xf32>
    %get3A_23 = arith.constant 0 : index
    %get3A_24 = arith.constant 0 : index
    %get3A_25 = vector.load %arg7[%get3A_23, %get3A_24] : memref<1x128xf32, #tpu.memory_space<vmem>>, vector<1x128xf32>
    %add3A_26 = vector.broadcast %get3A_25 : vector<1x128xf32> to vector<640x128xf32>
    %add3A_27 = arith.addf %add3A_22, %add3A_26 : vector<640x128xf32>
    %max3A = arith.constant 0.000000e+00 : f32
    %max3A_28 = vector.broadcast %max3A : f32 to vector<640x128xf32>
    %max3A_29 = arith.maximumf %add3A_27, %max3A_28 : vector<640x128xf32>
    %get3A_30 = arith.constant 0 : index
    %get3A_31 = arith.constant 0 : index
    %get3A_32 = vector.load %arg8[%get3A_30, %get3A_31] : memref<128x128xf32, #tpu.memory_space<vmem>>, vector<128x128xf32>
    %dot_general3A_33 = arith.constant dense<0.000000e+00> : vector<640x128xf32>
    %dot_general3A_34 = tpu.matmul %max3A_29, %get3A_32, %dot_general3A_33 {dimension_numbers = #tpu.dot_dimension_numbers<[1], [0], [0], [1], [0, 0, 1, 1], [], []>, transpose_lhs_hint = false} : vector<640x128xf32>, vector<128x128xf32>, vector<640x128xf32> -> vector<640x128xf32>
    %get3A_35 = arith.constant 0 : index
    %get3A_36 = arith.constant 0 : index
    %get3A_37 = vector.load %arg9[%get3A_35, %get3A_36] : memref<1x128xf32, #tpu.memory_space<vmem>>, vector<1x128xf32>
    %add3A_38 = vector.broadcast %get3A_37 : vector<1x128xf32> to vector<640x128xf32>
    %add3A_39 = arith.addf %dot_general3A_34, %add3A_38 : vector<640x128xf32>
    %get3A_40 = arith.constant 0 : index
    %get3A_41 = arith.constant 0 : index
    %get3A_42 = vector.load %arg10[%get3A_40, %get3A_41] : memref<1x128xf32, #tpu.memory_space<vmem>>, vector<1x128xf32>
    %get3A_43 = arith.constant 0 : index
    %get3A_44 = arith.constant 0 : index
    %get3A_45 = vector.load %arg11[%get3A_43, %get3A_44] : memref<1x128xf32, #tpu.memory_space<vmem>>, vector<1x128xf32>
    %reduce_sum3A = arith.constant dense<0.000000e+00> : vector<640xf32>
    %reduce_sum3A_46 = vector.multi_reduction <add>, %add3A_39, %reduce_sum3A [1] : vector<640x128xf32> to vector<640xf32>
    %broadcast_in_dim3A = vector.shape_cast %reduce_sum3A_46 : vector<640xf32> to vector<640x1xf32>
    %div3A = arith.constant 1.280000e+02 : f32
    %div3A_47 = vector.broadcast %div3A : f32 to vector<640x1xf32>
    %div3A_48 = arith.divf %broadcast_in_dim3A, %div3A_47 : vector<640x1xf32>
    %sub3A = vector.broadcast %div3A_48 : vector<640x1xf32> to vector<640x128xf32>
    %sub3A_49 = arith.subf %add3A_39, %sub3A : vector<640x128xf32>
    %integer_pow3A = arith.mulf %sub3A_49, %sub3A_49 : vector<640x128xf32>
    %reduce_sum3A_50 = arith.constant dense<0.000000e+00> : vector<640xf32>
    %reduce_sum3A_51 = vector.multi_reduction <add>, %integer_pow3A, %reduce_sum3A_50 [1] : vector<640x128xf32> to vector<640xf32>
    %broadcast_in_dim3A_52 = vector.shape_cast %reduce_sum3A_51 : vector<640xf32> to vector<640x1xf32>
    %div3A_53 = arith.constant 1.280000e+02 : f32
    %div3A_54 = vector.broadcast %div3A_53 : f32 to vector<640x1xf32>
    %div3A_55 = arith.divf %broadcast_in_dim3A_52, %div3A_54 : vector<640x1xf32>
    %sub3A_56 = vector.broadcast %div3A_48 : vector<640x1xf32> to vector<640x128xf32>
    %sub3A_57 = arith.subf %add3A_39, %sub3A_56 : vector<640x128xf32>
    %add3A_58 = arith.constant 9.99999974E-6 : f32
    %add3A_59 = vector.broadcast %add3A_58 : f32 to vector<640x1xf32>
    %add3A_60 = arith.addf %div3A_55, %add3A_59 : vector<640x1xf32>
    %rsqrt3A = math.rsqrt %add3A_60 : vector<640x1xf32>
    %mul3A = vector.broadcast %rsqrt3A : vector<640x1xf32> to vector<640x128xf32>
    %mul3A_61 = arith.mulf %sub3A_57, %mul3A : vector<640x128xf32>
    %mul3A_62 = vector.broadcast %get3A_42 : vector<1x128xf32> to vector<640x128xf32>
    %mul3A_63 = arith.mulf %mul3A_61, %mul3A_62 : vector<640x128xf32>
    %add3A_64 = vector.broadcast %get3A_45 : vector<1x128xf32> to vector<640x128xf32>
    %add3A_65 = arith.addf %mul3A_63, %add3A_64 : vector<640x128xf32>
    %swap3A = arith.constant 0 : index
    %swap3A_66 = arith.constant 0 : index
    %swap3A_67 = vector.load %arg12[%swap3A, %swap3A_66] : memref<640x128xf32, #tpu.memory_space<vmem>>, vector<640x128xf32>
    tpu.vector_store %arg12[%swap3A, %swap3A_66], %add3A_65 {strides = array<i32>} : memref<640x128xf32, #tpu.memory_space<vmem>>, vector<640x128xf32>,
    return
  }
  func.func @transform_0(%arg0: i32) -> (i32, i32) {
    %c0_i32 = arith.constant 0 : i32
    %c0_i32_0 = arith.constant 0 : i32
    return %arg0, %c0_i32 : i32, i32
  }
  func.func @transform_1(%arg0: i32) -> (i32, i32) {
    %c0_i32 = arith.constant 0 : i32
    %c0_i32_0 = arith.constant 0 : i32
    return %arg0, %c0_i32 : i32, i32
  }
  func.func @transform_2(%arg0: i32) -> (i32, i32) {
    %c0_i32 = arith.constant 0 : i32
    %c0_i32_0 = arith.constant 0 : i32
    return %arg0, %c0_i32 : i32, i32
  }
  func.func @transform_3(%arg0: i32) -> (i32, i32) {
    %c0_i32 = arith.constant 0 : i32
    %c0_i32_0 = arith.constant 0 : i32
    %c0_i32_1 = arith.constant 0 : i32
    return %c0_i32, %c0_i32_0 : i32, i32
  }
  func.func @transform_4(%arg0: i32) -> (i32, i32) {
    %c0_i32 = arith.constant 0 : i32
    %c0_i32_0 = arith.constant 0 : i32
    %c0_i32_1 = arith.constant 0 : i32
    return %c0_i32, %c0_i32_0 : i32, i32
  }
  func.func @transform_5(%arg0: i32) -> (i32, i32) {
    %c0_i32 = arith.constant 0 : i32
    %c0_i32_0 = arith.constant 0 : i32
    %c0_i32_1 = arith.constant 0 : i32
    return %c0_i32, %c0_i32_0 : i32, i32
  }
  func.func @transform_6(%arg0: i32) -> (i32, i32) {
    %c0_i32 = arith.constant 0 : i32
    %c0_i32_0 = arith.constant 0 : i32
    %c0_i32_1 = arith.constant 0 : i32
    return %c0_i32, %c0_i32_0 : i32, i32
  }
  func.func @transform_7(%arg0: i32) -> (i32, i32) {
    %c0_i32 = arith.constant 0 : i32
    %c0_i32_0 = arith.constant 0 : i32
    %c0_i32_1 = arith.constant 0 : i32
    return %c0_i32, %c0_i32_0 : i32, i32
  }
  func.func @transform_8(%arg0: i32) -> (i32, i32) {
    %c0_i32 = arith.constant 0 : i32
    %c0_i32_0 = arith.constant 0 : i32
    %c0_i32_1 = arith.constant 0 : i32
    return %c0_i32, %c0_i32_0 : i32, i32
  }
  func.func @transform_9(%arg0: i32) -> (i32, i32) {
    %c0_i32 = arith.constant 0 : i32
    %c0_i32_0 = arith.constant 0 : i32
    %c0_i32_1 = arith.constant 0 : i32
    return %c0_i32, %c0_i32_0 : i32, i32
  }
  func.func @transform_10(%arg0: i32) -> (i32, i32) {
    %c0_i32 = arith.constant 0 : i32
    %c0_i32_0 = arith.constant 0 : i32
    %c0_i32_1 = arith.constant 0 : i32
    return %c0_i32, %c0_i32_0 : i32, i32
  }
  func.func @transform_11(%arg0: i32) -> (i32, i32) {
    %c0_i32 = arith.constant 0 : i32
    %c0_i32_0 = arith.constant 0 : i32
    return %arg0, %c0_i32 : i32, i32
  }
}

</mosaic_0001>

<sc_bundles>
// kernel: gather_offload_async_start.1
scs
__scs_entry_jumppad:
0x0: {  	(pc) =	sbr.rel $0x88, $3  }
0x1: {  	(tag) =	ssettag $0x0;
	lr =	simm.s32 $0x1  }
0x2: {  	[smem:$0x3F49] =	sst lr;
	_ =	strace $0xD0000000  }
0x3: {  	_ = 	snop  }
0x4: {  	_ = 	snop  }
0x5: {  	_ = 	snop  }
0x6: {  	_ = 	snop  }
0x7: {  	_ = 	snop  }
__scs_overlays_trampoline_lowered:
0x8: {  	[smem:$0x3F58] =	sst s0  }
0x9: {  	[smem:$0x3F59] =	sst s1  }
0xa: {  	[smem:$0x3F5A] =	sst s2  }
0xb: {  	[smem:$0x3F5B] =	sst s3  }
0xc: {  	[smem:$0x3F5C] =	sst s4  }
0xd: {  	[smem:$0x3F5D] =	sst s5  }
0xe: {  	[smem:$0x3F5E] =	sst s6  }
0xf: {  	[smem:$0x3F5F] =	sst s7  }
0x10: {  	[smem:$0x3F60] =	sst s8  }
0x11: {  	[smem:$0x3F61] =	sst s9;
	s0 =	simm.s32 @!p0 $0x0  }
0x12: {  	s1 =	sld [smem:$0x3F47];
	s0 =	simm.s32 @p0 $0x1  }
0x13: {  	[smem:$0x3F62] =	sst s0;
	s0 =	simm.s32 @!p1 $0x0  }
0x14: {  	s2 =	sld [smem:$0x3F46];
	s0 =	simm.s32 @p1 $0x1  }
0x15: {  	[smem:$0x3F63] =	sst s0;
	s0 =	simm.s32 @!p2 $0x0  }
0x16: {  	s3 =	sld [smem:$0x3FDB];
	s0 =	simm.s32 @p2 $0x1  }
0x17: {  	s4 =	simm.s32 $0x1BF5;
	[smem:$0x3F65] =	sst s0  }
0x18: {  	s0 =	sld [smem:$0x3F48];
	_ =	swait.ge [sflag:s4], $0x0  }
0x19: {  	s7 =	sld [smem:$0x3F49]  }
0x1a: {  	s8 =	sadd.s32 $0xFFFFE003, lr  }
0x1b: {  	s9 =	sadd.s32 $0xFFFFFEF7, lr;
	s5 =	simm.s32 $0xFFFFFFFF;
	p2 =	slt.u32 s8, $0xFFFFF086  }
0x1c: {  	p1 =	slt.u32 s9, $0xF7A;
	s5 =	simm.s32 @!p2 $0x0  }
0x1d: {  	s5 =	simm.s32 @p1 $0x1;
	p0 =	seq.s32 s7, s2  }
0x1e: {  	s7 =	smul.u32 @!p0 $0xF7A, s2;
	p2 =	seq.s32 @!p0 s5, $0x0  }
0x1f: {  	s9 =	smul.u32 $0xF7A, s1;
	s8 =	simm.s32 @!p0 $0x1BF5;
	p2 =	por !p2, p0  }
0x20: {  	[sflag:s8] =	ssyncset.s32 @!p0 $0xFFFFF086;
	s6 =	sadd.s32 @!p0 s3, s7;
	s7 =	simm.s32 @!p0 $0x108  }
0x21: {  	s3 =	sadd.s32 s3, s9;
	s6 =	sadd.s32 @!p0 $0x88, s6;
	s7 =	simm.s32 @p2 $0x1082  }
0x22: {  	[simem:s7], [sflag:s8] =	dma.local @!p0 [hbm:s6], $0xF7A  }
0x23: {  	s9 =	sor.u32 $0xD0000000, s2;
	s6 =	simm.s32 $0x108;
	_ =	swait.ge @!p0 [sflag:s8], $0x0  }
0x24: {  	s3 =	sadd.s32 $0x88, s3;
	s6 =	simm.s32 @!p1 $0x1082;
	[sflag:s4] =	ssyncset.s32 $0xFFFFF086  }
0x25: {  	[simem:s6], [sflag:s4] =	dma.local [hbm:s3], $0xF7A  }
0x26: {  	[smem:$0x3F49] =	sst s1;
	(tag) =	ssettag s2;
	_ =	strace s9  }
0x27: {  	s1 =	sld [smem:$0x3F59]  }
0x28: {  	s2 =	sld [smem:$0x3F5A]  }
0x29: {  	s4 =	sld [smem:$0x3F5C]  }
0x2a: {  	p0 =	seq.s32 s5, $0x0;
	s5 =	sld [smem:$0x3F5D]  }
0x2b: {  	s6 =	sld [smem:$0x3F5E]  }
0x2c: {  	s7 =	sld [smem:$0x3F5F]  }
0x2d: {  	s3 =	simm.s32 $0x108;
	s8 =	sld [smem:$0x3F60]  }
0x2e: {  	s3 =	simm.s32 @!p0 $0x1082;
	s9 =	sld [smem:$0x3F61]  }
0x2f: {  	lr =	sadd.s32 s0, s3;
	s0 =	sld [smem:$0x3F58]  }
0x30: {  	s3 =	sld [smem:$0x3F5B]  }
0x31: {  	[smem:$0x3F64] =	sst s10  }
0x32: {  	s10 =	sld [smem:$0x3F62];
	_ =	sdelay $0x3  }
0x33: {  	p0 =	seq.s32 s10, $0x1;
	s10 =	sld [smem:$0x3F64];
	_ =	sdelay $0x3  }
0x34: {  	[smem:$0x3F64] =	sst s10  }
0x35: {  	s10 =	sld [smem:$0x3F63];
	_ =	sdelay $0x3  }
0x36: {  	p1 =	seq.s32 s10, $0x1;
	s10 =	sld [smem:$0x3F64];
	_ =	sdelay $0x3  }
0x37: {  	[smem:$0x3F64] =	sst s10  }
0x38: {  	s10 =	sld [smem:$0x3F65]  }
0x39: {  	_ = 	snop;
	(pc) =	sbr.ind lr, $3  }
0x3a: {  	_ = 	snop  }
0x3b: {  	_ = 	snop  }
0x3c: {  	p2 =	seq.s32 s10, $0x1;
	s10 =	sld [smem:$0x3F64]  }
0x3d: {  	_ =	shalt  }
0x3e: {  	_ =	shalt  }
0x3f: {  	_ =	shalt  }
0x40: {  	_ =	shalt  }
0x41: {  	_ =	shalt  }
0x42: {  	_ =	shalt  }
0x43: {  	_ =	shalt  }
0x44: {  	_ =	shalt  }
0x45: {  	_ =	shalt  }
0x46: {  	_ =	shalt  }
0x47: {  	_ =	shalt  }
0x48: {  	_ =	shalt  }
0x49: {  	_ =	shalt  }
0x4a: {  	_ =	shalt  }
0x4b: {  	_ =	shalt  }
0x4c: {  	_ =	shalt  }
0x4d: {  	_ =	shalt  }
0x4e: {  	_ =	shalt  }
0x4f: {  	_ =	shalt  }
0x50: {  	_ =	shalt  }
0x51: {  	_ =	shalt  }
0x52: {  	_ =	shalt  }
0x53: {  	_ =	shalt  }
0x54: {  	_ =	shalt  }
0x55: {  	_ =	shalt  }
0x56: {  	_ =	shalt  }
0x57: {  	_ =	shalt  }
0x58: {  	_ =	shalt  }
0x59: {  	_ =	shalt  }
0x5a: {  	_ =	shalt  }
0x5b: {  	_ =	shalt  }
0x5c: {  	_ =	shalt  }
0x5d: {  	_ =	shalt  }
0x5e: {  	_ =	shalt  }
0x5f: {  	_ =	shalt  }
0x60: {  	_ =	shalt  }
0x61: {  	_ =	shalt  }
0x62: {  	_ =	shalt  }
0x63: {  	_ =	shalt  }
0x64: {  	_ =	shalt  }
0x65: {  	_ =	shalt  }
0x66: {  	_ =	shalt  }
0x67: {  	_ =	shalt  }
0x68: {  	_ =	shalt  }
0x69: {  	_ =	shalt  }
0x6a: {  	_ =	shalt  }
0x6b: {  	_ =	shalt  }
0x6c: {  	_ =	shalt  }
0x6d: {  	_ =	shalt  }
0x6e: {  	_ =	shalt  }
0x6f: {  	_ =	shalt  }
0x70: {  	_ =	shalt  }
0x71: {  	_ =	shalt  }
0x72: {  	_ =	shalt  }
0x73: {  	_ =	shalt  }
0x74: {  	_ =	shalt  }
0x75: {  	_ =	shalt  }
0x76: {  	_ =	shalt  }
0x77: {  	_ =	shalt  }
0x78: {  	_ =	shalt  }
0x79: {  	_ =	shalt  }
0x7a: {  	_ =	shalt  }
0x7b: {  	_ =	shalt  }
0x7c: {  	_ =	shalt  }
0x7d: {  	_ =	shalt  }
0x7e: {  	_ =	shalt  }
0x7f: {  	_ =	shalt  }
0x80: {  	_ =	shalt  }
0x81: {  	_ =	shalt  }
0x82: {  	_ =	shalt  }
0x83: {  	_ =	shalt  }
0x84: {  	_ =	shalt  }
0x85: {  	_ =	shalt  }
0x86: {  	_ =	shalt  }
0x87: {  	_ =	shalt  }
.Lfunc_end0:
.L_simem_size_0:
called_computation.1_lowered:
.L_overlay_start_0:
0x88: {  	s2 =	sld [smem:$0x3FD9]  }
0x89: {  	s3 =	sld [smem:$0x3FFE];
	_ =	sdelay $0x1  }
0x8a: {  	s1 =	srdreg.scid  }
0x8b: {  	s0 =	sand.u32 $0x1, s1  }
0x8c: {  	s17 =	sshll.u32 s0, $0xA;
	s2 =	sadd.s32 s3, s2  }
0x8d: {  	s2 =	sadd.s32 s2, s17  }
0x8e: {  	[smem:$0x3F70] =	sst s2  }
0x8f: {  	_ = 	snop  }
0x90: {  	(tm) =	ssettm $0x1  }
0x91: {  	s18 =	sld [smem:$0x3FFB];
	_ =	sdelay $0x3  }
0x92: {  	_ =	strace s18  }
0x93: {  	s2 =	sld [smem:$0x3FFC];
	_ =	sdelay $0x3  }
0x94: {  	_ =	strace s2  }
0x95: {  	s2 =	sld [smem:$0x3FFD];
	_ =	sdelay $0x3  }
0x96: {  	_ =	strace s2  }
0x97: {  	_ =	strace $0x8FFFFFFF  }
0x98: {  	s19 =	sld [smem:$0x3FDB];
	_ =	sdelay $0x1  }
0x99: {  	s20 =	simm.s32 $_scs_section_size  }
0x9a: {  	s4 =	simm.s32 $_size__tile_overlayer_lowered;
	s5 =	simm.s32 $_tile_overlayer_lowered  }
0x9b: {  	s6 =	simm.s32 $0x1BFF;
	s21 =	sshll.u32 s5, $0x1;
	s3 =	sadd.s32 s20, s19  }
0x9c: {  	s22 =	simm.s32 $0x0;
	s4 =	sshll.u32 s4, $0x1;
	s5 =	sadd.s32 s21, s3  }
0x9d: {  	[timem:s22], [sflag:s6] =	dma.local [hbm:s5], s4  }
0x9e: {  	_ =	swait.ge [sflag:s6], s4  }
0x9f: {  	s4 =	ssub.s32 $0x0, s4;
	[sflag:s6] =	ssyncset.done $0x0  }
0xa0: {  	[sflag:s6] =	ssyncadd.s32 s4;
	_ =	sdelay $0x1  }
0xa1: {  	s23 =	simm.s32 $0x1B8B  }
0xa2: {  	_ =	swait.ge [sflag:s23], $0x1  }
0xa3: {  	[sflag:s23] =	ssyncset.done $0x0  }
0xa4: {  	[sflag:s23] =	ssyncadd.s32 $0xFFFFFFFF  }
0xa5: {  	s4 =	sld [smem:$0x0]  }
0xa6: {  	s5 =	sand.u32 $0xFFFFFFFE, s1  }
0xa7: {  	p0 =	sne.s32 s1, s5  }
0xa8: {  	s5 =	sshll.u32 @p0 s5, $0xE  }
0xa9: {  	s5 =	sadd.s32 @p0 $0x11B8D, s5;
	s6 =	sshll.u32 @p0 s4, $0x11  }
0xaa: {  	s5 =	sor.u32 @p0 s6, s5  }
0xab: {  	[sflag:s5] =	ssyncadd.remote.s32 @p0 $0x1;
	_ =	sdelay $0x1  }
0xac: {  	s5 =	simm.s32 @p0 $0x1B8D  }
0xad: {  	_ =	swait.eq @p0 [sflag:s5], $0x1  }
0xae: {  	[sflag:s5] =	ssyncadd.s32 @p0 $0xFFFFFFFF  }
0xaf: {  	s6 =	sshll.u32 @!p0 s1, $0xE  }
0xb0: {  	s6 =	sor.u32 @!p0 $0x4000, s6;
	s5 =	simm.s32 @!p0 $0x1B8D  }
0xb1: {  	s4 =	sshll.u32 @!p0 s4, $0x11;
	s6 =	sadd.s32 @!p0 $0x11B8D, s6;
	_ =	swait.eq @!p0 [sflag:s5], $0x1  }
0xb2: {  	s4 =	sor.u32 @!p0 s4, s6;
	[sflag:s5] =	ssyncadd.s32 @!p0 $0xFFFFFFFF  }
0xb3: {  	s25 =	simm.s32 $0x1B8E;
	s24 =	sld [smem:$0x3FFE];
	[sflag:s4] =	ssyncadd.remote.s32 @!p0 $0x1  }
0xb4: {  	s26 =	simm.s32 $execute0_lowered;
	[smem:$0x3FD2] =	sst s25  }
0xb5: {  	s5 =	sshll.u32 s26, $0x1;
	_ =	strace $0x80000049;
	[dreg:$0x1] =	wrdreg $0xFFFFFFFF  }
0xb6: {  	s28 =	simm.s32 $_size_execute0_lowered;
	s3 =	sadd.s32 s3, s5;
	[dreg:$0x0] =	wrdreg $0x0  }
0xb7: {  	s5 =	sshll.u32 s28, $0x1;
	[dreg:$0x2] =	wrdreg s3  }
0xb8: {  	[dreg:$0x3] =	wrdreg s5  }
0xb9: {  	[dreg:$0x4] =	wrdreg $0xC0  }
0xba: {  	_ =	task [dreg:s22], $0x5FFFF  }
0xbb: {  	[dreg:$0x1] =	wrdreg $0xFFFFFFFF  }
0xbc: {  	[dreg:$0x0] =	wrdreg $0x60  }
0xbd: {  	[dreg:$0x2] =	wrdreg s24  }
0xbe: {  	[dreg:$0x3] =	wrdreg $0x9  }
0xbf: {  	_ =	task.clear_ibuf [dreg:s22], $0x4FFFF;
	_ =	strace $0x90000049  }
0xc0: {  	s29 =	simm.s32 $0x9;
	_ =	strace $0x8000004B  }
0xc1: {  	_ =	swait.ge [sflag:s29], $0x1  }
0xc2: {  	[sflag:s29] =	ssyncadd.s32 $0xFFFFFFFF  }
0xc3: {  	_ =	strace $0x9000004B  }
0xc4: {  	_ =	sfence  }
0xc5: {  	s30 =	sld [smem:$0x0];
	_ =	sdelay $0x2  }
0xc6: {  	s31 =	sshll.u32 s1, $0xD;
	s1 =	sshrl.u32 s1, $0x2  }
0xc7: {  	s4 =	sand.u32 $0x4000, s31;
	s1 =	sadd.s32 s1, s30  }
0xc8: {  	s0 =	sor.u32 s4, s0;
	s1 =	sshll.u32 s1, $0x11  }
0xc9: {  	s0 =	sor.u32 s1, s0  }
0xca: {  	s0 =	sadd.s32 $0x8F2B, s0  }
0xcb: {  	[sflag:s0] =	ssyncadd.remote.s32 $0x1  }
0xcc: {  	_ =	sfence.sel $0xFFFF  }
0xcd: {  	[dreg:$0x0] =	wrdreg $0xFFFFFFFF;
	(pc) =	sbr.abs _section_cstart, $3  }
0xce: {  	[dreg:$0x1] =	wrdreg $0xFFFFFFFF  }
0xcf: {  	_ =	task.clear_ibuf [dreg:s22], $0x2FFFF;
	_ =	strace $0x9FFFFFFF  }
0xd0: {  	(tm) =	ssettm $0x7FFFFFFF  }
0xd1: {  	_ =	shalt  }
tec
execute0_lowered:
.L_overlay_start_1:
0x0: {  	(tag) =	ssettag $0x1  }
0x1: {  	s8 =	rddreg [dreg:$0x0]  }
0x2: {  	s0 =	rddreg [dreg:$0x1];
	_ =	strace $0x8000004A;
	s1 =	stileid.u32  }
0x3: {  	s3 =	srdreg.scid;
	s4 =	simm.s32 $0x1;
	s7 =	simm.s32 $0x1  }
0x4: {  	s9 =	simm.s32 $0x1;
	s10 =	simm.s32 $0x3;
	s13 =	simm.s32 $0x0  }
0x5: {  	s12 =	simm.s32 $0x0;
	s5 =	sand.u32 $0x1, s3;
	s6 =	sshll.u32 s1, $0x1  }
0x6: {  	s2 =	sadd.s32 $0x1CF800, s8;
	s3 =	sadd.s32 $0x1D4800, s8;
	s5 =	sor.u32 s6, s5  }
.Ltmp0:
0x7: {  	[sflag:s4] =	ssyncpa.u1 $0x0;
	p0 =	slt.u32 s5, $0x9;
	(pc) =	sbr.rel .LBB2_1-.Ltmp0, $4  }
0x8: {  	s6 =	simm.s32 $0x2;
	s7 =	simm.s32 @!p0 $0x0;
	p0 =	sne.s32 s5, $0x8  }
0x9: {  	[sflag:s6] =	ssyncpa.u1 $0x0;
	s5 =	smul.u32 $0xFA0, s5;
	s9 =	simm.s32 @!p0 $0x0  }
0xa: {  	s8 =	sadd.s32 $0x205A00, s8;
	[sflag:s10] =	ssyncpa.u1 $0x0;
	s7 =	sadd.s32 s9, s7  }
0xb: {  	vm0 =	vmmov $0xffff;
	s10 =	simm.s32 $0x0;
	s11 =	smov.u32 s5;
	s9 =	sadd.s32 $0x1, s7  }
.LBB2_4:
0xc: {  	v2 =	vnsel vm1, $0x0, v2  }
0xd: {  	vm1 =	vgt.s32 v0, $0x0;
	v2 =	vmin.u32 v2, $0x270FF  }
0xe: {  	v0 =	vnsel vm1, $0x0, v0  }
0xf: {  	v0 =	vmin.u32 v0, $0x270FF  }
0x10: {  	[tilespmem:s18], [sflag:$0x1] =	stream.indirect_vreg.gather [hbm4b:s2+s10], $0x1, v1, vm0, $0x4038;
	[tilespmem:$0x3E80] =	vst v63  }
0x11: {  	(ifvalue) =	ssetifvalue $0x7FFFFFFF  }
0x12: {  	[tilespmem:s15], [sflag:$0x1] =	stream.indirect_vreg.gather [hbm4b:s2+s10], $0x1, v2, vm0, $0x4038;
	[tilespmem:$0x3E80] =	vst v63  }
0x13: {  	s29 =	sadd.s32 $0x10, s15;
	(ifvalue) =	ssetifvalue $0x7FFFFFFF  }
0x14: {  	[tilespmem:s29], [sflag:$0x1] =	stream.indirect_vreg.gather [hbm4b:s2+s10], $0x1, v0, vm0, $0x4038;
	[tilespmem:$0x3E80] =	vst v63  }
0x15: {  	_ =	swait.ge [sflag:s4], $0xFA0  }
0x16: {  	s30 =	sshrl.u32 s13, $0x3;
	[sflag:s4] =	ssyncset.done $0x0  }
0x17: {  	s31 =	sand.u32 $0x7, s13;
	s15 =	sadd.s32 s8, s30;
	[sflag:s4] =	ssyncadd.s32 $0xFFFFF060  }
0x18: {  	[hbm4b:s15+s31] =	stream.linear.scatter [tilespmem:s14], [sflag:$0x3], $0xFA0, $0x38;
	[tilespmem:$0x3E80] =	vst v63  }
.LBB2_5:
0x19: {  	s15 =	sadd.s32 $0x1F400, s11  }
0x1a: {  	p1 =	sgt.s32 s15, $0x270FF  }
0x1b: {  	s15 =	smov.u32 @p1 s5;
	p1 =	sne.s32 s12, s9  }
.Ltmp1:
0x1c: {  	p0 =	slt.u32 s12, $0x2;
	(pc) =	sbr.rel @!p1 .LBB2_6-.Ltmp1, $4  }
0x1d: {  	s14 =	simm.s32 @!p0 $0x3  }
0x1e: {  	_ =	swait.ge @!p0 [sflag:s14], $0xFA0  }
0x1f: {  	s16 =	sadd.s32 $0x1, s12;
	s13 =	smov.u32 s11;
	[sflag:s14] =	ssyncset.done @!p0 $0x0  }
0x20: {  	s12 =	smov.u32 s16;
	s11 =	smov.u32 s15;
	[sflag:s14] =	ssyncadd.s32 @!p0 $0xFFFFF060  }
.LBB2_1:
0x21: {  	p0 =	sge.u32 s12, s7  }
0x22: {  	s14 =	sxor.u32 @!p0 $0x1, s12  }
0x23: {  	s14 =	smul.u32 @!p0 $0x3E80, s14  }
0x24: {  	s31 =	sadd.s32 $0xFFFFFFFF, s12;
	s15 =	sshrl.u32 @!p0 s11, $0x3  }
0x25: {  	s16 =	sand.u32 @!p0 $0x7, s11;
	s15 =	sadd.s32 @!p0 s3, s15;
	s14 =	sshra.s32 @!p0 s14, $0x2  }
0x26: {  	[tilespmem:s14], [sflag:$0x2] =	stream.linear.gather @!p0 [hbm4b:s15+s16], $0xFA0, $0x38;
	[tilespmem:$0x3E80] =	vst v63  }
0x27: {  	p0 =	sge.u32 s31, s7  }
.Ltmp2:
0x28: {  	_ = 	snop;
	(pc) =	sbr.rel @p0 .LBB2_5-.Ltmp2, $1  }
0x29: {  	_ =	sdelay $0x3  }
0x2a: {  	s14 =	sand.u32 $0x1, s12  }
0x2b: {  	_ =	swait.ge [sflag:s6], $0xFA0;
	p0 =	seq.s32 s14, $0x1;
	s14 =	simm.s32 $0xFA0  }
0x2c: {  	[sflag:s6] =	ssyncset.done $0x0;
	s14 =	simm.s32 @!p0 $0x0  }
0x2d: {  	[sflag:s6] =	ssyncadd.s32 $0xFFFFF060;
	(ifvalue) =	ssetifvalue $0x7FFFFFFF;
	v0 =	vld.msk [tilespmem:s14+$0x0 ss:$0x1], $0xffff;
	_ =	sdelay $0x4  }
0x2e: {  	s15 =	sadd.s32 $0x10, s14;
	vm1 =	vgt.s32 v0, $0x0  }
0x2f: {  	v2 =	vld.msk [tilespmem:s15+$0x0 ss:$0x1], $0xffff;
	v1 =	vnsel vm1, $0x0, v0  }
0x30: {  	v1 =	vmin.u32 v1, $0x270FF;
	_ =	sdelay $0x2  }
0x31: {  	s17 =	simm.s32 $0x20;
	s14 =	sadd.s32 $0x1F40, s14;
	s16 =	sadd.s32 $0x10, s15  }
0x32: {  	s15 =	sadd.s32 $0x10, s14;
	s18 =	smov.u32 s14;
	v0 =	vld.msk [tilespmem:s16+$0x0 ss:$0x1], $0xffff;
	vm1 =	vgt.s32 v2, $0x0;
	(ifvalue) =	ssetifvalue $0x7FFFFFFF  }
.LBB2_3:
0x33: {  	[tilespmem:s18], [sflag:$0x1] =	stream.indirect_vreg.gather [hbm4b:s2+s10], $0x1, v1, vm0, $0x4038;
	[tilespmem:$0x3E80] =	vst v63  }
0x34: {  	s17 =	sadd.s32 $0x10, s17  }
0x35: {  	v2 =	vnsel vm1, $0x0, v2;
	p0 =	slt.u32 s17, $0xF90  }
.Ltmp3:
0x36: {  	s18 =	smov.u32 s15;
	v1 =	vmin.u32 v2, $0x270FF;
	(pc) =	sbr.rel @p0 .LBB2_3-.Ltmp3, $3  }
0x37: {  	_ =	sdelay $0x1  }
0x38: {  	s16 =	sadd.s32 $0x10, s16  }
0x39: {  	vm1 =	vgt.s32 v0, $0x0;
	s15 =	sadd.s32 $0x10, s15;
	v2 =	vmov v0;
	(ifvalue) =	ssetifvalue $0x7FFFFFFF;
	v0 =	vld.msk [tilespmem:s16+$0x0 ss:$0x1], $0xffff  }
.Ltmp4:
0x3a: {  	_ = 	snop;
	(pc) =	sbr.rel .LBB2_4-.Ltmp4, $1  }
0x3b: {  	_ =	sdelay $0x3  }
.LBB2_6:
0x3c: {  	_ =	sfence.sel $0x180000  }
0x3d: {  	s2 =	simm.s32 $0x2;
	[bflag:$0x0] =	sbarrier.arrive $0xFFFF  }
0x3e: {  	s30 =	simm.s32 $0x3;
	[sflag:s2] =	ssyncpa.u1 $0x1  }
0x3f: {  	s31 =	simm.s32 $0x1;
	[sflag:s30] =	ssyncpa.u1 $0x1  }
0x40: {  	[sflag:s31] =	ssyncpa.u1 $0x1  }
0x41: {  	p0 =	sne.s32 s1, $0x0;
	_ =	strace $0x9000004A  }
0x42: {  	s0 =	sadd.s32 @!p0 $0x100000, s0;
	[bflag:$0x2] =	sbarrier.arrive $0xFFFF  }
0x43: {  	[sflag:s0] =	ssyncadd.tile.s32 @!p0 $0x1;
	_ =	shalt  }
.Lfunc_end2:
_tile_overlayer_lowered:
.L_overlay_start_2:
0x44: {  	(tag) =	ssettag $0x2  }
0x45: {  	s0 =	rddreg [dreg:$0x0];
	s2 =	stileid.u32  }
0x46: {  	s1 =	rddreg [dreg:$0x1];
	p0 =	sne.s32 s2, $0x0  }
0x47: {  	s3 =	rddreg [dreg:$0x2];
	[bflag:$0x3] =	sbarrier.arrive $0xFFFF;
	s2 =	simm.s32 @!p0 $0x1C01  }
0x48: {  	[timem:s3], [sflag:s2] =	dma.local @!p0 [hbm:s0], s1  }
0x49: {  	s0 =	simm.s32 @!p0 $0x1  }
0x4a: {  	_ =	swait.ge @!p0 [sflag:s0], s1  }
0x4b: {  	s1 =	ssub.s32 @!p0 $0x0, s1;
	[sflag:s0] =	ssyncset.done @!p0 $0x0  }
0x4c: {  	[sflag:s0] =	ssyncadd.s32 @!p0 s1  }
0x4d: {  	[bflag:$0x3] =	sbarrier.arrive $0xFFFF  }
0x4e: {  	_ =	shalt  }

// kernel: gather_offload_async_start.2
scs
__scs_entry_jumppad:
0x0: {  	(pc) =	sbr.rel $0x88, $3  }
0x1: {  	(tag) =	ssettag $0x0;
	lr =	simm.s32 $0x1  }
0x2: {  	[smem:$0x3F49] =	sst lr;
	_ =	strace $0xD0000000  }
0x3: {  	_ = 	snop  }
0x4: {  	_ = 	snop  }
0x5: {  	_ = 	snop  }
0x6: {  	_ = 	snop  }
0x7: {  	_ = 	snop  }
__scs_overlays_trampoline_lowered:
0x8: {  	[smem:$0x3F58] =	sst s0  }
0x9: {  	[smem:$0x3F59] =	sst s1  }
0xa: {  	[smem:$0x3F5A] =	sst s2  }
0xb: {  	[smem:$0x3F5B] =	sst s3  }
0xc: {  	[smem:$0x3F5C] =	sst s4  }
0xd: {  	[smem:$0x3F5D] =	sst s5  }
0xe: {  	[smem:$0x3F5E] =	sst s6  }
0xf: {  	[smem:$0x3F5F] =	sst s7  }
0x10: {  	[smem:$0x3F60] =	sst s8  }
0x11: {  	[smem:$0x3F61] =	sst s9;
	s0 =	simm.s32 @!p0 $0x0  }
0x12: {  	s1 =	sld [smem:$0x3F47];
	s0 =	simm.s32 @p0 $0x1  }
0x13: {  	[smem:$0x3F62] =	sst s0;
	s0 =	simm.s32 @!p1 $0x0  }
0x14: {  	s2 =	sld [smem:$0x3F46];
	s0 =	simm.s32 @p1 $0x1  }
0x15: {  	[smem:$0x3F63] =	sst s0;
	s0 =	simm.s32 @!p2 $0x0  }
0x16: {  	s3 =	sld [smem:$0x3FDB];
	s0 =	simm.s32 @p2 $0x1  }
0x17: {  	s4 =	simm.s32 $0x1BF5;
	[smem:$0x3F65] =	sst s0  }
0x18: {  	s0 =	sld [smem:$0x3F48];
	_ =	swait.ge [sflag:s4], $0x0  }
0x19: {  	s7 =	sld [smem:$0x3F49]  }
0x1a: {  	s8 =	sadd.s32 $0xFFFFE003, lr  }
0x1b: {  	s9 =	sadd.s32 $0xFFFFFEF7, lr;
	s5 =	simm.s32 $0xFFFFFFFF;
	p2 =	slt.u32 s8, $0xFFFFF086  }
0x1c: {  	p1 =	slt.u32 s9, $0xF7A;
	s5 =	simm.s32 @!p2 $0x0  }
0x1d: {  	s5 =	simm.s32 @p1 $0x1;
	p0 =	seq.s32 s7, s2  }
0x1e: {  	s7 =	smul.u32 @!p0 $0xF7A, s2;
	p2 =	seq.s32 @!p0 s5, $0x0  }
0x1f: {  	s9 =	smul.u32 $0xF7A, s1;
	s8 =	simm.s32 @!p0 $0x1BF5;
	p2 =	por !p2, p0  }
0x20: {  	[sflag:s8] =	ssyncset.s32 @!p0 $0xFFFFF086;
	s6 =	sadd.s32 @!p0 s3, s7;
	s7 =	simm.s32 @!p0 $0x108  }
0x21: {  	s3 =	sadd.s32 s3, s9;
	s6 =	sadd.s32 @!p0 $0x88, s6;
	s7 =	simm.s32 @p2 $0x1082  }
0x22: {  	[simem:s7], [sflag:s8] =	dma.local @!p0 [hbm:s6], $0xF7A  }
0x23: {  	s9 =	sor.u32 $0xD0000000, s2;
	s6 =	simm.s32 $0x108;
	_ =	swait.ge @!p0 [sflag:s8], $0x0  }
0x24: {  	s3 =	sadd.s32 $0x88, s3;
	s6 =	simm.s32 @!p1 $0x1082;
	[sflag:s4] =	ssyncset.s32 $0xFFFFF086  }
0x25: {  	[simem:s6], [sflag:s4] =	dma.local [hbm:s3], $0xF7A  }
0x26: {  	[smem:$0x3F49] =	sst s1;
	(tag) =	ssettag s2;
	_ =	strace s9  }
0x27: {  	s1 =	sld [smem:$0x3F59]  }
0x28: {  	s2 =	sld [smem:$0x3F5A]  }
0x29: {  	s4 =	sld [smem:$0x3F5C]  }
0x2a: {  	p0 =	seq.s32 s5, $0x0;
	s5 =	sld [smem:$0x3F5D]  }
0x2b: {  	s6 =	sld [smem:$0x3F5E]  }
0x2c: {  	s7 =	sld [smem:$0x3F5F]  }
0x2d: {  	s3 =	simm.s32 $0x108;
	s8 =	sld [smem:$0x3F60]  }
0x2e: {  	s3 =	simm.s32 @!p0 $0x1082;
	s9 =	sld [smem:$0x3F61]  }
0x2f: {  	lr =	sadd.s32 s0, s3;
	s0 =	sld [smem:$0x3F58]  }
0x30: {  	s3 =	sld [smem:$0x3F5B]  }
0x31: {  	[smem:$0x3F64] =	sst s10  }
0x32: {  	s10 =	sld [smem:$0x3F62];
	_ =	sdelay $0x3  }
0x33: {  	p0 =	seq.s32 s10, $0x1;
	s10 =	sld [smem:$0x3F64];
	_ =	sdelay $0x3  }
0x34: {  	[smem:$0x3F64] =	sst s10  }
0x35: {  	s10 =	sld [smem:$0x3F63];
	_ =	sdelay $0x3  }
0x36: {  	p1 =	seq.s32 s10, $0x1;
	s10 =	sld [smem:$0x3F64];
	_ =	sdelay $0x3  }
0x37: {  	[smem:$0x3F64] =	sst s10  }
0x38: {  	s10 =	sld [smem:$0x3F65]  }
0x39: {  	_ = 	snop;
	(pc) =	sbr.ind lr, $3  }
0x3a: {  	_ = 	snop  }
0x3b: {  	_ = 	snop  }
0x3c: {  	p2 =	seq.s32 s10, $0x1;
	s10 =	sld [smem:$0x3F64]  }
0x3d: {  	_ =	shalt  }
0x3e: {  	_ =	shalt  }
0x3f: {  	_ =	shalt  }
0x40: {  	_ =	shalt  }
0x41: {  	_ =	shalt  }
0x42: {  	_ =	shalt  }
0x43: {  	_ =	shalt  }
0x44: {  	_ =	shalt  }
0x45: {  	_ =	shalt  }
0x46: {  	_ =	shalt  }
0x47: {  	_ =	shalt  }
0x48: {  	_ =	shalt  }
0x49: {  	_ =	shalt  }
0x4a: {  	_ =	shalt  }
0x4b: {  	_ =	shalt  }
0x4c: {  	_ =	shalt  }
0x4d: {  	_ =	shalt  }
0x4e: {  	_ =	shalt  }
0x4f: {  	_ =	shalt  }
0x50: {  	_ =	shalt  }
0x51: {  	_ =	shalt  }
0x52: {  	_ =	shalt  }
0x53: {  	_ =	shalt  }
0x54: {  	_ =	shalt  }
0x55: {  	_ =	shalt  }
0x56: {  	_ =	shalt  }
0x57: {  	_ =	shalt  }
0x58: {  	_ =	shalt  }
0x59: {  	_ =	shalt  }
0x5a: {  	_ =	shalt  }
0x5b: {  	_ =	shalt  }
0x5c: {  	_ =	shalt  }
0x5d: {  	_ =	shalt  }
0x5e: {  	_ =	shalt  }
0x5f: {  	_ =	shalt  }
0x60: {  	_ =	shalt  }
0x61: {  	_ =	shalt  }
0x62: {  	_ =	shalt  }
0x63: {  	_ =	shalt  }
0x64: {  	_ =	shalt  }
0x65: {  	_ =	shalt  }
0x66: {  	_ =	shalt  }
0x67: {  	_ =	shalt  }
0x68: {  	_ =	shalt  }
0x69: {  	_ =	shalt  }
0x6a: {  	_ =	shalt  }
0x6b: {  	_ =	shalt  }
0x6c: {  	_ =	shalt  }
0x6d: {  	_ =	shalt  }
0x6e: {  	_ =	shalt  }
0x6f: {  	_ =	shalt  }
0x70: {  	_ =	shalt  }
0x71: {  	_ =	shalt  }
0x72: {  	_ =	shalt  }
0x73: {  	_ =	shalt  }
0x74: {  	_ =	shalt  }
0x75: {  	_ =	shalt  }
0x76: {  	_ =	shalt  }
0x77: {  	_ =	shalt  }
0x78: {  	_ =	shalt  }
0x79: {  	_ =	shalt  }
0x7a: {  	_ =	shalt  }
0x7b: {  	_ =	shalt  }
0x7c: {  	_ =	shalt  }
0x7d: {  	_ =	shalt  }
0x7e: {  	_ =	shalt  }
0x7f: {  	_ =	shalt  }
0x80: {  	_ =	shalt  }
0x81: {  	_ =	shalt  }
0x82: {  	_ =	shalt  }
0x83: {  	_ =	shalt  }
0x84: {  	_ =	shalt  }
0x85: {  	_ =	shalt  }
0x86: {  	_ =	shalt  }
0x87: {  	_ =	shalt  }
.Lfunc_end0:
.L_simem_size_0:
called_computation.2_lowered:
.L_overlay_start_0:
0x88: {  	s2 =	sld [smem:$0x3FD9]  }
0x89: {  	s3 =	sld [smem:$0x3FFE];
	_ =	sdelay $0x1  }
0x8a: {  	s1 =	srdreg.scid  }
0x8b: {  	s0 =	sand.u32 $0x1, s1  }
0x8c: {  	s17 =	sshll.u32 s0, $0xA;
	s2 =	sadd.s32 s3, s2  }
0x8d: {  	s2 =	sadd.s32 s2, s17  }
0x8e: {  	[smem:$0x3F70] =	sst s2  }
0x8f: {  	_ = 	snop  }
0x90: {  	s18 =	sld [smem:$0x3FC7];
	(tm) =	ssettm $0x1  }
0x91: {  	s19 =	sld [smem:$0x3FFB];
	_ =	sdelay $0x3  }
0x92: {  	_ =	strace s19  }
0x93: {  	s2 =	sld [smem:$0x3FFC];
	_ =	sdelay $0x3  }
0x94: {  	_ =	strace s2  }
0x95: {  	s2 =	sld [smem:$0x3FFD];
	_ =	sdelay $0x3  }
0x96: {  	_ =	strace s2  }
0x97: {  	_ =	strace $0x8FFFFFFF  }
0x98: {  	s20 =	sld [smem:$0x3FDB];
	_ =	sdelay $0x1  }
0x99: {  	s4 =	simm.s32 $_scs_section_size  }
0x9a: {  	s5 =	simm.s32 $_size__tile_overlayer_lowered;
	s6 =	simm.s32 $_tile_overlayer_lowered  }
0x9b: {  	s7 =	simm.s32 $0x1BFF;
	s21 =	sshll.u32 s6, $0x1;
	s4 =	sadd.s32 s4, s20  }
0x9c: {  	s22 =	simm.s32 $0x0;
	s5 =	sshll.u32 s5, $0x1;
	s6 =	sadd.s32 s21, s4  }
0x9d: {  	[timem:s22], [sflag:s7] =	dma.local [hbm:s6], s5  }
0x9e: {  	_ =	swait.ge [sflag:s7], s5  }
0x9f: {  	s5 =	ssub.s32 $0x0, s5;
	[sflag:s7] =	ssyncset.done $0x0  }
0xa0: {  	[sflag:s7] =	ssyncadd.s32 s5;
	_ =	sdelay $0x1  }
0xa1: {  	s23 =	simm.s32 $0x1B8B  }
0xa2: {  	_ =	swait.ge [sflag:s23], $0x1  }
0xa3: {  	[sflag:s23] =	ssyncset.done $0x0  }
0xa4: {  	[sflag:s23] =	ssyncadd.s32 $0xFFFFFFFF  }
0xa5: {  	s5 =	sld [smem:$0x0]  }
0xa6: {  	s6 =	sand.u32 $0xFFFFFFFE, s1  }
0xa7: {  	p0 =	sne.s32 s1, s6  }
0xa8: {  	s6 =	sshll.u32 @p0 s6, $0xE  }
0xa9: {  	s6 =	sadd.s32 @p0 $0x11B8D, s6;
	s7 =	sshll.u32 @p0 s5, $0x11  }
0xaa: {  	s6 =	sor.u32 @p0 s7, s6  }
0xab: {  	[sflag:s6] =	ssyncadd.remote.s32 @p0 $0x1;
	_ =	sdelay $0x1  }
0xac: {  	s6 =	simm.s32 @p0 $0x1B8D  }
0xad: {  	_ =	swait.eq @p0 [sflag:s6], $0x1  }
0xae: {  	[sflag:s6] =	ssyncadd.s32 @p0 $0xFFFFFFFF  }
0xaf: {  	s7 =	sshll.u32 @!p0 s1, $0xE  }
0xb0: {  	s7 =	sor.u32 @!p0 $0x4000, s7;
	s6 =	simm.s32 @!p0 $0x1B8D  }
0xb1: {  	s5 =	sshll.u32 @!p0 s5, $0x11;
	s7 =	sadd.s32 @!p0 $0x11B8D, s7;
	_ =	swait.eq @!p0 [sflag:s6], $0x1  }
0xb2: {  	s5 =	sor.u32 @!p0 s5, s7;
	[sflag:s6] =	ssyncadd.s32 @!p0 $0xFFFFFFFF  }
0xb3: {  	s25 =	simm.s32 $0x1B8E;
	s24 =	sld [smem:$0x3FFE];
	[sflag:s5] =	ssyncadd.remote.s32 @!p0 $0x1  }
0xb4: {  	s26 =	simm.s32 $execute0_lowered;
	[smem:$0x3FD2] =	sst s25  }
0xb5: {  	s6 =	sshll.u32 s26, $0x1;
	_ =	strace $0x8000004C;
	[dreg:$0x1] =	wrdreg $0xFFFFFFFF  }
0xb6: {  	s28 =	simm.s32 $_size_execute0_lowered;
	s4 =	sadd.s32 s4, s6;
	[dreg:$0x0] =	wrdreg $0x0  }
0xb7: {  	s6 =	sshll.u32 s28, $0x1;
	[dreg:$0x2] =	wrdreg s4  }
0xb8: {  	[dreg:$0x3] =	wrdreg s6  }
0xb9: {  	[dreg:$0x4] =	wrdreg $0xC0  }
0xba: {  	_ =	task [dreg:s22], $0x5FFFF  }
0xbb: {  	[dreg:$0x1] =	wrdreg $0xFFFFFFFF  }
0xbc: {  	[dreg:$0x0] =	wrdreg $0x60  }
0xbd: {  	[dreg:$0x2] =	wrdreg s18  }
0xbe: {  	[dreg:$0x3] =	wrdreg s24  }
0xbf: {  	[dreg:$0x4] =	wrdreg $0xA  }
0xc0: {  	_ =	task.clear_ibuf [dreg:s22], $0x5FFFF;
	_ =	strace $0x9000004C  }
0xc1: {  	s29 =	simm.s32 $0xA;
	_ =	strace $0x8000004E  }
0xc2: {  	_ =	swait.ge [sflag:s29], $0x1  }
0xc3: {  	[sflag:s29] =	ssyncadd.s32 $0xFFFFFFFF  }
0xc4: {  	_ =	strace $0x9000004E  }
0xc5: {  	_ =	sfence  }
0xc6: {  	s30 =	sld [smem:$0x0];
	_ =	sdelay $0x2  }
0xc7: {  	s31 =	sshll.u32 s1, $0xD;
	s1 =	sshrl.u32 s1, $0x2  }
0xc8: {  	s4 =	sand.u32 $0x4000, s31;
	s1 =	sadd.s32 s1, s30  }
0xc9: {  	s0 =	sor.u32 s4, s0;
	s1 =	sshll.u32 s1, $0x11  }
0xca: {  	s0 =	sor.u32 s1, s0  }
0xcb: {  	s0 =	sadd.s32 $0x8F2B, s0  }
0xcc: {  	[sflag:s0] =	ssyncadd.remote.s32 $0x1  }
0xcd: {  	_ =	sfence.sel $0xFFFF  }
0xce: {  	[dreg:$0x0] =	wrdreg $0xFFFFFFFF;
	(pc) =	sbr.abs _section_cstart, $3  }
0xcf: {  	[dreg:$0x1] =	wrdreg $0xFFFFFFFF  }
0xd0: {  	_ =	task.clear_ibuf [dreg:s22], $0x2FFFF;
	_ =	strace $0x9FFFFFFF  }
0xd1: {  	(tm) =	ssettm $0x7FFFFFFF  }
tec
execute0_lowered:
.L_overlay_start_1:
0x0: {  	(tag) =	ssettag $0x1  }
0x1: {  	s0 =	srdreg.scid  }
0x2: {  	s1 =	sshll.u32 s0, $0x4  }
0x3: {  	s0 =	stileid.u32;
	s1 =	sand.u32 $0x10, s1  }
0x4: {  	s2 =	sor.u32 s0, s1  }
0x5: {  	s1 =	smul.u32 $0xF, s2  }
0x6: {  	s3 =	smin.u32 s2, $0x14  }
0x7: {  	s1 =	sadd.s32 s3, s1  }
0x8: {  	p0 =	slt.u32 s2, $0x14;
	s2 =	simm.s32 $0x1400;
	s1 =	smul.u32 $0x140, s1  }
0x9: {  	s2 =	simm.s32 @!p0 $0x12C0  }
0xa: {  	s2 =	sadd.s32 s2, s1  }
0xb: {  	s3 =	smin.u32 s2, $0x27100  }
0xc: {  	s7 =	ssub.s32 s3, s1  }
0xd: {  	p0 =	sgt.s32 s7, $0x0  }
0xe: {  	s7 =	simm.s32 @!p0 $0x0  }
0xf: {  	s4 =	rddreg [dreg:$0x0];
	s31 =	smulhi.u32 $0x66666667, s7  }
0x10: {  	s9 =	rddreg [dreg:$0x1];
	s6 =	simm.s32 $0x1  }
0x11: {  	s11 =	simm.s32 $0x3;
	s13 =	simm.s32 $0x0;
	s8 =	sshrl.u32 s31, $0x7  }
0x12: {  	s12 =	simm.s32 $0x0;
	s5 =	sadd.s32 $0x1D4800, s9;
	s10 =	smul.u32 $0x140, s8  }
.Ltmp0:
0x13: {  	s9 =	sadd.s32 $0x20AA00, s9;
	s2 =	rddreg [dreg:$0x2];
	(pc) =	sbr.rel .LBB2_1-.Ltmp0, $4  }
0x14: {  	_ =	strace $0x8000004D;
	p0 =	sne.s32 s7, s10;
	s10 =	simm.s32 $0x1  }
0x15: {  	[sflag:s6] =	ssyncpa.u1 $0x0;
	s7 =	simm.s32 $0x2;
	s10 =	simm.s32 @!p0 $0x0  }
0x16: {  	[sflag:s7] =	ssyncpa.u1 $0x0;
	p0 =	por $0x0, $0x0;
	s8 =	sadd.s32 s10, s8  }
0x17: {  	vm0 =	vmmov $0xff;
	vm1 =	vcmask $0x3F20;
	[sflag:s11] =	ssyncpa.u1 $0x0;
	s11 =	smov.u32 s1;
	s10 =	sadd.s32 $0x1, s8  }
.LBB2_6:
0x18: {  	[hbm:s17] =	stream.linear.scatter [tilespmem:s14], [sflag:$0x3], $0x400, $0x38;
	[tilespmem:$0x14280] =	vst v63  }
.LBB2_7:
0x19: {  	s13 =	sadd.s32 $0x140, s11  }
0x1a: {  	s15 =	smov.u32 s1;
	p2 =	slt.s32 s13, s3  }
0x1b: {  	s15 =	smov.u32 @p2 s13;
	p2 =	sne.s32 s12, s10  }
.Ltmp1:
0x1c: {  	p1 =	slt.u32 s12, $0x2;
	(pc) =	sbr.rel @!p2 .LBB2_8-.Ltmp1, $4  }
0x1d: {  	s14 =	simm.s32 @!p1 $0x3  }
0x1e: {  	s16 =	sadd.s32 $0x1, s12;
	_ =	swait.ge @!p1 [sflag:s14], $0xA000  }
0x1f: {  	p0 =	por !p0, !p0;
	s13 =	smov.u32 s11;
	[sflag:s14] =	ssyncset.done @!p1 $0x0  }
0x20: {  	s12 =	smov.u32 s16;
	s11 =	smov.u32 s15;
	[sflag:s14] =	ssyncadd.s32 @!p1 $0xFFFF6000  }
.LBB2_1:
0x21: {  	p1 =	sge.u32 s12, s8  }
0x22: {  	s14 =	sxor.u32 @!p1 $0xFFFFFFFF, s12  }
0x23: {  	s14 =	sand.u32 @!p1 $0x1, s14  }
0x24: {  	s14 =	smul.u32 @!p1 $0x500, s14  }
0x25: {  	s31 =	sadd.s32 $0xFFFFFFFF, s12;
	s15 =	sshrl.u32 @!p1 s11, $0x3  }
0x26: {  	s16 =	sand.u32 @!p1 $0x7, s11;
	s15 =	sadd.s32 @!p1 s5, s15;
	s14 =	sshrl.u32 @!p1 s14, $0x2  }
0x27: {  	[tilespmem:s14], [sflag:$0x2] =	stream.linear.gather @!p1 [hbm4b:s15+s16], $0x140, $0x38;
	[tilespmem:$0x14280] =	vst v63  }
0x28: {  	p1 =	sge.u32 s31, s8  }
.Ltmp2:
0x29: {  	_ = 	snop;
	(pc) =	sbr.rel @p1 .LBB2_7-.Ltmp2, $1  }
0x2a: {  	_ =	sdelay $0x3  }
0x2b: {  	s14 =	simm.s32 $0x1  }
0x2c: {  	s14 =	simm.s32 @!p0 $0x0  }
0x2d: {  	s15 =	smul.u32 $0x500, s14  }
0x2e: {  	_ =	swait.ge [sflag:s7], $0x140  }
0x2f: {  	[sflag:s7] =	ssyncset.done $0x0;
	s16 =	sshrl.u32 s15, $0x2  }
0x30: {  	[sflag:s7] =	ssyncadd.s32 $0xFFFFFEC0;
	s15 =	sadd.s32 $0x0, s16  }
0x31: {  	v0 =	vld.msk [tilespmem:s15+$0x0 ss:$0x1], $0xffff;
	_ =	sdelay $0x4  }
0x32: {  	vm2 =	vgt.s32 v0, $0x0  }
0x33: {  	v0 =	vnsel vm2, $0x0, v0  }
0x34: {  	v0 =	vmin.u32 v0, $0x270FF  }
0x35: {  	v0 =	vshll.u32 v0, $0x4  }
0x36: {  	s14 =	smul.u32 $0x28000, s14;
	_ =	sdelay $0x1  }
0x37: {  	s14 =	sshrl.u32 s14, $0x2  }
0x38: {  	s14 =	sor.u32 $0x280, s14  }
0x39: {  	[tilespmem:s14], [sflag:$0x1] =	stream.indirect_vreg.gather [hbm:s4], $0x80, v0, vm0, $0x38;
	[tilespmem:$0x14280] =	vst v63  }
0x3a: {  	s17 =	sadd.s32 $0x10, s16;
	s15 =	sadd.s32 $0x400, s14  }
0x3b: {  	[tilespmem:s15], [sflag:$0x1] =	stream.indirect_vreg.gather [hbm:s4], $0x80, v0, vm1, $0x38;
	[tilespmem:$0x14280] =	vst v63  }
0x3c: {  	s18 =	simm.s32 $0x80;
	v0 =	vld.msk [tilespmem:s17+$0x0 ss:$0x1], $0xffff;
	s17 =	smov.u32 s14  }
.LBB2_3:
0x3d: {  	p1 =	sne.s32 s18, $0x4C0;
	_ =	sdelay $0x4  }
0x3e: {  	vm2 =	vgt.s32 v0, $0x0  }
0x3f: {  	v0 =	vnsel vm2, $0x0, v0  }
0x40: {  	v0 =	vmin.u32 v0, $0x270FF  }
0x41: {  	v0 =	vshll.u32 v0, $0x4;
	_ =	sdelay $0x3  }
.Ltmp3:
0x42: {  	s19 =	sshra.s32 s18, $0x2;
	s17 =	sadd.s32 $0x800, s17;
	(pc) =	sbr.rel @p1 .LBB2_3-.Ltmp3, $4  }
0x43: {  	[tilespmem:s17], [sflag:$0x1] =	stream.indirect_vreg.gather [hbm:s4], $0x80, v0, vm0, $0x38;
	[tilespmem:$0x14280] =	vst v63  }
0x44: {  	s19 =	sadd.s32 s19, s16;
	s20 =	sadd.s32 $0x400, s17  }
0x45: {  	[tilespmem:s20], [sflag:$0x1] =	stream.indirect_vreg.gather [hbm:s4], $0x80, v0, vm1, $0x38;
	[tilespmem:$0x14280] =	vst v63  }
0x46: {  	s18 =	sadd.s32 $0x40, s18;
	v0 =	vld.msk [tilespmem:s19+$0x0 ss:$0x1], $0xffff  }
0x47: {  	_ =	sdelay $0x3  }
0x48: {  	vm2 =	vgt.s32 v0, $0x0  }
0x49: {  	v0 =	vnsel vm2, $0x0, v0  }
0x4a: {  	v0 =	vmin.u32 v0, $0x270FF  }
0x4b: {  	v0 =	vshll.u32 v0, $0x4;
	_ =	sdelay $0x3  }
0x4c: {  	s16 =	sadd.s32 $0x800, s17  }
0x4d: {  	[tilespmem:s16], [sflag:$0x1] =	stream.indirect_vreg.gather [hbm:s4], $0x80, v0, vm0, $0x38;
	[tilespmem:$0x14280] =	vst v63  }
0x4e: {  	s16 =	sadd.s32 $0x400, s16  }
0x4f: {  	[tilespmem:s16], [sflag:$0x1] =	stream.indirect_vreg.gather [hbm:s4], $0x80, v0, vm1, $0x38;
	[tilespmem:$0x14280] =	vst v63  }
0x50: {  	s13 =	sshll.u32 s13, $0x4;
	_ =	swait.ge [sflag:s6], $0xA000  }
0x51: {  	s13 =	sadd.s32 s13, s9;
	[sflag:s6] =	ssyncset.done $0x0  }
0x52: {  	s17 =	sadd.s32 $0x0, s13;
	s16 =	simm.s32 $0x80;
	[sflag:s6] =	ssyncadd.s32 $0xFFFF6000  }
.LBB2_5:
0x53: {  	[hbm:s17] =	stream.linear.scatter [tilespmem:s14], [sflag:$0x3], $0x400, $0x38;
	[tilespmem:$0x14280] =	vst v63  }
0x54: {  	s17 =	smov.u32 s16;
	s14 =	smov.u32 s15;
	p1 =	sne.s32 s16, $0x1380  }
.Ltmp4:
0x55: {  	s16 =	sadd.s32 $0x80, s16;
	(pc) =	sbr.rel @p1 .LBB2_5-.Ltmp4, $2  }
0x56: {  	_ =	sdelay $0x2  }
0x57: {  	s15 =	sadd.s32 $0x400, s15;
	s17 =	sadd.s32 s17, s13  }
.Ltmp5:
0x58: {  	_ = 	snop;
	(pc) =	sbr.rel .LBB2_6-.Ltmp5, $1  }
0x59: {  	_ =	sdelay $0x3  }
.LBB2_8:
0x5a: {  	_ =	sfence.sel $0x180000  }
0x5b: {  	s1 =	simm.s32 $0x2;
	[bflag:$0x0] =	sbarrier.arrive $0xFFFF  }
0x5c: {  	s30 =	simm.s32 $0x3;
	[sflag:s1] =	ssyncpa.u1 $0x1  }
0x5d: {  	s31 =	simm.s32 $0x1;
	[sflag:s30] =	ssyncpa.u1 $0x1  }
0x5e: {  	[sflag:s31] =	ssyncpa.u1 $0x1  }
0x5f: {  	p0 =	sne.s32 s0, $0x0;
	_ =	strace $0x9000004D  }
0x60: {  	s0 =	sadd.s32 @!p0 $0x100000, s2;
	[bflag:$0x2] =	sbarrier.arrive $0xFFFF  }
0x61: {  	[sflag:s0] =	ssyncadd.tile.s32 @!p0 $0x1;
	_ =	shalt  }
.Lfunc_end2:
_tile_overlayer_lowered:
.L_overlay_start_2:
0x62: {  	(tag) =	ssettag $0x2  }
0x63: {  	s0 =	rddreg [dreg:$0x0];
	s2 =	stileid.u32  }
0x64: {  	s1 =	rddreg [dreg:$0x1];
	p0 =	sne.s32 s2, $0x0  }
0x65: {  	s3 =	rddreg [dreg:$0x2];
	[bflag:$0x3] =	sbarrier.arrive $0xFFFF;
	s2 =	simm.s32 @!p0 $0x1C01  }
0x66: {  	[timem:s3], [sflag:s2] =	dma.local @!p0 [hbm:s0], s1  }
0x67: {  	s0 =	simm.s32 @!p0 $0x1  }
0x68: {  	_ =	swait.ge @!p0 [sflag:s0], s1  }
0x69: {  	s1 =	ssub.s32 @!p0 $0x0, s1;
	[sflag:s0] =	ssyncset.done @!p0 $0x0  }
0x6a: {  	[sflag:s0] =	ssyncadd.s32 @!p0 s1  }
0x6b: {  	[bflag:$0x3] =	sbarrier.arrive $0xFFFF  }
0x6c: {  	_ =	shalt  }

// kernel: gather_offload_async_start
scs
__scs_entry_jumppad:
0x0: {  	(pc) =	sbr.rel $0x88, $3  }
0x1: {  	(tag) =	ssettag $0x0;
	lr =	simm.s32 $0x1  }
0x2: {  	[smem:$0x3F49] =	sst lr;
	_ =	strace $0xD0000000  }
0x3: {  	_ = 	snop  }
0x4: {  	_ = 	snop  }
0x5: {  	_ = 	snop  }
0x6: {  	_ = 	snop  }
0x7: {  	_ = 	snop  }
__scs_overlays_trampoline_lowered:
0x8: {  	[smem:$0x3F58] =	sst s0  }
0x9: {  	[smem:$0x3F59] =	sst s1  }
0xa: {  	[smem:$0x3F5A] =	sst s2  }
0xb: {  	[smem:$0x3F5B] =	sst s3  }
0xc: {  	[smem:$0x3F5C] =	sst s4  }
0xd: {  	[smem:$0x3F5D] =	sst s5  }
0xe: {  	[smem:$0x3F5E] =	sst s6  }
0xf: {  	[smem:$0x3F5F] =	sst s7  }
0x10: {  	[smem:$0x3F60] =	sst s8  }
0x11: {  	[smem:$0x3F61] =	sst s9;
	s0 =	simm.s32 @!p0 $0x0  }
0x12: {  	s1 =	sld [smem:$0x3F47];
	s0 =	simm.s32 @p0 $0x1  }
0x13: {  	[smem:$0x3F62] =	sst s0;
	s0 =	simm.s32 @!p1 $0x0  }
0x14: {  	s2 =	sld [smem:$0x3F46];
	s0 =	simm.s32 @p1 $0x1  }
0x15: {  	[smem:$0x3F63] =	sst s0;
	s0 =	simm.s32 @!p2 $0x0  }
0x16: {  	s3 =	sld [smem:$0x3FDB];
	s0 =	simm.s32 @p2 $0x1  }
0x17: {  	s4 =	simm.s32 $0x1BF5;
	[smem:$0x3F65] =	sst s0  }
0x18: {  	s0 =	sld [smem:$0x3F48];
	_ =	swait.ge [sflag:s4], $0x0  }
0x19: {  	s7 =	sld [smem:$0x3F49]  }
0x1a: {  	s8 =	sadd.s32 $0xFFFFE003, lr  }
0x1b: {  	s9 =	sadd.s32 $0xFFFFFEF7, lr;
	s5 =	simm.s32 $0xFFFFFFFF;
	p2 =	slt.u32 s8, $0xFFFFF086  }
0x1c: {  	p1 =	slt.u32 s9, $0xF7A;
	s5 =	simm.s32 @!p2 $0x0  }
0x1d: {  	s5 =	simm.s32 @p1 $0x1;
	p0 =	seq.s32 s7, s2  }
0x1e: {  	s7 =	smul.u32 @!p0 $0xF7A, s2;
	p2 =	seq.s32 @!p0 s5, $0x0  }
0x1f: {  	s9 =	smul.u32 $0xF7A, s1;
	s8 =	simm.s32 @!p0 $0x1BF5;
	p2 =	por !p2, p0  }
0x20: {  	[sflag:s8] =	ssyncset.s32 @!p0 $0xFFFFF086;
	s6 =	sadd.s32 @!p0 s3, s7;
	s7 =	simm.s32 @!p0 $0x108  }
0x21: {  	s3 =	sadd.s32 s3, s9;
	s6 =	sadd.s32 @!p0 $0x88, s6;
	s7 =	simm.s32 @p2 $0x1082  }
0x22: {  	[simem:s7], [sflag:s8] =	dma.local @!p0 [hbm:s6], $0xF7A  }
0x23: {  	s9 =	sor.u32 $0xD0000000, s2;
	s6 =	simm.s32 $0x108;
	_ =	swait.ge @!p0 [sflag:s8], $0x0  }
0x24: {  	s3 =	sadd.s32 $0x88, s3;
	s6 =	simm.s32 @!p1 $0x1082;
	[sflag:s4] =	ssyncset.s32 $0xFFFFF086  }
0x25: {  	[simem:s6], [sflag:s4] =	dma.local [hbm:s3], $0xF7A  }
0x26: {  	[smem:$0x3F49] =	sst s1;
	(tag) =	ssettag s2;
	_ =	strace s9  }
0x27: {  	s1 =	sld [smem:$0x3F59]  }
0x28: {  	s2 =	sld [smem:$0x3F5A]  }
0x29: {  	s4 =	sld [smem:$0x3F5C]  }
0x2a: {  	p0 =	seq.s32 s5, $0x0;
	s5 =	sld [smem:$0x3F5D]  }
0x2b: {  	s6 =	sld [smem:$0x3F5E]  }
0x2c: {  	s7 =	sld [smem:$0x3F5F]  }
0x2d: {  	s3 =	simm.s32 $0x108;
	s8 =	sld [smem:$0x3F60]  }
0x2e: {  	s3 =	simm.s32 @!p0 $0x1082;
	s9 =	sld [smem:$0x3F61]  }
0x2f: {  	lr =	sadd.s32 s0, s3;
	s0 =	sld [smem:$0x3F58]  }
0x30: {  	s3 =	sld [smem:$0x3F5B]  }
0x31: {  	[smem:$0x3F64] =	sst s10  }
0x32: {  	s10 =	sld [smem:$0x3F62];
	_ =	sdelay $0x3  }
0x33: {  	p0 =	seq.s32 s10, $0x1;
	s10 =	sld [smem:$0x3F64];
	_ =	sdelay $0x3  }
0x34: {  	[smem:$0x3F64] =	sst s10  }
0x35: {  	s10 =	sld [smem:$0x3F63];
	_ =	sdelay $0x3  }
0x36: {  	p1 =	seq.s32 s10, $0x1;
	s10 =	sld [smem:$0x3F64];
	_ =	sdelay $0x3  }
0x37: {  	[smem:$0x3F64] =	sst s10  }
0x38: {  	s10 =	sld [smem:$0x3F65]  }
0x39: {  	_ = 	snop;
	(pc) =	sbr.ind lr, $3  }
0x3a: {  	_ = 	snop  }
0x3b: {  	_ = 	snop  }
0x3c: {  	p2 =	seq.s32 s10, $0x1;
	s10 =	sld [smem:$0x3F64]  }
0x3d: {  	_ =	shalt  }
0x3e: {  	_ =	shalt  }
0x3f: {  	_ =	shalt  }
0x40: {  	_ =	shalt  }
0x41: {  	_ =	shalt  }
0x42: {  	_ =	shalt  }
0x43: {  	_ =	shalt  }
0x44: {  	_ =	shalt  }
0x45: {  	_ =	shalt  }
0x46: {  	_ =	shalt  }
0x47: {  	_ =	shalt  }
0x48: {  	_ =	shalt  }
0x49: {  	_ =	shalt  }
0x4a: {  	_ =	shalt  }
0x4b: {  	_ =	shalt  }
0x4c: {  	_ =	shalt  }
0x4d: {  	_ =	shalt  }
0x4e: {  	_ =	shalt  }
0x4f: {  	_ =	shalt  }
0x50: {  	_ =	shalt  }
0x51: {  	_ =	shalt  }
0x52: {  	_ =	shalt  }
0x53: {  	_ =	shalt  }
0x54: {  	_ =	shalt  }
0x55: {  	_ =	shalt  }
0x56: {  	_ =	shalt  }
0x57: {  	_ =	shalt  }
0x58: {  	_ =	shalt  }
0x59: {  	_ =	shalt  }
0x5a: {  	_ =	shalt  }
0x5b: {  	_ =	shalt  }
0x5c: {  	_ =	shalt  }
0x5d: {  	_ =	shalt  }
0x5e: {  	_ =	shalt  }
0x5f: {  	_ =	shalt  }
0x60: {  	_ =	shalt  }
0x61: {  	_ =	shalt  }
0x62: {  	_ =	shalt  }
0x63: {  	_ =	shalt  }
0x64: {  	_ =	shalt  }
0x65: {  	_ =	shalt  }
0x66: {  	_ =	shalt  }
0x67: {  	_ =	shalt  }
0x68: {  	_ =	shalt  }
0x69: {  	_ =	shalt  }
0x6a: {  	_ =	shalt  }
0x6b: {  	_ =	shalt  }
0x6c: {  	_ =	shalt  }
0x6d: {  	_ =	shalt  }
0x6e: {  	_ =	shalt  }
0x6f: {  	_ =	shalt  }
0x70: {  	_ =	shalt  }
0x71: {  	_ =	shalt  }
0x72: {  	_ =	shalt  }
0x73: {  	_ =	shalt  }
0x74: {  	_ =	shalt  }
0x75: {  	_ =	shalt  }
0x76: {  	_ =	shalt  }
0x77: {  	_ =	shalt  }
0x78: {  	_ =	shalt  }
0x79: {  	_ =	shalt  }
0x7a: {  	_ =	shalt  }
0x7b: {  	_ =	shalt  }
0x7c: {  	_ =	shalt  }
0x7d: {  	_ =	shalt  }
0x7e: {  	_ =	shalt  }
0x7f: {  	_ =	shalt  }
0x80: {  	_ =	shalt  }
0x81: {  	_ =	shalt  }
0x82: {  	_ =	shalt  }
0x83: {  	_ =	shalt  }
0x84: {  	_ =	shalt  }
0x85: {  	_ =	shalt  }
0x86: {  	_ =	shalt  }
0x87: {  	_ =	shalt  }
.Lfunc_end0:
.L_simem_size_0:
called_computation_lowered:
.L_overlay_start_0:
0x88: {  	s2 =	sld [smem:$0x3FD9]  }
0x89: {  	s3 =	sld [smem:$0x3FFE];
	_ =	sdelay $0x1  }
0x8a: {  	s1 =	srdreg.scid  }
0x8b: {  	s0 =	sand.u32 $0x1, s1  }
0x8c: {  	s16 =	sshll.u32 s0, $0xA;
	s2 =	sadd.s32 s3, s2  }
0x8d: {  	s2 =	sadd.s32 s2, s16  }
0x8e: {  	[smem:$0x3F70] =	sst s2  }
0x8f: {  	_ = 	snop  }
0x90: {  	(tm) =	ssettm $0x1  }
0x91: {  	s17 =	sld [smem:$0x3FFB];
	_ =	sdelay $0x3  }
0x92: {  	_ =	strace s17  }
0x93: {  	s2 =	sld [smem:$0x3FFC];
	_ =	sdelay $0x3  }
0x94: {  	_ =	strace s2  }
0x95: {  	s2 =	sld [smem:$0x3FFD];
	_ =	sdelay $0x3  }
0x96: {  	_ =	strace s2  }
0x97: {  	_ =	strace $0x8FFFFFFF  }
0x98: {  	s18 =	sld [smem:$0x3FDB];
	_ =	sdelay $0x1  }
0x99: {  	s19 =	simm.s32 $_scs_section_size  }
0x9a: {  	s4 =	simm.s32 $_size__tile_overlayer_lowered;
	s5 =	simm.s32 $_tile_overlayer_lowered  }
0x9b: {  	s22 =	simm.s32 $0x1BFF;
	s21 =	sshll.u32 s5, $0x1;
	s2 =	sadd.s32 s19, s18  }
0x9c: {  	s6 =	simm.s32 $0x0;
	s20 =	sshll.u32 s4, $0x1;
	s4 =	sadd.s32 s21, s2  }
0x9d: {  	[timem:s6], [sflag:s22] =	dma.local [hbm:s4], s20  }
0x9e: {  	_ =	swait.ge [sflag:s22], s20  }
0x9f: {  	s3 =	ssub.s32 $0x0, s20;
	[sflag:s22] =	ssyncset.done $0x0  }
0xa0: {  	[sflag:s22] =	ssyncadd.s32 s3;
	_ =	sdelay $0x1  }
0xa1: {  	s23 =	simm.s32 $0x1B8B  }
0xa2: {  	_ =	swait.ge [sflag:s23], $0x1  }
0xa3: {  	[sflag:s23] =	ssyncset.done $0x0  }
0xa4: {  	s25 =	simm.s32 $0x1B8E;
	s24 =	sld [smem:$0x3FFE];
	[sflag:s23] =	ssyncadd.s32 $0xFFFFFFFF  }
0xa5: {  	s26 =	simm.s32 $execute0_lowered;
	[smem:$0x3FD2] =	sst s25  }
0xa6: {  	s4 =	sshll.u32 s26, $0x1;
	_ =	strace $0x80000046;
	[dreg:$0x1] =	wrdreg $0xFFFFFFFF  }
0xa7: {  	s28 =	simm.s32 $_size_execute0_lowered;
	s2 =	sadd.s32 s2, s4;
	[dreg:$0x0] =	wrdreg $0x0  }
0xa8: {  	s4 =	sshll.u32 s28, $0x1;
	[dreg:$0x2] =	wrdreg s2  }
0xa9: {  	[dreg:$0x3] =	wrdreg s4  }
0xaa: {  	[dreg:$0x4] =	wrdreg $0xC0  }
0xab: {  	_ =	task [dreg:s6], $0x5FFFF  }
0xac: {  	[dreg:$0x1] =	wrdreg $0xFFFFFFFF  }
0xad: {  	[dreg:$0x0] =	wrdreg $0x60  }
0xae: {  	[dreg:$0x2] =	wrdreg s24  }
0xaf: {  	[dreg:$0x3] =	wrdreg $0xB  }
0xb0: {  	_ =	task.clear_ibuf [dreg:s6], $0x4FFFF;
	_ =	strace $0x90000046  }
0xb1: {  	s29 =	simm.s32 $0xB;
	_ =	strace $0x80000048  }
0xb2: {  	_ =	swait.ge [sflag:s29], $0x1  }
0xb3: {  	[sflag:s29] =	ssyncadd.s32 $0xFFFFFFFF  }
0xb4: {  	_ =	strace $0x90000048  }
0xb5: {  	_ =	sfence  }
0xb6: {  	s30 =	sld [smem:$0x0];
	_ =	sdelay $0x2  }
0xb7: {  	s31 =	sshll.u32 s1, $0xD;
	s1 =	sshrl.u32 s1, $0x2  }
0xb8: {  	s3 =	sand.u32 $0x4000, s31;
	s1 =	sadd.s32 s1, s30  }
0xb9: {  	s0 =	sor.u32 s3, s0;
	s1 =	sshll.u32 s1, $0x11  }
0xba: {  	s0 =	sor.u32 s1, s0  }
0xbb: {  	s0 =	sadd.s32 $0x8F2B, s0  }
0xbc: {  	[sflag:s0] =	ssyncadd.remote.s32 $0x1  }
0xbd: {  	_ =	sfence.sel $0xFFFF  }
0xbe: {  	[dreg:$0x0] =	wrdreg $0xFFFFFFFF;
	(pc) =	sbr.abs _section_cstart, $3  }
0xbf: {  	[dreg:$0x1] =	wrdreg $0xFFFFFFFF  }
0xc0: {  	_ =	task.clear_ibuf [dreg:s6], $0x2FFFF;
	_ =	strace $0x9FFFFFFF  }
0xc1: {  	(tm) =	ssettm $0x7FFFFFFF  }
tec
execute0_lowered:
.L_overlay_start_1:
0x0: {  	(tag) =	ssettag $0x1  }
0x1: {  	s8 =	rddreg [dreg:$0x0]  }
0x2: {  	s0 =	rddreg [dreg:$0x1];
	_ =	strace $0x80000047;
	s1 =	stileid.u32  }
0x3: {  	s3 =	srdreg.scid;
	s4 =	simm.s32 $0x1;
	s7 =	simm.s32 $0x1  }
0x4: {  	s9 =	simm.s32 $0x1;
	s10 =	simm.s32 $0x3;
	s13 =	simm.s32 $0x0  }
0x5: {  	s12 =	simm.s32 $0x0;
	s5 =	sand.u32 $0x1, s3;
	s6 =	sshll.u32 s1, $0x1  }
0x6: {  	s2 =	sadd.s32 $0x1CA800, s8;
	s3 =	sadd.s32 $0x1D4800, s8;
	s5 =	sor.u32 s6, s5  }
.Ltmp0:
0x7: {  	[sflag:s4] =	ssyncpa.u1 $0x0;
	p0 =	slt.u32 s5, $0x9;
	(pc) =	sbr.rel .LBB2_1-.Ltmp0, $4  }
0x8: {  	s6 =	simm.s32 $0x2;
	s7 =	simm.s32 @!p0 $0x0;
	p0 =	sne.s32 s5, $0x8  }
0x9: {  	[sflag:s6] =	ssyncpa.u1 $0x0;
	s5 =	smul.u32 $0xFA0, s5;
	s9 =	simm.s32 @!p0 $0x0  }
0xa: {  	s8 =	sadd.s32 $0x1D9800, s8;
	[sflag:s10] =	ssyncpa.u1 $0x0;
	s7 =	sadd.s32 s9, s7  }
0xb: {  	vm0 =	vmmov $0xffff;
	s10 =	simm.s32 $0x0;
	s11 =	smov.u32 s5;
	s9 =	sadd.s32 $0x1, s7  }
.LBB2_4:
0xc: {  	v2 =	vnsel vm1, $0x0, v2  }
0xd: {  	vm1 =	vgt.s32 v0, $0x0;
	v2 =	vmin.u32 v2, $0x270FF  }
0xe: {  	v0 =	vnsel vm1, $0x0, v0  }
0xf: {  	v0 =	vmin.u32 v0, $0x270FF  }
0x10: {  	[tilespmem:s18], [sflag:$0x1] =	stream.indirect_vreg.gather [hbm4b:s2+s10], $0x1, v1, vm0, $0x4038;
	[tilespmem:$0x3E80] =	vst v63  }
0x11: {  	(ifvalue) =	ssetifvalue $0x7FFFFFFF  }
0x12: {  	[tilespmem:s15], [sflag:$0x1] =	stream.indirect_vreg.gather [hbm4b:s2+s10], $0x1, v2, vm0, $0x4038;
	[tilespmem:$0x3E80] =	vst v63  }
0x13: {  	s29 =	sadd.s32 $0x10, s15;
	(ifvalue) =	ssetifvalue $0x7FFFFFFF  }
0x14: {  	[tilespmem:s29], [sflag:$0x1] =	stream.indirect_vreg.gather [hbm4b:s2+s10], $0x1, v0, vm0, $0x4038;
	[tilespmem:$0x3E80] =	vst v63  }
0x15: {  	_ =	swait.ge [sflag:s4], $0xFA0  }
0x16: {  	s30 =	sshrl.u32 s13, $0x3;
	[sflag:s4] =	ssyncset.done $0x0  }
0x17: {  	s31 =	sand.u32 $0x7, s13;
	s15 =	sadd.s32 s8, s30;
	[sflag:s4] =	ssyncadd.s32 $0xFFFFF060  }
0x18: {  	[hbm4b:s15+s31] =	stream.linear.scatter [tilespmem:s14], [sflag:$0x3], $0xFA0, $0x38;
	[tilespmem:$0x3E80] =	vst v63  }
.LBB2_5:
0x19: {  	s15 =	sadd.s32 $0x1F400, s11  }
0x1a: {  	p1 =	sgt.s32 s15, $0x270FF  }
0x1b: {  	s15 =	smov.u32 @p1 s5;
	p1 =	sne.s32 s12, s9  }
.Ltmp1:
0x1c: {  	p0 =	slt.u32 s12, $0x2;
	(pc) =	sbr.rel @!p1 .LBB2_6-.Ltmp1, $4  }
0x1d: {  	s14 =	simm.s32 @!p0 $0x3  }
0x1e: {  	_ =	swait.ge @!p0 [sflag:s14], $0xFA0  }
0x1f: {  	s16 =	sadd.s32 $0x1, s12;
	s13 =	smov.u32 s11;
	[sflag:s14] =	ssyncset.done @!p0 $0x0  }
0x20: {  	s12 =	smov.u32 s16;
	s11 =	smov.u32 s15;
	[sflag:s14] =	ssyncadd.s32 @!p0 $0xFFFFF060  }
.LBB2_1:
0x21: {  	p0 =	sge.u32 s12, s7  }
0x22: {  	s14 =	sxor.u32 @!p0 $0x1, s12  }
0x23: {  	s14 =	smul.u32 @!p0 $0x3E80, s14  }
0x24: {  	s31 =	sadd.s32 $0xFFFFFFFF, s12;
	s15 =	sshrl.u32 @!p0 s11, $0x3  }
0x25: {  	s16 =	sand.u32 @!p0 $0x7, s11;
	s15 =	sadd.s32 @!p0 s3, s15;
	s14 =	sshra.s32 @!p0 s14, $0x2  }
0x26: {  	[tilespmem:s14], [sflag:$0x2] =	stream.linear.gather @!p0 [hbm4b:s15+s16], $0xFA0, $0x38;
	[tilespmem:$0x3E80] =	vst v63  }
0x27: {  	p0 =	sge.u32 s31, s7  }
.Ltmp2:
0x28: {  	_ = 	snop;
	(pc) =	sbr.rel @p0 .LBB2_5-.Ltmp2, $1  }
0x29: {  	_ =	sdelay $0x3  }
0x2a: {  	s14 =	sand.u32 $0x1, s12  }
0x2b: {  	_ =	swait.ge [sflag:s6], $0xFA0;
	p0 =	seq.s32 s14, $0x1;
	s14 =	simm.s32 $0xFA0  }
0x2c: {  	[sflag:s6] =	ssyncset.done $0x0;
	s14 =	simm.s32 @!p0 $0x0  }
0x2d: {  	[sflag:s6] =	ssyncadd.s32 $0xFFFFF060;
	(ifvalue) =	ssetifvalue $0x7FFFFFFF;
	v0 =	vld.msk [tilespmem:s14+$0x0 ss:$0x1], $0xffff;
	_ =	sdelay $0x4  }
0x2e: {  	s15 =	sadd.s32 $0x10, s14;
	vm1 =	vgt.s32 v0, $0x0  }
0x2f: {  	v2 =	vld.msk [tilespmem:s15+$0x0 ss:$0x1], $0xffff;
	v1 =	vnsel vm1, $0x0, v0  }
0x30: {  	v1 =	vmin.u32 v1, $0x270FF;
	_ =	sdelay $0x2  }
0x31: {  	s17 =	simm.s32 $0x20;
	s14 =	sadd.s32 $0x1F40, s14;
	s16 =	sadd.s32 $0x10, s15  }
0x32: {  	s15 =	sadd.s32 $0x10, s14;
	s18 =	smov.u32 s14;
	v0 =	vld.msk [tilespmem:s16+$0x0 ss:$0x1], $0xffff;
	vm1 =	vgt.s32 v2, $0x0;
	(ifvalue) =	ssetifvalue $0x7FFFFFFF  }
.LBB2_3:
0x33: {  	[tilespmem:s18], [sflag:$0x1] =	stream.indirect_vreg.gather [hbm4b:s2+s10], $0x1, v1, vm0, $0x4038;
	[tilespmem:$0x3E80] =	vst v63  }
0x34: {  	s17 =	sadd.s32 $0x10, s17  }
0x35: {  	v2 =	vnsel vm1, $0x0, v2;
	p0 =	slt.u32 s17, $0xF90  }
.Ltmp3:
0x36: {  	s18 =	smov.u32 s15;
	v1 =	vmin.u32 v2, $0x270FF;
	(pc) =	sbr.rel @p0 .LBB2_3-.Ltmp3, $3  }
0x37: {  	_ =	sdelay $0x1  }
0x38: {  	s16 =	sadd.s32 $0x10, s16  }
0x39: {  	vm1 =	vgt.s32 v0, $0x0;
	s15 =	sadd.s32 $0x10, s15;
	v2 =	vmov v0;
	(ifvalue) =	ssetifvalue $0x7FFFFFFF;
	v0 =	vld.msk [tilespmem:s16+$0x0 ss:$0x1], $0xffff  }
.Ltmp4:
0x3a: {  	_ = 	snop;
	(pc) =	sbr.rel .LBB2_4-.Ltmp4, $1  }
0x3b: {  	_ =	sdelay $0x3  }
.LBB2_6:
0x3c: {  	_ =	sfence.sel $0x180000  }
0x3d: {  	s2 =	simm.s32 $0x2;
	[bflag:$0x0] =	sbarrier.arrive $0xFFFF  }
0x3e: {  	s30 =	simm.s32 $0x3;
	[sflag:s2] =	ssyncpa.u1 $0x1  }
0x3f: {  	s31 =	simm.s32 $0x1;
	[sflag:s30] =	ssyncpa.u1 $0x1  }
0x40: {  	[sflag:s31] =	ssyncpa.u1 $0x1  }
0x41: {  	p0 =	sne.s32 s1, $0x0;
	_ =	strace $0x90000047  }
0x42: {  	s0 =	sadd.s32 @!p0 $0x100000, s0;
	[bflag:$0x2] =	sbarrier.arrive $0xFFFF  }
0x43: {  	[sflag:s0] =	ssyncadd.tile.s32 @!p0 $0x1;
	_ =	shalt  }
.Lfunc_end2:
_tile_overlayer_lowered:
.L_overlay_start_2:
0x44: {  	(tag) =	ssettag $0x2  }
0x45: {  	s0 =	rddreg [dreg:$0x0];
	s2 =	stileid.u32  }
0x46: {  	s1 =	rddreg [dreg:$0x1];
	p0 =	sne.s32 s2, $0x0  }
0x47: {  	s3 =	rddreg [dreg:$0x2];
	[bflag:$0x3] =	sbarrier.arrive $0xFFFF;
	s2 =	simm.s32 @!p0 $0x1C01  }
0x48: {  	[timem:s3], [sflag:s2] =	dma.local @!p0 [hbm:s0], s1  }
0x49: {  	s0 =	simm.s32 @!p0 $0x1  }
0x4a: {  	_ =	swait.ge @!p0 [sflag:s0], s1  }
0x4b: {  	s1 =	ssub.s32 @!p0 $0x0, s1;
	[sflag:s0] =	ssyncset.done @!p0 $0x0  }
0x4c: {  	[sflag:s0] =	ssyncadd.s32 @!p0 s1  }
0x4d: {  	[bflag:$0x3] =	sbarrier.arrive $0xFFFF  }
0x4e: {  	_ =	shalt  }

// kernel: kernel.15.cloned.1.call-start
scs
__scs_entry_jumppad:
0x0: {  	(pc) =	sbr.rel $0x88, $3  }
0x1: {  	(tag) =	ssettag $0x0;
	lr =	simm.s32 $0x1  }
0x2: {  	[smem:$0x3F49] =	sst lr;
	_ =	strace $0xD0000000  }
0x3: {  	_ = 	snop  }
0x4: {  	_ = 	snop  }
0x5: {  	_ = 	snop  }
0x6: {  	_ = 	snop  }
0x7: {  	_ = 	snop  }
__scs_overlays_trampoline_lowered:
0x8: {  	[smem:$0x3F58] =	sst s0  }
0x9: {  	[smem:$0x3F59] =	sst s1  }
0xa: {  	[smem:$0x3F5A] =	sst s2  }
0xb: {  	[smem:$0x3F5B] =	sst s3  }
0xc: {  	[smem:$0x3F5C] =	sst s4  }
0xd: {  	[smem:$0x3F5D] =	sst s5  }
0xe: {  	[smem:$0x3F5E] =	sst s6  }
0xf: {  	[smem:$0x3F5F] =	sst s7  }
0x10: {  	[smem:$0x3F60] =	sst s8  }
0x11: {  	[smem:$0x3F61] =	sst s9;
	s0 =	simm.s32 @!p0 $0x0  }
0x12: {  	s1 =	sld [smem:$0x3F47];
	s0 =	simm.s32 @p0 $0x1  }
0x13: {  	[smem:$0x3F62] =	sst s0;
	s0 =	simm.s32 @!p1 $0x0  }
0x14: {  	s2 =	sld [smem:$0x3F46];
	s0 =	simm.s32 @p1 $0x1  }
0x15: {  	[smem:$0x3F63] =	sst s0;
	s0 =	simm.s32 @!p2 $0x0  }
0x16: {  	s3 =	sld [smem:$0x3FDB];
	s0 =	simm.s32 @p2 $0x1  }
0x17: {  	s4 =	simm.s32 $0x1BF5;
	[smem:$0x3F65] =	sst s0  }
0x18: {  	s0 =	sld [smem:$0x3F48];
	_ =	swait.ge [sflag:s4], $0x0  }
0x19: {  	s7 =	sld [smem:$0x3F49]  }
0x1a: {  	s8 =	sadd.s32 $0xFFFFE003, lr  }
0x1b: {  	s9 =	sadd.s32 $0xFFFFFEF7, lr;
	s5 =	simm.s32 $0xFFFFFFFF;
	p2 =	slt.u32 s8, $0xFFFFF086  }
0x1c: {  	p1 =	slt.u32 s9, $0xF7A;
	s5 =	simm.s32 @!p2 $0x0  }
0x1d: {  	s5 =	simm.s32 @p1 $0x1;
	p0 =	seq.s32 s7, s2  }
0x1e: {  	s7 =	smul.u32 @!p0 $0xF7A, s2;
	p2 =	seq.s32 @!p0 s5, $0x0  }
0x1f: {  	s9 =	smul.u32 $0xF7A, s1;
	s8 =	simm.s32 @!p0 $0x1BF5;
	p2 =	por !p2, p0  }
0x20: {  	[sflag:s8] =	ssyncset.s32 @!p0 $0xFFFFF086;
	s6 =	sadd.s32 @!p0 s3, s7;
	s7 =	simm.s32 @!p0 $0x108  }
0x21: {  	s3 =	sadd.s32 s3, s9;
	s6 =	sadd.s32 @!p0 $0x88, s6;
	s7 =	simm.s32 @p2 $0x1082  }
0x22: {  	[simem:s7], [sflag:s8] =	dma.local @!p0 [hbm:s6], $0xF7A  }
0x23: {  	s9 =	sor.u32 $0xD0000000, s2;
	s6 =	simm.s32 $0x108;
	_ =	swait.ge @!p0 [sflag:s8], $0x0  }
0x24: {  	s3 =	sadd.s32 $0x88, s3;
	s6 =	simm.s32 @!p1 $0x1082;
	[sflag:s4] =	ssyncset.s32 $0xFFFFF086  }
0x25: {  	[simem:s6], [sflag:s4] =	dma.local [hbm:s3], $0xF7A  }
0x26: {  	[smem:$0x3F49] =	sst s1;
	(tag) =	ssettag s2;
	_ =	strace s9  }
0x27: {  	s1 =	sld [smem:$0x3F59]  }
0x28: {  	s2 =	sld [smem:$0x3F5A]  }
0x29: {  	s4 =	sld [smem:$0x3F5C]  }
0x2a: {  	p0 =	seq.s32 s5, $0x0;
	s5 =	sld [smem:$0x3F5D]  }
0x2b: {  	s6 =	sld [smem:$0x3F5E]  }
0x2c: {  	s7 =	sld [smem:$0x3F5F]  }
0x2d: {  	s3 =	simm.s32 $0x108;
	s8 =	sld [smem:$0x3F60]  }
0x2e: {  	s3 =	simm.s32 @!p0 $0x1082;
	s9 =	sld [smem:$0x3F61]  }
0x2f: {  	lr =	sadd.s32 s0, s3;
	s0 =	sld [smem:$0x3F58]  }
0x30: {  	s3 =	sld [smem:$0x3F5B]  }
0x31: {  	[smem:$0x3F64] =	sst s10  }
0x32: {  	s10 =	sld [smem:$0x3F62];
	_ =	sdelay $0x3  }
0x33: {  	p0 =	seq.s32 s10, $0x1;
	s10 =	sld [smem:$0x3F64];
	_ =	sdelay $0x3  }
0x34: {  	[smem:$0x3F64] =	sst s10  }
0x35: {  	s10 =	sld [smem:$0x3F63];
	_ =	sdelay $0x3  }
0x36: {  	p1 =	seq.s32 s10, $0x1;
	s10 =	sld [smem:$0x3F64];
	_ =	sdelay $0x3  }
0x37: {  	[smem:$0x3F64] =	sst s10  }
0x38: {  	s10 =	sld [smem:$0x3F65]  }
0x39: {  	_ = 	snop;
	(pc) =	sbr.ind lr, $3  }
0x3a: {  	_ = 	snop  }
0x3b: {  	_ = 	snop  }
0x3c: {  	p2 =	seq.s32 s10, $0x1;
	s10 =	sld [smem:$0x3F64]  }
0x3d: {  	_ =	shalt  }
0x3e: {  	_ =	shalt  }
0x3f: {  	_ =	shalt  }
0x40: {  	_ =	shalt  }
0x41: {  	_ =	shalt  }
0x42: {  	_ =	shalt  }
0x43: {  	_ =	shalt  }
0x44: {  	_ =	shalt  }
0x45: {  	_ =	shalt  }
0x46: {  	_ =	shalt  }
0x47: {  	_ =	shalt  }
0x48: {  	_ =	shalt  }
0x49: {  	_ =	shalt  }
0x4a: {  	_ =	shalt  }
0x4b: {  	_ =	shalt  }
0x4c: {  	_ =	shalt  }
0x4d: {  	_ =	shalt  }
0x4e: {  	_ =	shalt  }
0x4f: {  	_ =	shalt  }
0x50: {  	_ =	shalt  }
0x51: {  	_ =	shalt  }
0x52: {  	_ =	shalt  }
0x53: {  	_ =	shalt  }
0x54: {  	_ =	shalt  }
0x55: {  	_ =	shalt  }
0x56: {  	_ =	shalt  }
0x57: {  	_ =	shalt  }
0x58: {  	_ =	shalt  }
0x59: {  	_ =	shalt  }
0x5a: {  	_ =	shalt  }
0x5b: {  	_ =	shalt  }
0x5c: {  	_ =	shalt  }
0x5d: {  	_ =	shalt  }
0x5e: {  	_ =	shalt  }
0x5f: {  	_ =	shalt  }
0x60: {  	_ =	shalt  }
0x61: {  	_ =	shalt  }
0x62: {  	_ =	shalt  }
0x63: {  	_ =	shalt  }
0x64: {  	_ =	shalt  }
0x65: {  	_ =	shalt  }
0x66: {  	_ =	shalt  }
0x67: {  	_ =	shalt  }
0x68: {  	_ =	shalt  }
0x69: {  	_ =	shalt  }
0x6a: {  	_ =	shalt  }
0x6b: {  	_ =	shalt  }
0x6c: {  	_ =	shalt  }
0x6d: {  	_ =	shalt  }
0x6e: {  	_ =	shalt  }
0x6f: {  	_ =	shalt  }
0x70: {  	_ =	shalt  }
0x71: {  	_ =	shalt  }
0x72: {  	_ =	shalt  }
0x73: {  	_ =	shalt  }
0x74: {  	_ =	shalt  }
0x75: {  	_ =	shalt  }
0x76: {  	_ =	shalt  }
0x77: {  	_ =	shalt  }
0x78: {  	_ =	shalt  }
0x79: {  	_ =	shalt  }
0x7a: {  	_ =	shalt  }
0x7b: {  	_ =	shalt  }
0x7c: {  	_ =	shalt  }
0x7d: {  	_ =	shalt  }
0x7e: {  	_ =	shalt  }
0x7f: {  	_ =	shalt  }
0x80: {  	_ =	shalt  }
0x81: {  	_ =	shalt  }
0x82: {  	_ =	shalt  }
0x83: {  	_ =	shalt  }
0x84: {  	_ =	shalt  }
0x85: {  	_ =	shalt  }
0x86: {  	_ =	shalt  }
0x87: {  	_ =	shalt  }
.Lfunc_end0:
.L_simem_size_0:
called_computation.3_lowered:
.L_overlay_start_0:
0x88: {  	s2 =	sld [smem:$0x3FD9]  }
0x89: {  	s3 =	sld [smem:$0x3FFE];
	_ =	sdelay $0x1  }
0x8a: {  	s1 =	srdreg.scid  }
0x8b: {  	s0 =	sand.u32 $0x1, s1  }
0x8c: {  	s17 =	sshll.u32 s0, $0xA;
	s2 =	sadd.s32 s3, s2  }
0x8d: {  	s2 =	sadd.s32 s2, s17  }
0x8e: {  	[smem:$0x3F70] =	sst s2  }
0x8f: {  	_ = 	snop  }
0x90: {  	(tm) =	ssettm $0x1  }
0x91: {  	s18 =	sld [smem:$0x3FFB];
	_ =	sdelay $0x3  }
0x92: {  	_ =	strace s18  }
0x93: {  	s2 =	sld [smem:$0x3FFC];
	_ =	sdelay $0x3  }
0x94: {  	_ =	strace s2  }
0x95: {  	s2 =	sld [smem:$0x3FFD];
	_ =	sdelay $0x3  }
0x96: {  	_ =	strace s2  }
0x97: {  	_ =	strace $0x8FFFFFFF  }
0x98: {  	s19 =	sld [smem:$0x3FDB];
	_ =	sdelay $0x1  }
0x99: {  	s20 =	simm.s32 $_scs_section_size  }
0x9a: {  	s4 =	simm.s32 $_size__tile_overlayer_lowered;
	s5 =	simm.s32 $_tile_overlayer_lowered  }
0x9b: {  	s6 =	simm.s32 $0x1BFF;
	s21 =	sshll.u32 s5, $0x1;
	s3 =	sadd.s32 s20, s19  }
0x9c: {  	s22 =	simm.s32 $0x0;
	s4 =	sshll.u32 s4, $0x1;
	s5 =	sadd.s32 s21, s3  }
0x9d: {  	[timem:s22], [sflag:s6] =	dma.local [hbm:s5], s4  }
0x9e: {  	_ =	swait.ge [sflag:s6], s4  }
0x9f: {  	s4 =	ssub.s32 $0x0, s4;
	[sflag:s6] =	ssyncset.done $0x0  }
0xa0: {  	[sflag:s6] =	ssyncadd.s32 s4;
	_ =	sdelay $0x1  }
0xa1: {  	s23 =	simm.s32 $0x1B8B  }
0xa2: {  	_ =	swait.ge [sflag:s23], $0x1  }
0xa3: {  	[sflag:s23] =	ssyncset.done $0x0  }
0xa4: {  	[sflag:s23] =	ssyncadd.s32 $0xFFFFFFFF  }
0xa5: {  	s4 =	sld [smem:$0x0]  }
0xa6: {  	s5 =	sand.u32 $0xFFFFFFFE, s1  }
0xa7: {  	p0 =	sne.s32 s1, s5  }
0xa8: {  	s5 =	sshll.u32 @p0 s5, $0xE  }
0xa9: {  	s5 =	sadd.s32 @p0 $0x11B8D, s5;
	s6 =	sshll.u32 @p0 s4, $0x11  }
0xaa: {  	s5 =	sor.u32 @p0 s6, s5  }
0xab: {  	[sflag:s5] =	ssyncadd.remote.s32 @p0 $0x1;
	_ =	sdelay $0x1  }
0xac: {  	s5 =	simm.s32 @p0 $0x1B8D  }
0xad: {  	_ =	swait.eq @p0 [sflag:s5], $0x1  }
0xae: {  	[sflag:s5] =	ssyncadd.s32 @p0 $0xFFFFFFFF  }
0xaf: {  	s6 =	sshll.u32 @!p0 s1, $0xE  }
0xb0: {  	s6 =	sor.u32 @!p0 $0x4000, s6;
	s5 =	simm.s32 @!p0 $0x1B8D  }
0xb1: {  	s4 =	sshll.u32 @!p0 s4, $0x11;
	s6 =	sadd.s32 @!p0 $0x11B8D, s6;
	_ =	swait.eq @!p0 [sflag:s5], $0x1  }
0xb2: {  	s4 =	sor.u32 @!p0 s4, s6;
	[sflag:s5] =	ssyncadd.s32 @!p0 $0xFFFFFFFF  }
0xb3: {  	s25 =	simm.s32 $0x1B8E;
	s24 =	sld [smem:$0x3FFE];
	[sflag:s4] =	ssyncadd.remote.s32 @!p0 $0x1  }
0xb4: {  	s26 =	simm.s32 $execute0_lowered;
	[smem:$0x3FD2] =	sst s25  }
0xb5: {  	s5 =	sshll.u32 s26, $0x1;
	_ =	strace $0x8000004F;
	[dreg:$0x1] =	wrdreg $0xFFFFFFFF  }
0xb6: {  	s28 =	simm.s32 $_size_execute0_lowered;
	s3 =	sadd.s32 s3, s5;
	[dreg:$0x0] =	wrdreg $0x0  }
0xb7: {  	s5 =	sshll.u32 s28, $0x1;
	[dreg:$0x2] =	wrdreg s3  }
0xb8: {  	[dreg:$0x3] =	wrdreg s5  }
0xb9: {  	[dreg:$0x4] =	wrdreg $0xC0  }
0xba: {  	_ =	task [dreg:s22], $0x5FFFF  }
0xbb: {  	[dreg:$0x1] =	wrdreg $0xFFFFFFFF  }
0xbc: {  	[dreg:$0x0] =	wrdreg $0x60  }
0xbd: {  	[dreg:$0x2] =	wrdreg s24  }
0xbe: {  	[dreg:$0x3] =	wrdreg $0xB  }
0xbf: {  	_ =	task.clear_ibuf [dreg:s22], $0x4FFFF;
	_ =	strace $0x9000004F  }
0xc0: {  	s29 =	simm.s32 $0xB;
	_ =	strace $0x80000051  }
0xc1: {  	_ =	swait.ge [sflag:s29], $0x1  }
0xc2: {  	[sflag:s29] =	ssyncadd.s32 $0xFFFFFFFF  }
0xc3: {  	_ =	strace $0x90000051  }
0xc4: {  	_ =	sfence  }
0xc5: {  	s30 =	sld [smem:$0x0];
	_ =	sdelay $0x2  }
0xc6: {  	s31 =	sshll.u32 s1, $0xD;
	s1 =	sshrl.u32 s1, $0x2  }
0xc7: {  	s4 =	sand.u32 $0x4000, s31;
	s1 =	sadd.s32 s1, s30  }
0xc8: {  	s0 =	sor.u32 s4, s0;
	s1 =	sshll.u32 s1, $0x11  }
0xc9: {  	s0 =	sor.u32 s1, s0  }
0xca: {  	s0 =	sadd.s32 $0x8F2B, s0  }
0xcb: {  	[sflag:s0] =	ssyncadd.remote.s32 $0x1  }
0xcc: {  	_ =	sfence.sel $0xFFFF  }
0xcd: {  	[dreg:$0x0] =	wrdreg $0xFFFFFFFF;
	(pc) =	sbr.abs _section_cstart, $3  }
0xce: {  	[dreg:$0x1] =	wrdreg $0xFFFFFFFF  }
0xcf: {  	_ =	task.clear_ibuf [dreg:s22], $0x2FFFF;
	_ =	strace $0x9FFFFFFF  }
0xd0: {  	(tm) =	ssettm $0x7FFFFFFF  }
0xd1: {  	_ =	shalt  }
tec
execute0_lowered:
.L_overlay_start_1:
0x0: {  	(tag) =	ssettag $0x1  }
0x1: {  	s0 =	srdreg.scid;
	s3 =	stileid.u32  }
0x2: {  	s4 =	rddreg [dreg:$0x0];
	s2 =	simm.s32 $0x0;
	s11 =	simm.s32 $0x2800  }
0x3: {  	s10 =	simm.s32 $0xE800;
	s19 =	simm.s32 $0x12800;
	s20 =	simm.s32 $0x13000  }
0x4: {  	s21 =	simm.s32 $0x13800;
	s22 =	simm.s32 $0x14000;
	s23 =	simm.s32 $0x14800  }
0x5: {  	s24 =	simm.s32 $0x15000;
	s28 =	simm.s32 $0x16800;
	s29 =	simm.s32 $0x17000  }
0x6: {  	s30 =	simm.s32 $0x17800;
	s31 =	simm.s32 $0x18000;
	s12 =	simm.s32 $0x1  }
0x7: {  	s13 =	simm.s32 $0x2;
	s14 =	simm.s32 $0x3;
	s15 =	simm.s32 $0x4  }
0x8: {  	s17 =	simm.s32 $0x0;
	s0 =	sand.u32 $0x1, s0;
	s1 =	sshll.u32 s3, $0x1  }
0x9: {  	s5 =	smul.u32 $0x2800, s3;
	[smem:$0x7FF] =	sst s2;
	s3 =	sadd.s32 $0x5A7000, s4  }
0xa: {  	s1 =	sor.u32 s0, s1;
	s6 =	smul.u32 $0x1400, s0;
	s0 =	ssub.s32 $0x2, s0  }
0xb: {  	s7 =	sadd.s32 $0x691600, s4;
	s1 =	smul.u32 $0x500, s1;
	s25 =	sshrl.u32 s0, $0x1  }
0xc: {  	_ =	strace $0x80000050;
	s5 =	sadd.s32 s6, s5;
	s0 =	ssub.s32 s0, s25  }
0xd: {  	s25 =	simm.s32 $0x15800;
	s1 =	sadd.s32 s1, s4;
	s6 =	sshrl.u32 s5, $0x3  }
0xe: {  	s5 =	sor.u32 $0x40, s5;
	s0 =	smax.u32 s0, $0x1;
	s8 =	smul.u32 $0x300, s6  }
.Ltmp0:
0xf: {  	s5 =	sshrl.u32 s5, $0x3;
	s1 =	sadd.s32 $0x19F200, s1;
	(pc) =	sbr.rel .LBB2_1-.Ltmp0, $4  }
0x10: {  	s6 =	sadd.s32 $0x5A7200, s4;
	[dreg:$0x3] =	wrdreg s0;
	s0 =	simm.s32 $0x19000  }
0x11: {  	v2 =	vlaneseq.u32;
	[dreg:$0x2] =	wrdreg s1;
	s26 =	smul.u32 $0x300, s5;
	s5 =	sadd.s32 $0x5A7100, s4  }
0x12: {  	vm0 =	vmmov $0xffff;
	v1 =	vshrl.u32 v2, $0x3;
	s1 =	simm.s32 $0x18800;
	s4 =	simm.s32 $0x19800;
	s8 =	sadd.s32 s8, s7  }
0x13: {  	v0 =	vand.u32 $0x7, v2;
	v2 =	vor.u32 $0x8, v2;
	v1 =	vmul.u32 $0x8, v1;
	s9 =	sadd.s32 s26, s7;
	s26 =	simm.s32 $0x16000;
	s7 =	simm.s32 $0x1A000  }
.LBB2_4:
0x14: {  	_ =	swait.ge [sflag:s15], $0xC000  }
0x15: {  	s17 =	rddreg [dreg:$0x4]  }
0x16: {  	s16 =	rddreg [dreg:$0x3];
	s17 =	sadd.s32 $0x1, s17  }
0x17: {  	p0 =	sne.s32 s17, s16  }
.Ltmp1:
0x18: {  	_ = 	snop;
	(pc) =	sbr.rel @!p0 .LBB2_5-.Ltmp1, $3  }
0x19: {  	_ =	sdelay $0x1  }
0x1a: {  	[sflag:s15] =	ssyncset.done $0x0  }
0x1b: {  	[sflag:s15] =	ssyncadd.s32 $0xFFFF4000  }
.LBB2_1:
0x1c: {  	[dreg:$0x4] =	wrdreg s17  }
0x1d: {  	s16 =	rddreg [dreg:$0x2];
	s18 =	simm.s32 $0x5  }
0x1e: {  	[tilespmem:s2], [sflag:$0x5] =	stream.linear.gather [hbm4b:s16+s2], $0x2800, $0x38;
	[tilespmem:$0x1A800] =	vst v63  }
0x1f: {  	_ =	swait.ge [sflag:s18], $0x2800  }
0x20: {  	[sflag:s18] =	ssyncset.done $0x0  }
0x21: {  	[sflag:s18] =	ssyncadd.s32 $0xFFFFD800  }
0x22: {  	v3 =	vld [tilespmem:$0x0];
	_ =	sdelay $0x4  }
0x23: {  	v4 =	vshrl.u32 v3, $0x3  }
0x24: {  	v4 =	vmul.u32 $0x30, v4  }
0x25: {  	v3 =	vand.u32 $0x7, v3  }
0x26: {  	v3 =	vor.u32 v3, v4  }
0x27: {  	v4 =	vperm.xlane v3, v0;
	_ =	sdelay $0x1  }
0x28: {  	v4 =	vadd.s32 v1, v4;
	_ =	sdelay $0x3  }
0x29: {  	v3 =	vperm.xlane v3, v2  }
0x2a: {  	[tilespmem:s11], [sflag:$0x1] =	stream.indirect_vreg.gather [hbm4b:s3+s2], $0x80, v4, vm0, $0xb8;
	[tilespmem:$0x1A800] =	vst v63  }
0x2b: {  	s17 =	simm.s32 $0x3000;
	v3 =	vadd.s32 v1, v3  }
0x2c: {  	[tilespmem:s17], [sflag:$0x1] =	stream.indirect_vreg.gather [hbm4b:s5+s2], $0x80, v4, vm0, $0xb8;
	[tilespmem:$0x1A800] =	vst v63  }
0x2d: {  	s18 =	simm.s32 $0x3800  }
0x2e: {  	[tilespmem:s18], [sflag:$0x1] =	stream.indirect_vreg.gather [hbm4b:s6+s2], $0x80, v4, vm0, $0xb8;
	[tilespmem:$0x1A800] =	vst v63  }
0x2f: {  	s17 =	simm.s32 $0x4000  }
0x30: {  	[tilespmem:s17], [sflag:$0x1] =	stream.indirect_vreg.gather [hbm4b:s3+s2], $0x80, v3, vm0, $0xb8;
	[tilespmem:$0x1A800] =	vst v63  }
0x31: {  	s18 =	simm.s32 $0x4800  }
0x32: {  	[tilespmem:s18], [sflag:$0x1] =	stream.indirect_vreg.gather [hbm4b:s5+s2], $0x80, v3, vm0, $0xb8;
	[tilespmem:$0x1A800] =	vst v63  }
0x33: {  	s17 =	simm.s32 $0x5000  }
0x34: {  	[tilespmem:s17], [sflag:$0x1] =	stream.indirect_vreg.gather [hbm4b:s6+s2], $0x80, v3, vm0, $0xb8;
	[tilespmem:$0x1A800] =	vst v63  }
0x35: {  	v3 =	vld [tilespmem:$0x10];
	_ =	sdelay $0x4  }
0x36: {  	v57 =	vshrl.u32 v3, $0x3  }
0x37: {  	v4 =	vmul.u32 $0x30, v57  }
0x38: {  	v3 =	vand.u32 $0x7, v3  }
0x39: {  	v3 =	vor.u32 v3, v4  }
0x3a: {  	v4 =	vperm.xlane v3, v0;
	_ =	sdelay $0x1  }
0x3b: {  	v4 =	vadd.s32 v1, v4;
	_ =	sdelay $0x3  }
0x3c: {  	s18 =	simm.s32 $0x5800;
	v3 =	vperm.xlane v3, v2  }
0x3d: {  	[tilespmem:s18], [sflag:$0x1] =	stream.indirect_vreg.gather [hbm4b:s3+s2], $0x80, v4, vm0, $0xb8;
	[tilespmem:$0x1A800] =	vst v63  }
0x3e: {  	s17 =	simm.s32 $0x6000;
	v3 =	vadd.s32 v1, v3  }
0x3f: {  	[tilespmem:s17], [sflag:$0x1] =	stream.indirect_vreg.gather [hbm4b:s5+s2], $0x80, v4, vm0, $0xb8;
	[tilespmem:$0x1A800] =	vst v63  }
0x40: {  	s18 =	simm.s32 $0x6800  }
0x41: {  	[tilespmem:s18], [sflag:$0x1] =	stream.indirect_vreg.gather [hbm4b:s6+s2], $0x80, v4, vm0, $0xb8;
	[tilespmem:$0x1A800] =	vst v63  }
0x42: {  	s17 =	simm.s32 $0x7000  }
0x43: {  	[tilespmem:s17], [sflag:$0x1] =	stream.indirect_vreg.gather [hbm4b:s3+s2], $0x80, v3, vm0, $0xb8;
	[tilespmem:$0x1A800] =	vst v63  }
0x44: {  	s18 =	simm.s32 $0x7800  }
0x45: {  	[tilespmem:s18], [sflag:$0x1] =	stream.indirect_vreg.gather [hbm4b:s5+s2], $0x80, v3, vm0, $0xb8;
	[tilespmem:$0x1A800] =	vst v63  }
0x46: {  	s17 =	simm.s32 $0x8000  }
0x47: {  	[tilespmem:s17], [sflag:$0x1] =	stream.indirect_vreg.gather [hbm4b:s6+s2], $0x80, v3, vm0, $0xb8;
	[tilespmem:$0x1A800] =	vst v63  }
0x48: {  	v3 =	vld [tilespmem:$0x20];
	_ =	sdelay $0x4  }
0x49: {  	v58 =	vshrl.u32 v3, $0x3  }
0x4a: {  	v4 =	vmul.u32 $0x30, v58  }
0x4b: {  	v3 =	vand.u32 $0x7, v3  }
0x4c: {  	v3 =	vor.u32 v3, v4  }
0x4d: {  	v4 =	vperm.xlane v3, v0;
	_ =	sdelay $0x1  }
0x4e: {  	v4 =	vadd.s32 v1, v4;
	_ =	sdelay $0x3  }
0x4f: {  	s18 =	simm.s32 $0x8800;
	v3 =	vperm.xlane v3, v2  }
0x50: {  	[tilespmem:s18], [sflag:$0x1] =	stream.indirect_vreg.gather [hbm4b:s3+s2], $0x80, v4, vm0, $0xb8;
	[tilespmem:$0x1A800] =	vst v63  }
0x51: {  	s17 =	simm.s32 $0x9000;
	v3 =	vadd.s32 v1, v3  }
0x52: {  	[tilespmem:s17], [sflag:$0x1] =	stream.indirect_vreg.gather [hbm4b:s5+s2], $0x80, v4, vm0, $0xb8;
	[tilespmem:$0x1A800] =	vst v63  }
0x53: {  	s18 =	simm.s32 $0x9800  }
0x54: {  	[tilespmem:s18], [sflag:$0x1] =	stream.indirect_vreg.gather [hbm4b:s6+s2], $0x80, v4, vm0, $0xb8;
	[tilespmem:$0x1A800] =	vst v63  }
0x55: {  	s17 =	simm.s32 $0xA000  }
0x56: {  	[tilespmem:s17], [sflag:$0x1] =	stream.indirect_vreg.gather [hbm4b:s3+s2], $0x80, v3, vm0, $0xb8;
	[tilespmem:$0x1A800] =	vst v63  }
0x57: {  	s18 =	simm.s32 $0xA800  }
0x58: {  	[tilespmem:s18], [sflag:$0x1] =	stream.indirect_vreg.gather [hbm4b:s5+s2], $0x80, v3, vm0, $0xb8;
	[tilespmem:$0x1A800] =	vst v63  }
0x59: {  	s17 =	simm.s32 $0xB000  }
0x5a: {  	[tilespmem:s17], [sflag:$0x1] =	stream.indirect_vreg.gather [hbm4b:s6+s2], $0x80, v3, vm0, $0xb8;
	[tilespmem:$0x1A800] =	vst v63  }
0x5b: {  	v3 =	vld [tilespmem:$0x30];
	_ =	sdelay $0x4  }
0x5c: {  	v59 =	vshrl.u32 v3, $0x3  }
0x5d: {  	v4 =	vmul.u32 $0x30, v59  }
0x5e: {  	v3 =	vand.u32 $0x7, v3  }
0x5f: {  	v3 =	vor.u32 v3, v4  }
0x60: {  	v4 =	vperm.xlane v3, v0;
	_ =	sdelay $0x1  }
0x61: {  	v4 =	vadd.s32 v1, v4;
	_ =	sdelay $0x3  }
0x62: {  	s18 =	simm.s32 $0xB800;
	v3 =	vperm.xlane v3, v2  }
0x63: {  	[tilespmem:s18], [sflag:$0x1] =	stream.indirect_vreg.gather [hbm4b:s3+s2], $0x80, v4, vm0, $0xb8;
	[tilespmem:$0x1A800] =	vst v63  }
0x64: {  	s17 =	simm.s32 $0xC000;
	v3 =	vadd.s32 v1, v3  }
0x65: {  	[tilespmem:s17], [sflag:$0x1] =	stream.indirect_vreg.gather [hbm4b:s5+s2], $0x80, v4, vm0, $0xb8;
	[tilespmem:$0x1A800] =	vst v63  }
0x66: {  	s18 =	simm.s32 $0xC800  }
0x67: {  	[tilespmem:s18], [sflag:$0x1] =	stream.indirect_vreg.gather [hbm4b:s6+s2], $0x80, v4, vm0, $0xb8;
	[tilespmem:$0x1A800] =	vst v63  }
0x68: {  	s17 =	simm.s32 $0xD000  }
0x69: {  	[tilespmem:s17], [sflag:$0x1] =	stream.indirect_vreg.gather [hbm4b:s3+s2], $0x80, v3, vm0, $0xb8;
	[tilespmem:$0x1A800] =	vst v63  }
0x6a: {  	s18 =	simm.s32 $0xD800  }
0x6b: {  	[tilespmem:s18], [sflag:$0x1] =	stream.indirect_vreg.gather [hbm4b:s5+s2], $0x80, v3, vm0, $0xb8;
	[tilespmem:$0x1A800] =	vst v63  }
0x6c: {  	s17 =	simm.s32 $0xE000  }
0x6d: {  	[tilespmem:s17], [sflag:$0x1] =	stream.indirect_vreg.gather [hbm4b:s6+s2], $0x80, v3, vm0, $0xb8;
	[tilespmem:$0x1A800] =	vst v63  }
0x6e: {  	v3 =	vld [tilespmem:$0x80];
	_ =	sdelay $0x4  }
0x6f: {  	v60 =	vshrl.u32 v3, $0x3  }
0x70: {  	v4 =	vmul.u32 $0x30, v60  }
0x71: {  	v3 =	vand.u32 $0x7, v3  }
0x72: {  	v3 =	vor.u32 v3, v4  }
0x73: {  	v4 =	vperm.xlane v3, v0;
	_ =	sdelay $0x1  }
0x74: {  	v4 =	vadd.s32 v1, v4;
	_ =	sdelay $0x3  }
0x75: {  	v3 =	vperm.xlane v3, v2  }
0x76: {  	[tilespmem:s10], [sflag:$0x2] =	stream.indirect_vreg.gather [hbm4b:s3+s2], $0x80, v4, vm0, $0xb8;
	[tilespmem:$0x1A800] =	vst v63  }
0x77: {  	s18 =	simm.s32 $0xF000;
	v3 =	vadd.s32 v1, v3  }
0x78: {  	[tilespmem:s18], [sflag:$0x2] =	stream.indirect_vreg.gather [hbm4b:s5+s2], $0x80, v4, vm0, $0xb8;
	[tilespmem:$0x1A800] =	vst v63  }
0x79: {  	s17 =	simm.s32 $0xF800  }
0x7a: {  	[tilespmem:s17], [sflag:$0x2] =	stream.indirect_vreg.gather [hbm4b:s6+s2], $0x80, v4, vm0, $0xb8;
	[tilespmem:$0x1A800] =	vst v63  }
0x7b: {  	s18 =	simm.s32 $0x10000  }
0x7c: {  	[tilespmem:s18], [sflag:$0x2] =	stream.indirect_vreg.gather [hbm4b:s3+s2], $0x80, v3, vm0, $0xb8;
	[tilespmem:$0x1A800] =	vst v63  }
0x7d: {  	s17 =	simm.s32 $0x10800  }
0x7e: {  	[tilespmem:s17], [sflag:$0x2] =	stream.indirect_vreg.gather [hbm4b:s5+s2], $0x80, v3, vm0, $0xb8;
	[tilespmem:$0x1A800] =	vst v63  }
0x7f: {  	s18 =	simm.s32 $0x11000  }
0x80: {  	[tilespmem:s18], [sflag:$0x2] =	stream.indirect_vreg.gather [hbm4b:s6+s2], $0x80, v3, vm0, $0xb8;
	[tilespmem:$0x1A800] =	vst v63  }
0x81: {  	v3 =	vld [tilespmem:$0x90];
	_ =	sdelay $0x4  }
0x82: {  	v61 =	vshrl.u32 v3, $0x3  }
0x83: {  	v4 =	vmul.u32 $0x30, v61  }
0x84: {  	v3 =	vand.u32 $0x7, v3  }
0x85: {  	v3 =	vor.u32 v3, v4  }
0x86: {  	v4 =	vperm.xlane v3, v0;
	_ =	sdelay $0x1  }
0x87: {  	v4 =	vadd.s32 v1, v4;
	_ =	sdelay $0x3  }
0x88: {  	s17 =	simm.s32 $0x11800;
	v3 =	vperm.xlane v3, v2  }
0x89: {  	[tilespmem:s17], [sflag:$0x2] =	stream.indirect_vreg.gather [hbm4b:s3+s2], $0x80, v4, vm0, $0xb8;
	[tilespmem:$0x1A800] =	vst v63  }
0x8a: {  	s18 =	simm.s32 $0x12000;
	v3 =	vadd.s32 v1, v3  }
0x8b: {  	[tilespmem:s18], [sflag:$0x2] =	stream.indirect_vreg.gather [hbm4b:s5+s2], $0x80, v4, vm0, $0xb8;
	[tilespmem:$0x1A800] =	vst v63  }
0x8c: {  	_ = 	snop  }
0x8d: {  	[tilespmem:s19], [sflag:$0x2] =	stream.indirect_vreg.gather [hbm4b:s6+s2], $0x80, v4, vm0, $0xb8;
	[tilespmem:$0x1A800] =	vst v63  }
0x8e: {  	_ = 	snop  }
0x8f: {  	[tilespmem:s20], [sflag:$0x2] =	stream.indirect_vreg.gather [hbm4b:s3+s2], $0x80, v3, vm0, $0xb8;
	[tilespmem:$0x1A800] =	vst v63  }
0x90: {  	_ = 	snop  }
0x91: {  	[tilespmem:s21], [sflag:$0x2] =	stream.indirect_vreg.gather [hbm4b:s5+s2], $0x80, v3, vm0, $0xb8;
	[tilespmem:$0x1A800] =	vst v63  }
0x92: {  	_ = 	snop  }
0x93: {  	[tilespmem:s22], [sflag:$0x2] =	stream.indirect_vreg.gather [hbm4b:s6+s2], $0x80, v3, vm0, $0xb8;
	[tilespmem:$0x1A800] =	vst v63  }
0x94: {  	v3 =	vld [tilespmem:$0xA0];
	_ =	sdelay $0x4  }
0x95: {  	v62 =	vshrl.u32 v3, $0x3  }
0x96: {  	v4 =	vmul.u32 $0x30, v62  }
0x97: {  	v3 =	vand.u32 $0x7, v3  }
0x98: {  	v3 =	vor.u32 v3, v4  }
0x99: {  	v4 =	vperm.xlane v3, v0;
	_ =	sdelay $0x1  }
0x9a: {  	v4 =	vadd.s32 v1, v4;
	_ =	sdelay $0x3  }
0x9b: {  	v3 =	vperm.xlane v3, v2  }
0x9c: {  	[tilespmem:s23], [sflag:$0x2] =	stream.indirect_vreg.gather [hbm4b:s3+s2], $0x80, v4, vm0, $0xb8;
	[tilespmem:$0x1A800] =	vst v63  }
0x9d: {  	v3 =	vadd.s32 v1, v3  }
0x9e: {  	[tilespmem:s24], [sflag:$0x2] =	stream.indirect_vreg.gather [hbm4b:s5+s2], $0x80, v4, vm0, $0xb8;
	[tilespmem:$0x1A800] =	vst v63  }
0x9f: {  	_ = 	snop  }
0xa0: {  	[tilespmem:s25], [sflag:$0x2] =	stream.indirect_vreg.gather [hbm4b:s6+s2], $0x80, v4, vm0, $0xb8;
	[tilespmem:$0x1A800] =	vst v63  }
0xa1: {  	_ = 	snop  }
0xa2: {  	[tilespmem:s26], [sflag:$0x2] =	stream.indirect_vreg.gather [hbm4b:s3+s2], $0x80, v3, vm0, $0xb8;
	[tilespmem:$0x1A800] =	vst v63  }
0xa3: {  	_ = 	snop  }
0xa4: {  	[tilespmem:s28], [sflag:$0x2] =	stream.indirect_vreg.gather [hbm4b:s5+s2], $0x80, v3, vm0, $0xb8;
	[tilespmem:$0x1A800] =	vst v63  }
0xa5: {  	_ = 	snop  }
0xa6: {  	[tilespmem:s29], [sflag:$0x2] =	stream.indirect_vreg.gather [hbm4b:s6+s2], $0x80, v3, vm0, $0xb8;
	[tilespmem:$0x1A800] =	vst v63  }
0xa7: {  	v3 =	vld [tilespmem:$0xB0];
	_ =	sdelay $0x4  }
0xa8: {  	v63 =	vshrl.u32 v3, $0x3  }
0xa9: {  	v4 =	vmul.u32 $0x30, v63  }
0xaa: {  	v3 =	vand.u32 $0x7, v3  }
0xab: {  	v3 =	vor.u32 v3, v4  }
0xac: {  	v4 =	vperm.xlane v3, v0;
	_ =	sdelay $0x1  }
0xad: {  	v4 =	vadd.s32 v1, v4;
	_ =	sdelay $0x3  }
0xae: {  	v3 =	vperm.xlane v3, v2  }
0xaf: {  	[tilespmem:s30], [sflag:$0x2] =	stream.indirect_vreg.gather [hbm4b:s3+s2], $0x80, v4, vm0, $0xb8;
	[tilespmem:$0x1A800] =	vst v63  }
0xb0: {  	v3 =	vadd.s32 v1, v3  }
0xb1: {  	[tilespmem:s31], [sflag:$0x2] =	stream.indirect_vreg.gather [hbm4b:s5+s2], $0x80, v4, vm0, $0xb8;
	[tilespmem:$0x1A800] =	vst v63  }
0xb2: {  	_ = 	snop  }
0xb3: {  	[tilespmem:s1], [sflag:$0x2] =	stream.indirect_vreg.gather [hbm4b:s6+s2], $0x80, v4, vm0, $0xb8;
	[tilespmem:$0x1A800] =	vst v63  }
0xb4: {  	_ = 	snop  }
0xb5: {  	[tilespmem:s0], [sflag:$0x2] =	stream.indirect_vreg.gather [hbm4b:s3+s2], $0x80, v3, vm0, $0xb8;
	[tilespmem:$0x1A800] =	vst v63  }
0xb6: {  	_ = 	snop  }
0xb7: {  	[tilespmem:s4], [sflag:$0x2] =	stream.indirect_vreg.gather [hbm4b:s5+s2], $0x80, v3, vm0, $0xb8;
	[tilespmem:$0x1A800] =	vst v63  }
0xb8: {  	s16 =	simm.s32 $0x1B0;
	s17 =	simm.s32 $0x0  }
0xb9: {  	[tilespmem:s7], [sflag:$0x2] =	stream.indirect_vreg.gather [hbm4b:s6+s2], $0x80, v3, vm0, $0xb8;
	[tilespmem:$0x1A800] =	vst v63  }
.LBB2_2:
0xba: {  	_ =	swait.ge [sflag:s12], $0xC000  }
0xbb: {  	[sflag:s12] =	ssyncset.done $0x0  }
0xbc: {  	s18 =	sadd.s32 s17, s8;
	[sflag:s12] =	ssyncadd.s32 $0xFFFF4000  }
0xbd: {  	[hbm4b:s18+s2] =	stream.linear.scatter [tilespmem:s11], [sflag:$0x3], $0xC000, $0x38;
	[tilespmem:$0x1A800] =	vst v63  }
0xbe: {  	_ =	swait.ge [sflag:s13], $0xC000  }
0xbf: {  	p0 =	seq.s32 s17, $0x75000;
	[sflag:s13] =	ssyncset.done $0x0  }
.Ltmp2:
0xc0: {  	s18 =	sadd.s32 s17, s9;
	[sflag:s13] =	ssyncadd.s32 $0xFFFF4000;
	(pc) =	sbr.rel @p0 .LBB2_4-.Ltmp2, $4  }
0xc1: {  	[hbm4b:s18+s2] =	stream.linear.scatter [tilespmem:s10], [sflag:$0x4], $0xC000, $0x38;
	[tilespmem:$0x1A800] =	vst v63  }
0xc2: {  	_ =	swait.ge [sflag:s14], $0xC000  }
0xc3: {  	[sflag:s14] =	ssyncset.done $0x0  }
0xc4: {  	[sflag:s14] =	ssyncadd.s32 $0xFFFF4000  }
0xc5: {  	v3 =	vld [tilespmem:s16+$0xFFFFFF50];
	_ =	sdelay $0x4  }
0xc6: {  	v4 =	vshrl.u32 v3, $0x3  }
0xc7: {  	v4 =	vmul.u32 $0x30, v4  }
0xc8: {  	v3 =	vand.u32 $0x7, v3  }
0xc9: {  	v3 =	vor.u32 v3, v4  }
0xca: {  	v4 =	vperm.xlane v3, v0;
	_ =	sdelay $0x1  }
0xcb: {  	v4 =	vadd.s32 v1, v4;
	_ =	sdelay $0x3  }
0xcc: {  	v3 =	vperm.xlane v3, v2  }
0xcd: {  	[tilespmem:s11], [sflag:$0x1] =	stream.indirect_vreg.gather [hbm4b:s3+s2], $0x80, v4, vm0, $0xb8;
	[tilespmem:$0x1A800] =	vst v63  }
0xce: {  	s18 =	simm.s32 $0x3000;
	v3 =	vadd.s32 v1, v3  }
0xcf: {  	[tilespmem:s18], [sflag:$0x1] =	stream.indirect_vreg.gather [hbm4b:s5+s2], $0x80, v4, vm0, $0xb8;
	[tilespmem:$0x1A800] =	vst v63  }
0xd0: {  	s18 =	simm.s32 $0x3800  }
0xd1: {  	[tilespmem:s18], [sflag:$0x1] =	stream.indirect_vreg.gather [hbm4b:s6+s2], $0x80, v4, vm0, $0xb8;
	[tilespmem:$0x1A800] =	vst v63  }
0xd2: {  	s18 =	simm.s32 $0x4000  }
0xd3: {  	[tilespmem:s18], [sflag:$0x1] =	stream.indirect_vreg.gather [hbm4b:s3+s2], $0x80, v3, vm0, $0xb8;
	[tilespmem:$0x1A800] =	vst v63  }
0xd4: {  	s18 =	simm.s32 $0x4800  }
0xd5: {  	[tilespmem:s18], [sflag:$0x1] =	stream.indirect_vreg.gather [hbm4b:s5+s2], $0x80, v3, vm0, $0xb8;
	[tilespmem:$0x1A800] =	vst v63  }
0xd6: {  	s18 =	simm.s32 $0x5000  }
0xd7: {  	[tilespmem:s18], [sflag:$0x1] =	stream.indirect_vreg.gather [hbm4b:s6+s2], $0x80, v3, vm0, $0xb8;
	[tilespmem:$0x1A800] =	vst v63  }
0xd8: {  	v3 =	vld [tilespmem:s16+$0xFFFFFF60];
	_ =	sdelay $0x4  }
0xd9: {  	v57 =	vshrl.u32 v3, $0x3  }
0xda: {  	v4 =	vmul.u32 $0x30, v57  }
0xdb: {  	v3 =	vand.u32 $0x7, v3  }
0xdc: {  	v3 =	vor.u32 v3, v4  }
0xdd: {  	v4 =	vperm.xlane v3, v0;
	_ =	sdelay $0x1  }
0xde: {  	v4 =	vadd.s32 v1, v4;
	_ =	sdelay $0x3  }
0xdf: {  	s18 =	simm.s32 $0x5800;
	v3 =	vperm.xlane v3, v2  }
0xe0: {  	[tilespmem:s18], [sflag:$0x1] =	stream.indirect_vreg.gather [hbm4b:s3+s2], $0x80, v4, vm0, $0xb8;
	[tilespmem:$0x1A800] =	vst v63  }
0xe1: {  	v3 =	vadd.s32 v1, v3;
	s18 =	simm.s32 $0x6000  }
0xe2: {  	[tilespmem:s18], [sflag:$0x1] =	stream.indirect_vreg.gather [hbm4b:s5+s2], $0x80, v4, vm0, $0xb8;
	[tilespmem:$0x1A800] =	vst v63  }
0xe3: {  	s18 =	simm.s32 $0x6800  }
0xe4: {  	[tilespmem:s18], [sflag:$0x1] =	stream.indirect_vreg.gather [hbm4b:s6+s2], $0x80, v4, vm0, $0xb8;
	[tilespmem:$0x1A800] =	vst v63  }
0xe5: {  	s18 =	simm.s32 $0x7000  }
0xe6: {  	[tilespmem:s18], [sflag:$0x1] =	stream.indirect_vreg.gather [hbm4b:s3+s2], $0x80, v3, vm0, $0xb8;
	[tilespmem:$0x1A800] =	vst v63  }
0xe7: {  	s18 =	simm.s32 $0x7800  }
0xe8: {  	[tilespmem:s18], [sflag:$0x1] =	stream.indirect_vreg.gather [hbm4b:s5+s2], $0x80, v3, vm0, $0xb8;
	[tilespmem:$0x1A800] =	vst v63  }
0xe9: {  	s18 =	simm.s32 $0x8000  }
0xea: {  	[tilespmem:s18], [sflag:$0x1] =	stream.indirect_vreg.gather [hbm4b:s6+s2], $0x80, v3, vm0, $0xb8;
	[tilespmem:$0x1A800] =	vst v63  }
0xeb: {  	v3 =	vld [tilespmem:s16+$0xFFFFFF70];
	_ =	sdelay $0x4  }
0xec: {  	v58 =	vshrl.u32 v3, $0x3  }
0xed: {  	v4 =	vmul.u32 $0x30, v58  }
0xee: {  	v3 =	vand.u32 $0x7, v3  }
0xef: {  	v3 =	vor.u32 v3, v4  }
0xf0: {  	v4 =	vperm.xlane v3, v0;
	_ =	sdelay $0x1  }
0xf1: {  	v4 =	vadd.s32 v1, v4;
	_ =	sdelay $0x3  }
0xf2: {  	s18 =	simm.s32 $0x8800;
	v3 =	vperm.xlane v3, v2  }
0xf3: {  	[tilespmem:s18], [sflag:$0x1] =	stream.indirect_vreg.gather [hbm4b:s3+s2], $0x80, v4, vm0, $0xb8;
	[tilespmem:$0x1A800] =	vst v63  }
0xf4: {  	v3 =	vadd.s32 v1, v3;
	s18 =	simm.s32 $0x9000  }
0xf5: {  	[tilespmem:s18], [sflag:$0x1] =	stream.indirect_vreg.gather [hbm4b:s5+s2], $0x80, v4, vm0, $0xb8;
	[tilespmem:$0x1A800] =	vst v63  }
0xf6: {  	s18 =	simm.s32 $0x9800  }
0xf7: {  	[tilespmem:s18], [sflag:$0x1] =	stream.indirect_vreg.gather [hbm4b:s6+s2], $0x80, v4, vm0, $0xb8;
	[tilespmem:$0x1A800] =	vst v63  }
0xf8: {  	s18 =	simm.s32 $0xA000  }
0xf9: {  	[tilespmem:s18], [sflag:$0x1] =	stream.indirect_vreg.gather [hbm4b:s3+s2], $0x80, v3, vm0, $0xb8;
	[tilespmem:$0x1A800] =	vst v63  }
0xfa: {  	s18 =	simm.s32 $0xA800  }
0xfb: {  	[tilespmem:s18], [sflag:$0x1] =	stream.indirect_vreg.gather [hbm4b:s5+s2], $0x80, v3, vm0, $0xb8;
	[tilespmem:$0x1A800] =	vst v63  }
0xfc: {  	s18 =	simm.s32 $0xB000  }
0xfd: {  	[tilespmem:s18], [sflag:$0x1] =	stream.indirect_vreg.gather [hbm4b:s6+s2], $0x80, v3, vm0, $0xb8;
	[tilespmem:$0x1A800] =	vst v63  }
0xfe: {  	v3 =	vld [tilespmem:s16+$0xFFFFFF80];
	_ =	sdelay $0x4  }
0xff: {  	v59 =	vshrl.u32 v3, $0x3  }
0x100: {  	v4 =	vmul.u32 $0x30, v59  }
0x101: {  	v3 =	vand.u32 $0x7, v3  }
0x102: {  	v3 =	vor.u32 v3, v4  }
0x103: {  	v4 =	vperm.xlane v3, v0;
	_ =	sdelay $0x1  }
0x104: {  	v4 =	vadd.s32 v1, v4;
	_ =	sdelay $0x3  }
0x105: {  	s18 =	simm.s32 $0xB800;
	v3 =	vperm.xlane v3, v2  }
0x106: {  	[tilespmem:s18], [sflag:$0x1] =	stream.indirect_vreg.gather [hbm4b:s3+s2], $0x80, v4, vm0, $0xb8;
	[tilespmem:$0x1A800] =	vst v63  }
0x107: {  	v3 =	vadd.s32 v1, v3;
	s18 =	simm.s32 $0xC000  }
0x108: {  	[tilespmem:s18], [sflag:$0x1] =	stream.indirect_vreg.gather [hbm4b:s5+s2], $0x80, v4, vm0, $0xb8;
	[tilespmem:$0x1A800] =	vst v63  }
0x109: {  	s18 =	simm.s32 $0xC800  }
0x10a: {  	[tilespmem:s18], [sflag:$0x1] =	stream.indirect_vreg.gather [hbm4b:s6+s2], $0x80, v4, vm0, $0xb8;
	[tilespmem:$0x1A800] =	vst v63  }
0x10b: {  	s18 =	simm.s32 $0xD000  }
0x10c: {  	[tilespmem:s18], [sflag:$0x1] =	stream.indirect_vreg.gather [hbm4b:s3+s2], $0x80, v3, vm0, $0xb8;
	[tilespmem:$0x1A800] =	vst v63  }
0x10d: {  	s18 =	simm.s32 $0xD800  }
0x10e: {  	[tilespmem:s18], [sflag:$0x1] =	stream.indirect_vreg.gather [hbm4b:s5+s2], $0x80, v3, vm0, $0xb8;
	[tilespmem:$0x1A800] =	vst v63  }
0x10f: {  	s18 =	simm.s32 $0xE000  }
0x110: {  	[tilespmem:s18], [sflag:$0x1] =	stream.indirect_vreg.gather [hbm4b:s6+s2], $0x80, v3, vm0, $0xb8;
	[tilespmem:$0x1A800] =	vst v63  }
0x111: {  	_ =	swait.ge [sflag:s15], $0xC000  }
0x112: {  	[sflag:s15] =	ssyncset.done $0x0  }
0x113: {  	[sflag:s15] =	ssyncadd.s32 $0xFFFF4000  }
0x114: {  	v3 =	vld [tilespmem:s16+$0xFFFFFFD0];
	_ =	sdelay $0x4  }
0x115: {  	v60 =	vshrl.u32 v3, $0x3  }
0x116: {  	v4 =	vmul.u32 $0x30, v60  }
0x117: {  	v3 =	vand.u32 $0x7, v3  }
0x118: {  	v3 =	vor.u32 v3, v4  }
0x119: {  	v4 =	vperm.xlane v3, v0;
	_ =	sdelay $0x1  }
0x11a: {  	v4 =	vadd.s32 v1, v4;
	_ =	sdelay $0x3  }
0x11b: {  	v3 =	vperm.xlane v3, v2  }
0x11c: {  	[tilespmem:s10], [sflag:$0x2] =	stream.indirect_vreg.gather [hbm4b:s3+s2], $0x80, v4, vm0, $0xb8;
	[tilespmem:$0x1A800] =	vst v63  }
0x11d: {  	s18 =	simm.s32 $0xF000;
	v3 =	vadd.s32 v1, v3  }
0x11e: {  	[tilespmem:s18], [sflag:$0x2] =	stream.indirect_vreg.gather [hbm4b:s5+s2], $0x80, v4, vm0, $0xb8;
	[tilespmem:$0x1A800] =	vst v63  }
0x11f: {  	s18 =	simm.s32 $0xF800  }
0x120: {  	[tilespmem:s18], [sflag:$0x2] =	stream.indirect_vreg.gather [hbm4b:s6+s2], $0x80, v4, vm0, $0xb8;
	[tilespmem:$0x1A800] =	vst v63  }
0x121: {  	s18 =	simm.s32 $0x10000  }
0x122: {  	[tilespmem:s18], [sflag:$0x2] =	stream.indirect_vreg.gather [hbm4b:s3+s2], $0x80, v3, vm0, $0xb8;
	[tilespmem:$0x1A800] =	vst v63  }
0x123: {  	s18 =	simm.s32 $0x10800  }
0x124: {  	[tilespmem:s18], [sflag:$0x2] =	stream.indirect_vreg.gather [hbm4b:s5+s2], $0x80, v3, vm0, $0xb8;
	[tilespmem:$0x1A800] =	vst v63  }
0x125: {  	s18 =	simm.s32 $0x11000  }
0x126: {  	[tilespmem:s18], [sflag:$0x2] =	stream.indirect_vreg.gather [hbm4b:s6+s2], $0x80, v3, vm0, $0xb8;
	[tilespmem:$0x1A800] =	vst v63  }
0x127: {  	v3 =	vld [tilespmem:s16+$0xFFFFFFE0];
	_ =	sdelay $0x4  }
0x128: {  	v61 =	vshrl.u32 v3, $0x3  }
0x129: {  	v4 =	vmul.u32 $0x30, v61  }
0x12a: {  	v3 =	vand.u32 $0x7, v3  }
0x12b: {  	v3 =	vor.u32 v3, v4  }
0x12c: {  	v4 =	vperm.xlane v3, v0;
	_ =	sdelay $0x1  }
0x12d: {  	v4 =	vadd.s32 v1, v4;
	_ =	sdelay $0x3  }
0x12e: {  	s18 =	simm.s32 $0x11800;
	v3 =	vperm.xlane v3, v2  }
0x12f: {  	[tilespmem:s18], [sflag:$0x2] =	stream.indirect_vreg.gather [hbm4b:s3+s2], $0x80, v4, vm0, $0xb8;
	[tilespmem:$0x1A800] =	vst v63  }
0x130: {  	v3 =	vadd.s32 v1, v3;
	s18 =	simm.s32 $0x12000  }
0x131: {  	[tilespmem:s18], [sflag:$0x2] =	stream.indirect_vreg.gather [hbm4b:s5+s2], $0x80, v4, vm0, $0xb8;
	[tilespmem:$0x1A800] =	vst v63  }
0x132: {  	_ = 	snop  }
0x133: {  	[tilespmem:s19], [sflag:$0x2] =	stream.indirect_vreg.gather [hbm4b:s6+s2], $0x80, v4, vm0, $0xb8;
	[tilespmem:$0x1A800] =	vst v63  }
0x134: {  	_ = 	snop  }
0x135: {  	[tilespmem:s20], [sflag:$0x2] =	stream.indirect_vreg.gather [hbm4b:s3+s2], $0x80, v3, vm0, $0xb8;
	[tilespmem:$0x1A800] =	vst v63  }
0x136: {  	_ = 	snop  }
0x137: {  	[tilespmem:s21], [sflag:$0x2] =	stream.indirect_vreg.gather [hbm4b:s5+s2], $0x80, v3, vm0, $0xb8;
	[tilespmem:$0x1A800] =	vst v63  }
0x138: {  	_ = 	snop  }
0x139: {  	[tilespmem:s22], [sflag:$0x2] =	stream.indirect_vreg.gather [hbm4b:s6+s2], $0x80, v3, vm0, $0xb8;
	[tilespmem:$0x1A800] =	vst v63  }
0x13a: {  	v3 =	vld [tilespmem:s16+$0xFFFFFFF0];
	_ =	sdelay $0x4  }
0x13b: {  	v62 =	vshrl.u32 v3, $0x3  }
0x13c: {  	v4 =	vmul.u32 $0x30, v62  }
0x13d: {  	v3 =	vand.u32 $0x7, v3  }
0x13e: {  	v3 =	vor.u32 v3, v4  }
0x13f: {  	v4 =	vperm.xlane v3, v0;
	_ =	sdelay $0x1  }
0x140: {  	v4 =	vadd.s32 v1, v4;
	_ =	sdelay $0x3  }
0x141: {  	v3 =	vperm.xlane v3, v2  }
0x142: {  	[tilespmem:s23], [sflag:$0x2] =	stream.indirect_vreg.gather [hbm4b:s3+s2], $0x80, v4, vm0, $0xb8;
	[tilespmem:$0x1A800] =	vst v63  }
0x143: {  	v3 =	vadd.s32 v1, v3  }
0x144: {  	[tilespmem:s24], [sflag:$0x2] =	stream.indirect_vreg.gather [hbm4b:s5+s2], $0x80, v4, vm0, $0xb8;
	[tilespmem:$0x1A800] =	vst v63  }
0x145: {  	_ = 	snop  }
0x146: {  	[tilespmem:s25], [sflag:$0x2] =	stream.indirect_vreg.gather [hbm4b:s6+s2], $0x80, v4, vm0, $0xb8;
	[tilespmem:$0x1A800] =	vst v63  }
0x147: {  	_ = 	snop  }
0x148: {  	[tilespmem:s26], [sflag:$0x2] =	stream.indirect_vreg.gather [hbm4b:s3+s2], $0x80, v3, vm0, $0xb8;
	[tilespmem:$0x1A800] =	vst v63  }
0x149: {  	_ = 	snop  }
0x14a: {  	[tilespmem:s28], [sflag:$0x2] =	stream.indirect_vreg.gather [hbm4b:s5+s2], $0x80, v3, vm0, $0xb8;
	[tilespmem:$0x1A800] =	vst v63  }
0x14b: {  	_ = 	snop  }
0x14c: {  	[tilespmem:s29], [sflag:$0x2] =	stream.indirect_vreg.gather [hbm4b:s6+s2], $0x80, v3, vm0, $0xb8;
	[tilespmem:$0x1A800] =	vst v63  }
0x14d: {  	v3 =	vld [tilespmem:s16+$0x0];
	_ =	sdelay $0x4  }
0x14e: {  	v63 =	vshrl.u32 v3, $0x3  }
0x14f: {  	v4 =	vmul.u32 $0x30, v63  }
0x150: {  	v3 =	vand.u32 $0x7, v3  }
0x151: {  	v3 =	vor.u32 v3, v4  }
0x152: {  	v4 =	vperm.xlane v3, v0;
	_ =	sdelay $0x1  }
0x153: {  	v4 =	vadd.s32 v1, v4;
	_ =	sdelay $0x3  }
0x154: {  	v3 =	vperm.xlane v3, v2  }
0x155: {  	[tilespmem:s30], [sflag:$0x2] =	stream.indirect_vreg.gather [hbm4b:s3+s2], $0x80, v4, vm0, $0xb8;
	[tilespmem:$0x1A800] =	vst v63  }
0x156: {  	v3 =	vadd.s32 v1, v3  }
0x157: {  	[tilespmem:s31], [sflag:$0x2] =	stream.indirect_vreg.gather [hbm4b:s5+s2], $0x80, v4, vm0, $0xb8;
	[tilespmem:$0x1A800] =	vst v63  }
0x158: {  	_ = 	snop  }
0x159: {  	[tilespmem:s1], [sflag:$0x2] =	stream.indirect_vreg.gather [hbm4b:s6+s2], $0x80, v4, vm0, $0xb8;
	[tilespmem:$0x1A800] =	vst v63  }
0x15a: {  	_ = 	snop  }
0x15b: {  	[tilespmem:s0], [sflag:$0x2] =	stream.indirect_vreg.gather [hbm4b:s3+s2], $0x80, v3, vm0, $0xb8;
	[tilespmem:$0x1A800] =	vst v63  }
.Ltmp3:
0x15c: {  	_ = 	snop;
	(pc) =	sbr.rel .LBB2_2-.Ltmp3, $4  }
0x15d: {  	_ = 	snop  }
0x15e: {  	[tilespmem:s4], [sflag:$0x2] =	stream.indirect_vreg.gather [hbm4b:s5+s2], $0x80, v3, vm0, $0xb8;
	[tilespmem:$0x1A800] =	vst v63  }
0x15f: {  	s17 =	sadd.s32 $0x3000, s17;
	s16 =	sadd.s32 $0x100, s16  }
0x160: {  	[tilespmem:s7], [sflag:$0x2] =	stream.indirect_vreg.gather [hbm4b:s6+s2], $0x80, v3, vm0, $0xb8;
	[tilespmem:$0x1A800] =	vst v63  }
.LBB2_5:
0x161: {  	_ =	sfence.sel $0x180000  }
0x162: {  	[bflag:$0x0] =	sbarrier.arrive $0xFFFF  }
0x163: {  	_ =	strace $0x90000050  }
0x164: {  	s0 =	stileid.u32;
	[bflag:$0x2] =	sbarrier.arrive $0xFFFF  }
0x165: {  	p0 =	sne.s32 s0, $0x0;
	s0 =	rddreg [dreg:$0x1]  }
0x166: {  	s0 =	sadd.s32 @!p0 $0x100000, s0  }
0x167: {  	[sflag:s0] =	ssyncadd.tile.s32 @!p0 $0x1;
	_ =	shalt  }
.Lfunc_end2:
_tile_overlayer_lowered:
.L_overlay_start_2:
0x168: {  	(tag) =	ssettag $0x2  }
0x169: {  	s0 =	rddreg [dreg:$0x0];
	s2 =	stileid.u32  }
0x16a: {  	s1 =	rddreg [dreg:$0x1];
	p0 =	sne.s32 s2, $0x0  }
0x16b: {  	s3 =	rddreg [dreg:$0x2];
	[bflag:$0x3] =	sbarrier.arrive $0xFFFF;
	s2 =	simm.s32 @!p0 $0x1C05  }
0x16c: {  	[timem:s3], [sflag:s2] =	dma.local @!p0 [hbm:s0], s1  }
0x16d: {  	s0 =	simm.s32 @!p0 $0x5  }
0x16e: {  	_ =	swait.ge @!p0 [sflag:s0], s1  }
0x16f: {  	s1 =	ssub.s32 @!p0 $0x0, s1;
	[sflag:s0] =	ssyncset.done @!p0 $0x0  }
0x170: {  	[sflag:s0] =	ssyncadd.s32 @!p0 s1  }
0x171: {  	[bflag:$0x3] =	sbarrier.arrive $0xFFFF  }
0x172: {  	_ =	shalt  }

// kernel: kernel.18.cloned.1.call-start
scs
__scs_entry_jumppad:
0x0: {  	(pc) =	sbr.rel $0x88, $3  }
0x1: {  	(tag) =	ssettag $0x0;
	lr =	simm.s32 $0x1  }
0x2: {  	[smem:$0x3F49] =	sst lr;
	_ =	strace $0xD0000000  }
0x3: {  	_ = 	snop  }
0x4: {  	_ = 	snop  }
0x5: {  	_ = 	snop  }
0x6: {  	_ = 	snop  }
0x7: {  	_ = 	snop  }
__scs_overlays_trampoline_lowered:
0x8: {  	[smem:$0x3F58] =	sst s0  }
0x9: {  	[smem:$0x3F59] =	sst s1  }
0xa: {  	[smem:$0x3F5A] =	sst s2  }
0xb: {  	[smem:$0x3F5B] =	sst s3  }
0xc: {  	[smem:$0x3F5C] =	sst s4  }
0xd: {  	[smem:$0x3F5D] =	sst s5  }
0xe: {  	[smem:$0x3F5E] =	sst s6  }
0xf: {  	[smem:$0x3F5F] =	sst s7  }
0x10: {  	[smem:$0x3F60] =	sst s8  }
0x11: {  	[smem:$0x3F61] =	sst s9;
	s0 =	simm.s32 @!p0 $0x0  }
0x12: {  	s1 =	sld [smem:$0x3F47];
	s0 =	simm.s32 @p0 $0x1  }
0x13: {  	[smem:$0x3F62] =	sst s0;
	s0 =	simm.s32 @!p1 $0x0  }
0x14: {  	s2 =	sld [smem:$0x3F46];
	s0 =	simm.s32 @p1 $0x1  }
0x15: {  	[smem:$0x3F63] =	sst s0;
	s0 =	simm.s32 @!p2 $0x0  }
0x16: {  	s3 =	sld [smem:$0x3FDB];
	s0 =	simm.s32 @p2 $0x1  }
0x17: {  	s4 =	simm.s32 $0x1BF5;
	[smem:$0x3F65] =	sst s0  }
0x18: {  	s0 =	sld [smem:$0x3F48];
	_ =	swait.ge [sflag:s4], $0x0  }
0x19: {  	s7 =	sld [smem:$0x3F49]  }
0x1a: {  	s8 =	sadd.s32 $0xFFFFE003, lr  }
0x1b: {  	s9 =	sadd.s32 $0xFFFFFEF7, lr;
	s5 =	simm.s32 $0xFFFFFFFF;
	p2 =	slt.u32 s8, $0xFFFFF086  }
0x1c: {  	p1 =	slt.u32 s9, $0xF7A;
	s5 =	simm.s32 @!p2 $0x0  }
0x1d: {  	s5 =	simm.s32 @p1 $0x1;
	p0 =	seq.s32 s7, s2  }
0x1e: {  	s7 =	smul.u32 @!p0 $0xF7A, s2;
	p2 =	seq.s32 @!p0 s5, $0x0  }
0x1f: {  	s9 =	smul.u32 $0xF7A, s1;
	s8 =	simm.s32 @!p0 $0x1BF5;
	p2 =	por !p2, p0  }
0x20: {  	[sflag:s8] =	ssyncset.s32 @!p0 $0xFFFFF086;
	s6 =	sadd.s32 @!p0 s3, s7;
	s7 =	simm.s32 @!p0 $0x108  }
0x21: {  	s3 =	sadd.s32 s3, s9;
	s6 =	sadd.s32 @!p0 $0x88, s6;
	s7 =	simm.s32 @p2 $0x1082  }
0x22: {  	[simem:s7], [sflag:s8] =	dma.local @!p0 [hbm:s6], $0xF7A  }
0x23: {  	s9 =	sor.u32 $0xD0000000, s2;
	s6 =	simm.s32 $0x108;
	_ =	swait.ge @!p0 [sflag:s8], $0x0  }
0x24: {  	s3 =	sadd.s32 $0x88, s3;
	s6 =	simm.s32 @!p1 $0x1082;
	[sflag:s4] =	ssyncset.s32 $0xFFFFF086  }
0x25: {  	[simem:s6], [sflag:s4] =	dma.local [hbm:s3], $0xF7A  }
0x26: {  	[smem:$0x3F49] =	sst s1;
	(tag) =	ssettag s2;
	_ =	strace s9  }
0x27: {  	s1 =	sld [smem:$0x3F59]  }
0x28: {  	s2 =	sld [smem:$0x3F5A]  }
0x29: {  	s4 =	sld [smem:$0x3F5C]  }
0x2a: {  	p0 =	seq.s32 s5, $0x0;
	s5 =	sld [smem:$0x3F5D]  }
0x2b: {  	s6 =	sld [smem:$0x3F5E]  }
0x2c: {  	s7 =	sld [smem:$0x3F5F]  }
0x2d: {  	s3 =	simm.s32 $0x108;
	s8 =	sld [smem:$0x3F60]  }
0x2e: {  	s3 =	simm.s32 @!p0 $0x1082;
	s9 =	sld [smem:$0x3F61]  }
0x2f: {  	lr =	sadd.s32 s0, s3;
	s0 =	sld [smem:$0x3F58]  }
0x30: {  	s3 =	sld [smem:$0x3F5B]  }
0x31: {  	[smem:$0x3F64] =	sst s10  }
0x32: {  	s10 =	sld [smem:$0x3F62];
	_ =	sdelay $0x3  }
0x33: {  	p0 =	seq.s32 s10, $0x1;
	s10 =	sld [smem:$0x3F64];
	_ =	sdelay $0x3  }
0x34: {  	[smem:$0x3F64] =	sst s10  }
0x35: {  	s10 =	sld [smem:$0x3F63];
	_ =	sdelay $0x3  }
0x36: {  	p1 =	seq.s32 s10, $0x1;
	s10 =	sld [smem:$0x3F64];
	_ =	sdelay $0x3  }
0x37: {  	[smem:$0x3F64] =	sst s10  }
0x38: {  	s10 =	sld [smem:$0x3F65]  }
0x39: {  	_ = 	snop;
	(pc) =	sbr.ind lr, $3  }
0x3a: {  	_ = 	snop  }
0x3b: {  	_ = 	snop  }
0x3c: {  	p2 =	seq.s32 s10, $0x1;
	s10 =	sld [smem:$0x3F64]  }
0x3d: {  	_ =	shalt  }
0x3e: {  	_ =	shalt  }
0x3f: {  	_ =	shalt  }
0x40: {  	_ =	shalt  }
0x41: {  	_ =	shalt  }
0x42: {  	_ =	shalt  }
0x43: {  	_ =	shalt  }
0x44: {  	_ =	shalt  }
0x45: {  	_ =	shalt  }
0x46: {  	_ =	shalt  }
0x47: {  	_ =	shalt  }
0x48: {  	_ =	shalt  }
0x49: {  	_ =	shalt  }
0x4a: {  	_ =	shalt  }
0x4b: {  	_ =	shalt  }
0x4c: {  	_ =	shalt  }
0x4d: {  	_ =	shalt  }
0x4e: {  	_ =	shalt  }
0x4f: {  	_ =	shalt  }
0x50: {  	_ =	shalt  }
0x51: {  	_ =	shalt  }
0x52: {  	_ =	shalt  }
0x53: {  	_ =	shalt  }
0x54: {  	_ =	shalt  }
0x55: {  	_ =	shalt  }
0x56: {  	_ =	shalt  }
0x57: {  	_ =	shalt  }
0x58: {  	_ =	shalt  }
0x59: {  	_ =	shalt  }
0x5a: {  	_ =	shalt  }
0x5b: {  	_ =	shalt  }
0x5c: {  	_ =	shalt  }
0x5d: {  	_ =	shalt  }
0x5e: {  	_ =	shalt  }
0x5f: {  	_ =	shalt  }
0x60: {  	_ =	shalt  }
0x61: {  	_ =	shalt  }
0x62: {  	_ =	shalt  }
0x63: {  	_ =	shalt  }
0x64: {  	_ =	shalt  }
0x65: {  	_ =	shalt  }
0x66: {  	_ =	shalt  }
0x67: {  	_ =	shalt  }
0x68: {  	_ =	shalt  }
0x69: {  	_ =	shalt  }
0x6a: {  	_ =	shalt  }
0x6b: {  	_ =	shalt  }
0x6c: {  	_ =	shalt  }
0x6d: {  	_ =	shalt  }
0x6e: {  	_ =	shalt  }
0x6f: {  	_ =	shalt  }
0x70: {  	_ =	shalt  }
0x71: {  	_ =	shalt  }
0x72: {  	_ =	shalt  }
0x73: {  	_ =	shalt  }
0x74: {  	_ =	shalt  }
0x75: {  	_ =	shalt  }
0x76: {  	_ =	shalt  }
0x77: {  	_ =	shalt  }
0x78: {  	_ =	shalt  }
0x79: {  	_ =	shalt  }
0x7a: {  	_ =	shalt  }
0x7b: {  	_ =	shalt  }
0x7c: {  	_ =	shalt  }
0x7d: {  	_ =	shalt  }
0x7e: {  	_ =	shalt  }
0x7f: {  	_ =	shalt  }
0x80: {  	_ =	shalt  }
0x81: {  	_ =	shalt  }
0x82: {  	_ =	shalt  }
0x83: {  	_ =	shalt  }
0x84: {  	_ =	shalt  }
0x85: {  	_ =	shalt  }
0x86: {  	_ =	shalt  }
0x87: {  	_ =	shalt  }
.Lfunc_end0:
.L_simem_size_0:
called_computation.4_lowered:
.L_overlay_start_0:
0x88: {  	s2 =	sld [smem:$0x3FD9]  }
0x89: {  	s3 =	sld [smem:$0x3FFE];
	_ =	sdelay $0x1  }
0x8a: {  	s1 =	srdreg.scid  }
0x8b: {  	s0 =	sand.u32 $0x1, s1  }
0x8c: {  	s16 =	sshll.u32 s0, $0xA;
	s2 =	sadd.s32 s3, s2  }
0x8d: {  	s2 =	sadd.s32 s2, s16  }
0x8e: {  	[smem:$0x3F70] =	sst s2  }
0x8f: {  	_ = 	snop  }
0x90: {  	(tm) =	ssettm $0x1  }
0x91: {  	s17 =	sld [smem:$0x3FFB];
	_ =	sdelay $0x3  }
0x92: {  	_ =	strace s17  }
0x93: {  	s2 =	sld [smem:$0x3FFC];
	_ =	sdelay $0x3  }
0x94: {  	_ =	strace s2  }
0x95: {  	s2 =	sld [smem:$0x3FFD];
	_ =	sdelay $0x3  }
0x96: {  	_ =	strace s2  }
0x97: {  	_ =	strace $0x8FFFFFFF  }
0x98: {  	s18 =	sld [smem:$0x3FDB];
	_ =	sdelay $0x1  }
0x99: {  	s19 =	simm.s32 $_scs_section_size  }
0x9a: {  	s4 =	simm.s32 $_size__tile_overlayer_lowered;
	s5 =	simm.s32 $_tile_overlayer_lowered  }
0x9b: {  	s22 =	simm.s32 $0x1BFF;
	s21 =	sshll.u32 s5, $0x1;
	s2 =	sadd.s32 s19, s18  }
0x9c: {  	s6 =	simm.s32 $0x0;
	s20 =	sshll.u32 s4, $0x1;
	s4 =	sadd.s32 s21, s2  }
0x9d: {  	[timem:s6], [sflag:s22] =	dma.local [hbm:s4], s20  }
0x9e: {  	_ =	swait.ge [sflag:s22], s20  }
0x9f: {  	s3 =	ssub.s32 $0x0, s20;
	[sflag:s22] =	ssyncset.done $0x0  }
0xa0: {  	[sflag:s22] =	ssyncadd.s32 s3;
	_ =	sdelay $0x1  }
0xa1: {  	s23 =	simm.s32 $0x1B8B  }
0xa2: {  	_ =	swait.ge [sflag:s23], $0x1  }
0xa3: {  	[sflag:s23] =	ssyncset.done $0x0  }
0xa4: {  	s25 =	simm.s32 $0x1B8E;
	s24 =	sld [smem:$0x3FFE];
	[sflag:s23] =	ssyncadd.s32 $0xFFFFFFFF  }
0xa5: {  	s26 =	simm.s32 $execute0_lowered;
	[smem:$0x3FD2] =	sst s25  }
0xa6: {  	s4 =	sshll.u32 s26, $0x1;
	_ =	strace $0x80000052;
	[dreg:$0x1] =	wrdreg $0xFFFFFFFF  }
0xa7: {  	s28 =	simm.s32 $_size_execute0_lowered;
	s2 =	sadd.s32 s2, s4;
	[dreg:$0x0] =	wrdreg $0x0  }
0xa8: {  	s4 =	sshll.u32 s28, $0x1;
	[dreg:$0x2] =	wrdreg s2  }
0xa9: {  	[dreg:$0x3] =	wrdreg s4  }
0xaa: {  	[dreg:$0x4] =	wrdreg $0xC0  }
0xab: {  	_ =	task [dreg:s6], $0x5FFFF  }
0xac: {  	[dreg:$0x1] =	wrdreg $0xFFFFFFFF  }
0xad: {  	[dreg:$0x0] =	wrdreg $0x60  }
0xae: {  	[dreg:$0x2] =	wrdreg s24  }
0xaf: {  	[dreg:$0x3] =	wrdreg $0x9  }
0xb0: {  	_ =	task.clear_ibuf [dreg:s6], $0x4FFFF;
	_ =	strace $0x90000052  }
0xb1: {  	s29 =	simm.s32 $0x9;
	_ =	strace $0x80000054  }
0xb2: {  	_ =	swait.ge [sflag:s29], $0x1  }
0xb3: {  	[sflag:s29] =	ssyncadd.s32 $0xFFFFFFFF  }
0xb4: {  	_ =	strace $0x90000054  }
0xb5: {  	_ =	sfence  }
0xb6: {  	s30 =	sld [smem:$0x0];
	_ =	sdelay $0x2  }
0xb7: {  	s31 =	sshll.u32 s1, $0xD;
	s1 =	sshrl.u32 s1, $0x2  }
0xb8: {  	s3 =	sand.u32 $0x4000, s31;
	s1 =	sadd.s32 s1, s30  }
0xb9: {  	s0 =	sor.u32 s3, s0;
	s1 =	sshll.u32 s1, $0x11  }
0xba: {  	s0 =	sor.u32 s1, s0  }
0xbb: {  	s0 =	sadd.s32 $0x8F2B, s0  }
0xbc: {  	[sflag:s0] =	ssyncadd.remote.s32 $0x1  }
0xbd: {  	_ =	sfence.sel $0xFFFF  }
0xbe: {  	[dreg:$0x0] =	wrdreg $0xFFFFFFFF;
	(pc) =	sbr.abs _section_cstart, $3  }
0xbf: {  	[dreg:$0x1] =	wrdreg $0xFFFFFFFF  }
0xc0: {  	_ =	task.clear_ibuf [dreg:s6], $0x2FFFF;
	_ =	strace $0x9FFFFFFF  }
0xc1: {  	(tm) =	ssettm $0x7FFFFFFF  }
tec
execute0_lowered:
.L_overlay_start_1:
0x0: {  	(tag) =	ssettag $0x1  }
0x1: {  	s0 =	srdreg.scid;
	s3 =	stileid.u32  }
0x2: {  	s4 =	rddreg [dreg:$0x0];
	s2 =	simm.s32 $0x0;
	s11 =	simm.s32 $0x2800  }
0x3: {  	s10 =	simm.s32 $0xE800;
	s19 =	simm.s32 $0x12800;
	s20 =	simm.s32 $0x13000  }
0x4: {  	s21 =	simm.s32 $0x13800;
	s22 =	simm.s32 $0x14000;
	s23 =	simm.s32 $0x14800  }
0x5: {  	s24 =	simm.s32 $0x15000;
	s28 =	simm.s32 $0x16800;
	s29 =	simm.s32 $0x17000  }
0x6: {  	s30 =	simm.s32 $0x17800;
	s31 =	simm.s32 $0x18000;
	s12 =	simm.s32 $0x1  }
0x7: {  	s13 =	simm.s32 $0x2;
	s14 =	simm.s32 $0x3;
	s15 =	simm.s32 $0x4  }
0x8: {  	s17 =	simm.s32 $0x0;
	s0 =	sand.u32 $0x1, s0;
	s1 =	sshll.u32 s3, $0x1  }
0x9: {  	s5 =	smul.u32 $0x2800, s3;
	[smem:$0x7FF] =	sst s2;
	s3 =	sadd.s32 $0x1838800, s4  }
0xa: {  	s1 =	sor.u32 s0, s1;
	s6 =	smul.u32 $0x1400, s0;
	s0 =	ssub.s32 $0x2, s0  }
0xb: {  	s7 =	sadd.s32 $0x36A400, s4;
	s1 =	smul.u32 $0x500, s1;
	s25 =	sshrl.u32 s0, $0x1  }
0xc: {  	_ =	strace $0x80000053;
	s5 =	sadd.s32 s6, s5;
	s0 =	ssub.s32 s0, s25  }
0xd: {  	s25 =	simm.s32 $0x15800;
	s1 =	sadd.s32 s1, s4;
	s6 =	sshrl.u32 s5, $0x3  }
0xe: {  	s5 =	sor.u32 $0x40, s5;
	s0 =	smax.u32 s0, $0x1;
	s8 =	smul.u32 $0x300, s6  }
.Ltmp0:
0xf: {  	s5 =	sshrl.u32 s5, $0x3;
	s1 =	sadd.s32 $0x19F200, s1;
	(pc) =	sbr.rel .LBB2_1-.Ltmp0, $4  }
0x10: {  	s6 =	sadd.s32 $0x1838A00, s4;
	[dreg:$0x3] =	wrdreg s0;
	s0 =	simm.s32 $0x19000  }
0x11: {  	v2 =	vlaneseq.u32;
	[dreg:$0x2] =	wrdreg s1;
	s26 =	smul.u32 $0x300, s5;
	s5 =	sadd.s32 $0x1838900, s4  }
0x12: {  	vm0 =	vmmov $0xffff;
	v1 =	vshrl.u32 v2, $0x3;
	s1 =	simm.s32 $0x18800;
	s4 =	simm.s32 $0x19800;
	s8 =	sadd.s32 s8, s7  }
0x13: {  	v0 =	vand.u32 $0x7, v2;
	v2 =	vor.u32 $0x8, v2;
	v1 =	vmul.u32 $0x8, v1;
	s9 =	sadd.s32 s26, s7;
	s26 =	simm.s32 $0x16000;
	s7 =	simm.s32 $0x1A000  }
.LBB2_4:
0x14: {  	_ =	swait.ge [sflag:s15], $0xC000  }
0x15: {  	s17 =	rddreg [dreg:$0x4]  }
0x16: {  	s16 =	rddreg [dreg:$0x3];
	s17 =	sadd.s32 $0x1, s17  }
0x17: {  	p0 =	sne.s32 s17, s16  }
.Ltmp1:
0x18: {  	_ = 	snop;
	(pc) =	sbr.rel @!p0 .LBB2_5-.Ltmp1, $3  }
0x19: {  	_ =	sdelay $0x1  }
0x1a: {  	[sflag:s15] =	ssyncset.done $0x0  }
0x1b: {  	[sflag:s15] =	ssyncadd.s32 $0xFFFF4000  }
.LBB2_1:
0x1c: {  	[dreg:$0x4] =	wrdreg s17  }
0x1d: {  	s16 =	rddreg [dreg:$0x2];
	s18 =	simm.s32 $0x5  }
0x1e: {  	[tilespmem:s2], [sflag:$0x5] =	stream.linear.gather [hbm4b:s16+s2], $0x2800, $0x38;
	[tilespmem:$0x1A800] =	vst v63  }
0x1f: {  	_ =	swait.ge [sflag:s18], $0x2800  }
0x20: {  	[sflag:s18] =	ssyncset.done $0x0  }
0x21: {  	[sflag:s18] =	ssyncadd.s32 $0xFFFFD800  }
0x22: {  	v3 =	vld [tilespmem:$0x0];
	_ =	sdelay $0x4  }
0x23: {  	v4 =	vshrl.u32 v3, $0x3  }
0x24: {  	v4 =	vmul.u32 $0x30, v4  }
0x25: {  	v3 =	vand.u32 $0x7, v3  }
0x26: {  	v3 =	vor.u32 v3, v4  }
0x27: {  	v4 =	vperm.xlane v3, v0;
	_ =	sdelay $0x1  }
0x28: {  	v4 =	vadd.s32 v1, v4;
	_ =	sdelay $0x3  }
0x29: {  	v3 =	vperm.xlane v3, v2  }
0x2a: {  	[tilespmem:s11], [sflag:$0x1] =	stream.indirect_vreg.gather [hbm4b:s3+s2], $0x80, v4, vm0, $0xb8;
	[tilespmem:$0x1A800] =	vst v63  }
0x2b: {  	s17 =	simm.s32 $0x3000;
	v3 =	vadd.s32 v1, v3  }
0x2c: {  	[tilespmem:s17], [sflag:$0x1] =	stream.indirect_vreg.gather [hbm4b:s5+s2], $0x80, v4, vm0, $0xb8;
	[tilespmem:$0x1A800] =	vst v63  }
0x2d: {  	s18 =	simm.s32 $0x3800  }
0x2e: {  	[tilespmem:s18], [sflag:$0x1] =	stream.indirect_vreg.gather [hbm4b:s6+s2], $0x80, v4, vm0, $0xb8;
	[tilespmem:$0x1A800] =	vst v63  }
0x2f: {  	s17 =	simm.s32 $0x4000  }
0x30: {  	[tilespmem:s17], [sflag:$0x1] =	stream.indirect_vreg.gather [hbm4b:s3+s2], $0x80, v3, vm0, $0xb8;
	[tilespmem:$0x1A800] =	vst v63  }
0x31: {  	s18 =	simm.s32 $0x4800  }
0x32: {  	[tilespmem:s18], [sflag:$0x1] =	stream.indirect_vreg.gather [hbm4b:s5+s2], $0x80, v3, vm0, $0xb8;
	[tilespmem:$0x1A800] =	vst v63  }
0x33: {  	s17 =	simm.s32 $0x5000  }
0x34: {  	[tilespmem:s17], [sflag:$0x1] =	stream.indirect_vreg.gather [hbm4b:s6+s2], $0x80, v3, vm0, $0xb8;
	[tilespmem:$0x1A800] =	vst v63  }
0x35: {  	v3 =	vld [tilespmem:$0x10];
	_ =	sdelay $0x4  }
0x36: {  	v57 =	vshrl.u32 v3, $0x3  }
0x37: {  	v4 =	vmul.u32 $0x30, v57  }
0x38: {  	v3 =	vand.u32 $0x7, v3  }
0x39: {  	v3 =	vor.u32 v3, v4  }
0x3a: {  	v4 =	vperm.xlane v3, v0;
	_ =	sdelay $0x1  }
0x3b: {  	v4 =	vadd.s32 v1, v4;
	_ =	sdelay $0x3  }
0x3c: {  	s18 =	simm.s32 $0x5800;
	v3 =	vperm.xlane v3, v2  }
0x3d: {  	[tilespmem:s18], [sflag:$0x1] =	stream.indirect_vreg.gather [hbm4b:s3+s2], $0x80, v4, vm0, $0xb8;
	[tilespmem:$0x1A800] =	vst v63  }
0x3e: {  	s17 =	simm.s32 $0x6000;
	v3 =	vadd.s32 v1, v3  }
0x3f: {  	[tilespmem:s17], [sflag:$0x1] =	stream.indirect_vreg.gather [hbm4b:s5+s2], $0x80, v4, vm0, $0xb8;
	[tilespmem:$0x1A800] =	vst v63  }
0x40: {  	s18 =	simm.s32 $0x6800  }
0x41: {  	[tilespmem:s18], [sflag:$0x1] =	stream.indirect_vreg.gather [hbm4b:s6+s2], $0x80, v4, vm0, $0xb8;
	[tilespmem:$0x1A800] =	vst v63  }
0x42: {  	s17 =	simm.s32 $0x7000  }
0x43: {  	[tilespmem:s17], [sflag:$0x1] =	stream.indirect_vreg.gather [hbm4b:s3+s2], $0x80, v3, vm0, $0xb8;
	[tilespmem:$0x1A800] =	vst v63  }
0x44: {  	s18 =	simm.s32 $0x7800  }
0x45: {  	[tilespmem:s18], [sflag:$0x1] =	stream.indirect_vreg.gather [hbm4b:s5+s2], $0x80, v3, vm0, $0xb8;
	[tilespmem:$0x1A800] =	vst v63  }
0x46: {  	s17 =	simm.s32 $0x8000  }
0x47: {  	[tilespmem:s17], [sflag:$0x1] =	stream.indirect_vreg.gather [hbm4b:s6+s2], $0x80, v3, vm0, $0xb8;
	[tilespmem:$0x1A800] =	vst v63  }
0x48: {  	v3 =	vld [tilespmem:$0x20];
	_ =	sdelay $0x4  }
0x49: {  	v58 =	vshrl.u32 v3, $0x3  }
0x4a: {  	v4 =	vmul.u32 $0x30, v58  }
0x4b: {  	v3 =	vand.u32 $0x7, v3  }
0x4c: {  	v3 =	vor.u32 v3, v4  }
0x4d: {  	v4 =	vperm.xlane v3, v0;
	_ =	sdelay $0x1  }
0x4e: {  	v4 =	vadd.s32 v1, v4;
	_ =	sdelay $0x3  }
0x4f: {  	s18 =	simm.s32 $0x8800;
	v3 =	vperm.xlane v3, v2  }
0x50: {  	[tilespmem:s18], [sflag:$0x1] =	stream.indirect_vreg.gather [hbm4b:s3+s2], $0x80, v4, vm0, $0xb8;
	[tilespmem:$0x1A800] =	vst v63  }
0x51: {  	s17 =	simm.s32 $0x9000;
	v3 =	vadd.s32 v1, v3  }
0x52: {  	[tilespmem:s17], [sflag:$0x1] =	stream.indirect_vreg.gather [hbm4b:s5+s2], $0x80, v4, vm0, $0xb8;
	[tilespmem:$0x1A800] =	vst v63  }
0x53: {  	s18 =	simm.s32 $0x9800  }
0x54: {  	[tilespmem:s18], [sflag:$0x1] =	stream.indirect_vreg.gather [hbm4b:s6+s2], $0x80, v4, vm0, $0xb8;
	[tilespmem:$0x1A800] =	vst v63  }
0x55: {  	s17 =	simm.s32 $0xA000  }
0x56: {  	[tilespmem:s17], [sflag:$0x1] =	stream.indirect_vreg.gather [hbm4b:s3+s2], $0x80, v3, vm0, $0xb8;
	[tilespmem:$0x1A800] =	vst v63  }
0x57: {  	s18 =	simm.s32 $0xA800  }
0x58: {  	[tilespmem:s18], [sflag:$0x1] =	stream.indirect_vreg.gather [hbm4b:s5+s2], $0x80, v3, vm0, $0xb8;
	[tilespmem:$0x1A800] =	vst v63  }
0x59: {  	s17 =	simm.s32 $0xB000  }
0x5a: {  	[tilespmem:s17], [sflag:$0x1] =	stream.indirect_vreg.gather [hbm4b:s6+s2], $0x80, v3, vm0, $0xb8;
	[tilespmem:$0x1A800] =	vst v63  }
0x5b: {  	v3 =	vld [tilespmem:$0x30];
	_ =	sdelay $0x4  }
0x5c: {  	v59 =	vshrl.u32 v3, $0x3  }
0x5d: {  	v4 =	vmul.u32 $0x30, v59  }
0x5e: {  	v3 =	vand.u32 $0x7, v3  }
0x5f: {  	v3 =	vor.u32 v3, v4  }
0x60: {  	v4 =	vperm.xlane v3, v0;
	_ =	sdelay $0x1  }
0x61: {  	v4 =	vadd.s32 v1, v4;
	_ =	sdelay $0x3  }
0x62: {  	s18 =	simm.s32 $0xB800;
	v3 =	vperm.xlane v3, v2  }
0x63: {  	[tilespmem:s18], [sflag:$0x1] =	stream.indirect_vreg.gather [hbm4b:s3+s2], $0x80, v4, vm0, $0xb8;
	[tilespmem:$0x1A800] =	vst v63  }
0x64: {  	s17 =	simm.s32 $0xC000;
	v3 =	vadd.s32 v1, v3  }
0x65: {  	[tilespmem:s17], [sflag:$0x1] =	stream.indirect_vreg.gather [hbm4b:s5+s2], $0x80, v4, vm0, $0xb8;
	[tilespmem:$0x1A800] =	vst v63  }
0x66: {  	s18 =	simm.s32 $0xC800  }
0x67: {  	[tilespmem:s18], [sflag:$0x1] =	stream.indirect_vreg.gather [hbm4b:s6+s2], $0x80, v4, vm0, $0xb8;
	[tilespmem:$0x1A800] =	vst v63  }
0x68: {  	s17 =	simm.s32 $0xD000  }
0x69: {  	[tilespmem:s17], [sflag:$0x1] =	stream.indirect_vreg.gather [hbm4b:s3+s2], $0x80, v3, vm0, $0xb8;
	[tilespmem:$0x1A800] =	vst v63  }
0x6a: {  	s18 =	simm.s32 $0xD800  }
0x6b: {  	[tilespmem:s18], [sflag:$0x1] =	stream.indirect_vreg.gather [hbm4b:s5+s2], $0x80, v3, vm0, $0xb8;
	[tilespmem:$0x1A800] =	vst v63  }
0x6c: {  	s17 =	simm.s32 $0xE000  }
0x6d: {  	[tilespmem:s17], [sflag:$0x1] =	stream.indirect_vreg.gather [hbm4b:s6+s2], $0x80, v3, vm0, $0xb8;
	[tilespmem:$0x1A800] =	vst v63  }
0x6e: {  	v3 =	vld [tilespmem:$0x80];
	_ =	sdelay $0x4  }
0x6f: {  	v60 =	vshrl.u32 v3, $0x3  }
0x70: {  	v4 =	vmul.u32 $0x30, v60  }
0x71: {  	v3 =	vand.u32 $0x7, v3  }
0x72: {  	v3 =	vor.u32 v3, v4  }
0x73: {  	v4 =	vperm.xlane v3, v0;
	_ =	sdelay $0x1  }
0x74: {  	v4 =	vadd.s32 v1, v4;
	_ =	sdelay $0x3  }
0x75: {  	v3 =	vperm.xlane v3, v2  }
0x76: {  	[tilespmem:s10], [sflag:$0x2] =	stream.indirect_vreg.gather [hbm4b:s3+s2], $0x80, v4, vm0, $0xb8;
	[tilespmem:$0x1A800] =	vst v63  }
0x77: {  	s18 =	simm.s32 $0xF000;
	v3 =	vadd.s32 v1, v3  }
0x78: {  	[tilespmem:s18], [sflag:$0x2] =	stream.indirect_vreg.gather [hbm4b:s5+s2], $0x80, v4, vm0, $0xb8;
	[tilespmem:$0x1A800] =	vst v63  }
0x79: {  	s17 =	simm.s32 $0xF800  }
0x7a: {  	[tilespmem:s17], [sflag:$0x2] =	stream.indirect_vreg.gather [hbm4b:s6+s2], $0x80, v4, vm0, $0xb8;
	[tilespmem:$0x1A800] =	vst v63  }
0x7b: {  	s18 =	simm.s32 $0x10000  }
0x7c: {  	[tilespmem:s18], [sflag:$0x2] =	stream.indirect_vreg.gather [hbm4b:s3+s2], $0x80, v3, vm0, $0xb8;
	[tilespmem:$0x1A800] =	vst v63  }
0x7d: {  	s17 =	simm.s32 $0x10800  }
0x7e: {  	[tilespmem:s17], [sflag:$0x2] =	stream.indirect_vreg.gather [hbm4b:s5+s2], $0x80, v3, vm0, $0xb8;
	[tilespmem:$0x1A800] =	vst v63  }
0x7f: {  	s18 =	simm.s32 $0x11000  }
0x80: {  	[tilespmem:s18], [sflag:$0x2] =	stream.indirect_vreg.gather [hbm4b:s6+s2], $0x80, v3, vm0, $0xb8;
	[tilespmem:$0x1A800] =	vst v63  }
0x81: {  	v3 =	vld [tilespmem:$0x90];
	_ =	sdelay $0x4  }
0x82: {  	v61 =	vshrl.u32 v3, $0x3  }
0x83: {  	v4 =	vmul.u32 $0x30, v61  }
0x84: {  	v3 =	vand.u32 $0x7, v3  }
0x85: {  	v3 =	vor.u32 v3, v4  }
0x86: {  	v4 =	vperm.xlane v3, v0;
	_ =	sdelay $0x1  }
0x87: {  	v4 =	vadd.s32 v1, v4;
	_ =	sdelay $0x3  }
0x88: {  	s17 =	simm.s32 $0x11800;
	v3 =	vperm.xlane v3, v2  }
0x89: {  	[tilespmem:s17], [sflag:$0x2] =	stream.indirect_vreg.gather [hbm4b:s3+s2], $0x80, v4, vm0, $0xb8;
	[tilespmem:$0x1A800] =	vst v63  }
0x8a: {  	s18 =	simm.s32 $0x12000;
	v3 =	vadd.s32 v1, v3  }
0x8b: {  	[tilespmem:s18], [sflag:$0x2] =	stream.indirect_vreg.gather [hbm4b:s5+s2], $0x80, v4, vm0, $0xb8;
	[tilespmem:$0x1A800] =	vst v63  }
0x8c: {  	_ = 	snop  }
0x8d: {  	[tilespmem:s19], [sflag:$0x2] =	stream.indirect_vreg.gather [hbm4b:s6+s2], $0x80, v4, vm0, $0xb8;
	[tilespmem:$0x1A800] =	vst v63  }
0x8e: {  	_ = 	snop  }
0x8f: {  	[tilespmem:s20], [sflag:$0x2] =	stream.indirect_vreg.gather [hbm4b:s3+s2], $0x80, v3, vm0, $0xb8;
	[tilespmem:$0x1A800] =	vst v63  }
0x90: {  	_ = 	snop  }
0x91: {  	[tilespmem:s21], [sflag:$0x2] =	stream.indirect_vreg.gather [hbm4b:s5+s2], $0x80, v3, vm0, $0xb8;
	[tilespmem:$0x1A800] =	vst v63  }
0x92: {  	_ = 	snop  }
0x93: {  	[tilespmem:s22], [sflag:$0x2] =	stream.indirect_vreg.gather [hbm4b:s6+s2], $0x80, v3, vm0, $0xb8;
	[tilespmem:$0x1A800] =	vst v63  }
0x94: {  	v3 =	vld [tilespmem:$0xA0];
	_ =	sdelay $0x4  }
0x95: {  	v62 =	vshrl.u32 v3, $0x3  }
0x96: {  	v4 =	vmul.u32 $0x30, v62  }
0x97: {  	v3 =	vand.u32 $0x7, v3  }
0x98: {  	v3 =	vor.u32 v3, v4  }
0x99: {  	v4 =	vperm.xlane v3, v0;
	_ =	sdelay $0x1  }
0x9a: {  	v4 =	vadd.s32 v1, v4;
	_ =	sdelay $0x3  }
0x9b: {  	v3 =	vperm.xlane v3, v2  }
0x9c: {  	[tilespmem:s23], [sflag:$0x2] =	stream.indirect_vreg.gather [hbm4b:s3+s2], $0x80, v4, vm0, $0xb8;
	[tilespmem:$0x1A800] =	vst v63  }
0x9d: {  	v3 =	vadd.s32 v1, v3  }
0x9e: {  	[tilespmem:s24], [sflag:$0x2] =	stream.indirect_vreg.gather [hbm4b:s5+s2], $0x80, v4, vm0, $0xb8;
	[tilespmem:$0x1A800] =	vst v63  }
0x9f: {  	_ = 	snop  }
0xa0: {  	[tilespmem:s25], [sflag:$0x2] =	stream.indirect_vreg.gather [hbm4b:s6+s2], $0x80, v4, vm0, $0xb8;
	[tilespmem:$0x1A800] =	vst v63  }
0xa1: {  	_ = 	snop  }
0xa2: {  	[tilespmem:s26], [sflag:$0x2] =	stream.indirect_vreg.gather [hbm4b:s3+s2], $0x80, v3, vm0, $0xb8;
	[tilespmem:$0x1A800] =	vst v63  }
0xa3: {  	_ = 	snop  }
0xa4: {  	[tilespmem:s28], [sflag:$0x2] =	stream.indirect_vreg.gather [hbm4b:s5+s2], $0x80, v3, vm0, $0xb8;
	[tilespmem:$0x1A800] =	vst v63  }
0xa5: {  	_ = 	snop  }
0xa6: {  	[tilespmem:s29], [sflag:$0x2] =	stream.indirect_vreg.gather [hbm4b:s6+s2], $0x80, v3, vm0, $0xb8;
	[tilespmem:$0x1A800] =	vst v63  }
0xa7: {  	v3 =	vld [tilespmem:$0xB0];
	_ =	sdelay $0x4  }
0xa8: {  	v63 =	vshrl.u32 v3, $0x3  }
0xa9: {  	v4 =	vmul.u32 $0x30, v63  }
0xaa: {  	v3 =	vand.u32 $0x7, v3  }
0xab: {  	v3 =	vor.u32 v3, v4  }
0xac: {  	v4 =	vperm.xlane v3, v0;
	_ =	sdelay $0x1  }
0xad: {  	v4 =	vadd.s32 v1, v4;
	_ =	sdelay $0x3  }
0xae: {  	v3 =	vperm.xlane v3, v2  }
0xaf: {  	[tilespmem:s30], [sflag:$0x2] =	stream.indirect_vreg.gather [hbm4b:s3+s2], $0x80, v4, vm0, $0xb8;
	[tilespmem:$0x1A800] =	vst v63  }
0xb0: {  	v3 =	vadd.s32 v1, v3  }
0xb1: {  	[tilespmem:s31], [sflag:$0x2] =	stream.indirect_vreg.gather [hbm4b:s5+s2], $0x80, v4, vm0, $0xb8;
	[tilespmem:$0x1A800] =	vst v63  }
0xb2: {  	_ = 	snop  }
0xb3: {  	[tilespmem:s1], [sflag:$0x2] =	stream.indirect_vreg.gather [hbm4b:s6+s2], $0x80, v4, vm0, $0xb8;
	[tilespmem:$0x1A800] =	vst v63  }
0xb4: {  	_ = 	snop  }
0xb5: {  	[tilespmem:s0], [sflag:$0x2] =	stream.indirect_vreg.gather [hbm4b:s3+s2], $0x80, v3, vm0, $0xb8;
	[tilespmem:$0x1A800] =	vst v63  }
0xb6: {  	_ = 	snop  }
0xb7: {  	[tilespmem:s4], [sflag:$0x2] =	stream.indirect_vreg.gather [hbm4b:s5+s2], $0x80, v3, vm0, $0xb8;
	[tilespmem:$0x1A800] =	vst v63  }
0xb8: {  	s16 =	simm.s32 $0x1B0;
	s17 =	simm.s32 $0x0  }
0xb9: {  	[tilespmem:s7], [sflag:$0x2] =	stream.indirect_vreg.gather [hbm4b:s6+s2], $0x80, v3, vm0, $0xb8;
	[tilespmem:$0x1A800] =	vst v63  }
.LBB2_2:
0xba: {  	_ =	swait.ge [sflag:s12], $0xC000  }
0xbb: {  	[sflag:s12] =	ssyncset.done $0x0  }
0xbc: {  	s18 =	sadd.s32 s17, s8;
	[sflag:s12] =	ssyncadd.s32 $0xFFFF4000  }
0xbd: {  	[hbm4b:s18+s2] =	stream.linear.scatter [tilespmem:s11], [sflag:$0x3], $0xC000, $0x38;
	[tilespmem:$0x1A800] =	vst v63  }
0xbe: {  	_ =	swait.ge [sflag:s13], $0xC000  }
0xbf: {  	p0 =	seq.s32 s17, $0x75000;
	[sflag:s13] =	ssyncset.done $0x0  }
.Ltmp2:
0xc0: {  	s18 =	sadd.s32 s17, s9;
	[sflag:s13] =	ssyncadd.s32 $0xFFFF4000;
	(pc) =	sbr.rel @p0 .LBB2_4-.Ltmp2, $4  }
0xc1: {  	[hbm4b:s18+s2] =	stream.linear.scatter [tilespmem:s10], [sflag:$0x4], $0xC000, $0x38;
	[tilespmem:$0x1A800] =	vst v63  }
0xc2: {  	_ =	swait.ge [sflag:s14], $0xC000  }
0xc3: {  	[sflag:s14] =	ssyncset.done $0x0  }
0xc4: {  	[sflag:s14] =	ssyncadd.s32 $0xFFFF4000  }
0xc5: {  	v3 =	vld [tilespmem:s16+$0xFFFFFF50];
	_ =	sdelay $0x4  }
0xc6: {  	v4 =	vshrl.u32 v3, $0x3  }
0xc7: {  	v4 =	vmul.u32 $0x30, v4  }
0xc8: {  	v3 =	vand.u32 $0x7, v3  }
0xc9: {  	v3 =	vor.u32 v3, v4  }
0xca: {  	v4 =	vperm.xlane v3, v0;
	_ =	sdelay $0x1  }
0xcb: {  	v4 =	vadd.s32 v1, v4;
	_ =	sdelay $0x3  }
0xcc: {  	v3 =	vperm.xlane v3, v2  }
0xcd: {  	[tilespmem:s11], [sflag:$0x1] =	stream.indirect_vreg.gather [hbm4b:s3+s2], $0x80, v4, vm0, $0xb8;
	[tilespmem:$0x1A800] =	vst v63  }
0xce: {  	s18 =	simm.s32 $0x3000;
	v3 =	vadd.s32 v1, v3  }
0xcf: {  	[tilespmem:s18], [sflag:$0x1] =	stream.indirect_vreg.gather [hbm4b:s5+s2], $0x80, v4, vm0, $0xb8;
	[tilespmem:$0x1A800] =	vst v63  }
0xd0: {  	s18 =	simm.s32 $0x3800  }
0xd1: {  	[tilespmem:s18], [sflag:$0x1] =	stream.indirect_vreg.gather [hbm4b:s6+s2], $0x80, v4, vm0, $0xb8;
	[tilespmem:$0x1A800] =	vst v63  }
0xd2: {  	s18 =	simm.s32 $0x4000  }
0xd3: {  	[tilespmem:s18], [sflag:$0x1] =	stream.indirect_vreg.gather [hbm4b:s3+s2], $0x80, v3, vm0, $0xb8;
	[tilespmem:$0x1A800] =	vst v63  }
0xd4: {  	s18 =	simm.s32 $0x4800  }
0xd5: {  	[tilespmem:s18], [sflag:$0x1] =	stream.indirect_vreg.gather [hbm4b:s5+s2], $0x80, v3, vm0, $0xb8;
	[tilespmem:$0x1A800] =	vst v63  }
0xd6: {  	s18 =	simm.s32 $0x5000  }
0xd7: {  	[tilespmem:s18], [sflag:$0x1] =	stream.indirect_vreg.gather [hbm4b:s6+s2], $0x80, v3, vm0, $0xb8;
	[tilespmem:$0x1A800] =	vst v63  }
0xd8: {  	v3 =	vld [tilespmem:s16+$0xFFFFFF60];
	_ =	sdelay $0x4  }
0xd9: {  	v57 =	vshrl.u32 v3, $0x3  }
0xda: {  	v4 =	vmul.u32 $0x30, v57  }
0xdb: {  	v3 =	vand.u32 $0x7, v3  }
0xdc: {  	v3 =	vor.u32 v3, v4  }
0xdd: {  	v4 =	vperm.xlane v3, v0;
	_ =	sdelay $0x1  }
0xde: {  	v4 =	vadd.s32 v1, v4;
	_ =	sdelay $0x3  }
0xdf: {  	s18 =	simm.s32 $0x5800;
	v3 =	vperm.xlane v3, v2  }
0xe0: {  	[tilespmem:s18], [sflag:$0x1] =	stream.indirect_vreg.gather [hbm4b:s3+s2], $0x80, v4, vm0, $0xb8;
	[tilespmem:$0x1A800] =	vst v63  }
0xe1: {  	v3 =	vadd.s32 v1, v3;
	s18 =	simm.s32 $0x6000  }
0xe2: {  	[tilespmem:s18], [sflag:$0x1] =	stream.indirect_vreg.gather [hbm4b:s5+s2], $0x80, v4, vm0, $0xb8;
	[tilespmem:$0x1A800] =	vst v63  }
0xe3: {  	s18 =	simm.s32 $0x6800  }
0xe4: {  	[tilespmem:s18], [sflag:$0x1] =	stream.indirect_vreg.gather [hbm4b:s6+s2], $0x80, v4, vm0, $0xb8;
	[tilespmem:$0x1A800] =	vst v63  }
0xe5: {  	s18 =	simm.s32 $0x7000  }
0xe6: {  	[tilespmem:s18], [sflag:$0x1] =	stream.indirect_vreg.gather [hbm4b:s3+s2], $0x80, v3, vm0, $0xb8;
	[tilespmem:$0x1A800] =	vst v63  }
0xe7: {  	s18 =	simm.s32 $0x7800  }
0xe8: {  	[tilespmem:s18], [sflag:$0x1] =	stream.indirect_vreg.gather [hbm4b:s5+s2], $0x80, v3, vm0, $0xb8;
	[tilespmem:$0x1A800] =	vst v63  }
0xe9: {  	s18 =	simm.s32 $0x8000  }
0xea: {  	[tilespmem:s18], [sflag:$0x1] =	stream.indirect_vreg.gather [hbm4b:s6+s2], $0x80, v3, vm0, $0xb8;
	[tilespmem:$0x1A800] =	vst v63  }
0xeb: {  	v3 =	vld [tilespmem:s16+$0xFFFFFF70];
	_ =	sdelay $0x4  }
0xec: {  	v58 =	vshrl.u32 v3, $0x3  }
0xed: {  	v4 =	vmul.u32 $0x30, v58  }
0xee: {  	v3 =	vand.u32 $0x7, v3  }
0xef: {  	v3 =	vor.u32 v3, v4  }
0xf0: {  	v4 =	vperm.xlane v3, v0;
	_ =	sdelay $0x1  }
0xf1: {  	v4 =	vadd.s32 v1, v4;
	_ =	sdelay $0x3  }
0xf2: {  	s18 =	simm.s32 $0x8800;
	v3 =	vperm.xlane v3, v2  }
0xf3: {  	[tilespmem:s18], [sflag:$0x1] =	stream.indirect_vreg.gather [hbm4b:s3+s2], $0x80, v4, vm0, $0xb8;
	[tilespmem:$0x1A800] =	vst v63  }
0xf4: {  	v3 =	vadd.s32 v1, v3;
	s18 =	simm.s32 $0x9000  }
0xf5: {  	[tilespmem:s18], [sflag:$0x1] =	stream.indirect_vreg.gather [hbm4b:s5+s2], $0x80, v4, vm0, $0xb8;
	[tilespmem:$0x1A800] =	vst v63  }
0xf6: {  	s18 =	simm.s32 $0x9800  }
0xf7: {  	[tilespmem:s18], [sflag:$0x1] =	stream.indirect_vreg.gather [hbm4b:s6+s2], $0x80, v4, vm0, $0xb8;
	[tilespmem:$0x1A800] =	vst v63  }
0xf8: {  	s18 =	simm.s32 $0xA000  }
0xf9: {  	[tilespmem:s18], [sflag:$0x1] =	stream.indirect_vreg.gather [hbm4b:s3+s2], $0x80, v3, vm0, $0xb8;
	[tilespmem:$0x1A800] =	vst v63  }
0xfa: {  	s18 =	simm.s32 $0xA800  }
0xfb: {  	[tilespmem:s18], [sflag:$0x1] =	stream.indirect_vreg.gather [hbm4b:s5+s2], $0x80, v3, vm0, $0xb8;
	[tilespmem:$0x1A800] =	vst v63  }
0xfc: {  	s18 =	simm.s32 $0xB000  }
0xfd: {  	[tilespmem:s18], [sflag:$0x1] =	stream.indirect_vreg.gather [hbm4b:s6+s2], $0x80, v3, vm0, $0xb8;
	[tilespmem:$0x1A800] =	vst v63  }
0xfe: {  	v3 =	vld [tilespmem:s16+$0xFFFFFF80];
	_ =	sdelay $0x4  }
0xff: {  	v59 =	vshrl.u32 v3, $0x3  }
0x100: {  	v4 =	vmul.u32 $0x30, v59  }
0x101: {  	v3 =	vand.u32 $0x7, v3  }
0x102: {  	v3 =	vor.u32 v3, v4  }
0x103: {  	v4 =	vperm.xlane v3, v0;
	_ =	sdelay $0x1  }
0x104: {  	v4 =	vadd.s32 v1, v4;
	_ =	sdelay $0x3  }
0x105: {  	s18 =	simm.s32 $0xB800;
	v3 =	vperm.xlane v3, v2  }
0x106: {  	[tilespmem:s18], [sflag:$0x1] =	stream.indirect_vreg.gather [hbm4b:s3+s2], $0x80, v4, vm0, $0xb8;
	[tilespmem:$0x1A800] =	vst v63  }
0x107: {  	v3 =	vadd.s32 v1, v3;
	s18 =	simm.s32 $0xC000  }
0x108: {  	[tilespmem:s18], [sflag:$0x1] =	stream.indirect_vreg.gather [hbm4b:s5+s2], $0x80, v4, vm0, $0xb8;
	[tilespmem:$0x1A800] =	vst v63  }
0x109: {  	s18 =	simm.s32 $0xC800  }
0x10a: {  	[tilespmem:s18], [sflag:$0x1] =	stream.indirect_vreg.gather [hbm4b:s6+s2], $0x80, v4, vm0, $0xb8;
	[tilespmem:$0x1A800] =	vst v63  }
0x10b: {  	s18 =	simm.s32 $0xD000  }
0x10c: {  	[tilespmem:s18], [sflag:$0x1] =	stream.indirect_vreg.gather [hbm4b:s3+s2], $0x80, v3, vm0, $0xb8;
	[tilespmem:$0x1A800] =	vst v63  }
0x10d: {  	s18 =	simm.s32 $0xD800  }
0x10e: {  	[tilespmem:s18], [sflag:$0x1] =	stream.indirect_vreg.gather [hbm4b:s5+s2], $0x80, v3, vm0, $0xb8;
	[tilespmem:$0x1A800] =	vst v63  }
0x10f: {  	s18 =	simm.s32 $0xE000  }
0x110: {  	[tilespmem:s18], [sflag:$0x1] =	stream.indirect_vreg.gather [hbm4b:s6+s2], $0x80, v3, vm0, $0xb8;
	[tilespmem:$0x1A800] =	vst v63  }
0x111: {  	_ =	swait.ge [sflag:s15], $0xC000  }
0x112: {  	[sflag:s15] =	ssyncset.done $0x0  }
0x113: {  	[sflag:s15] =	ssyncadd.s32 $0xFFFF4000  }
0x114: {  	v3 =	vld [tilespmem:s16+$0xFFFFFFD0];
	_ =	sdelay $0x4  }
0x115: {  	v60 =	vshrl.u32 v3, $0x3  }
0x116: {  	v4 =	vmul.u32 $0x30, v60  }
0x117: {  	v3 =	vand.u32 $0x7, v3  }
0x118: {  	v3 =	vor.u32 v3, v4  }
0x119: {  	v4 =	vperm.xlane v3, v0;
	_ =	sdelay $0x1  }
0x11a: {  	v4 =	vadd.s32 v1, v4;
	_ =	sdelay $0x3  }
0x11b: {  	v3 =	vperm.xlane v3, v2  }
0x11c: {  	[tilespmem:s10], [sflag:$0x2] =	stream.indirect_vreg.gather [hbm4b:s3+s2], $0x80, v4, vm0, $0xb8;
	[tilespmem:$0x1A800] =	vst v63  }
0x11d: {  	s18 =	simm.s32 $0xF000;
	v3 =	vadd.s32 v1, v3  }
0x11e: {  	[tilespmem:s18], [sflag:$0x2] =	stream.indirect_vreg.gather [hbm4b:s5+s2], $0x80, v4, vm0, $0xb8;
	[tilespmem:$0x1A800] =	vst v63  }
0x11f: {  	s18 =	simm.s32 $0xF800  }
0x120: {  	[tilespmem:s18], [sflag:$0x2] =	stream.indirect_vreg.gather [hbm4b:s6+s2], $0x80, v4, vm0, $0xb8;
	[tilespmem:$0x1A800] =	vst v63  }
0x121: {  	s18 =	simm.s32 $0x10000  }
0x122: {  	[tilespmem:s18], [sflag:$0x2] =	stream.indirect_vreg.gather [hbm4b:s3+s2], $0x80, v3, vm0, $0xb8;
	[tilespmem:$0x1A800] =	vst v63  }
0x123: {  	s18 =	simm.s32 $0x10800  }
0x124: {  	[tilespmem:s18], [sflag:$0x2] =	stream.indirect_vreg.gather [hbm4b:s5+s2], $0x80, v3, vm0, $0xb8;
	[tilespmem:$0x1A800] =	vst v63  }
0x125: {  	s18 =	simm.s32 $0x11000  }
0x126: {  	[tilespmem:s18], [sflag:$0x2] =	stream.indirect_vreg.gather [hbm4b:s6+s2], $0x80, v3, vm0, $0xb8;
	[tilespmem:$0x1A800] =	vst v63  }
0x127: {  	v3 =	vld [tilespmem:s16+$0xFFFFFFE0];
	_ =	sdelay $0x4  }
0x128: {  	v61 =	vshrl.u32 v3, $0x3  }
0x129: {  	v4 =	vmul.u32 $0x30, v61  }
0x12a: {  	v3 =	vand.u32 $0x7, v3  }
0x12b: {  	v3 =	vor.u32 v3, v4  }
0x12c: {  	v4 =	vperm.xlane v3, v0;
	_ =	sdelay $0x1  }
0x12d: {  	v4 =	vadd.s32 v1, v4;
	_ =	sdelay $0x3  }
0x12e: {  	s18 =	simm.s32 $0x11800;
	v3 =	vperm.xlane v3, v2  }
0x12f: {  	[tilespmem:s18], [sflag:$0x2] =	stream.indirect_vreg.gather [hbm4b:s3+s2], $0x80, v4, vm0, $0xb8;
	[tilespmem:$0x1A800] =	vst v63  }
0x130: {  	v3 =	vadd.s32 v1, v3;
	s18 =	simm.s32 $0x12000  }
0x131: {  	[tilespmem:s18], [sflag:$0x2] =	stream.indirect_vreg.gather [hbm4b:s5+s2], $0x80, v4, vm0, $0xb8;
	[tilespmem:$0x1A800] =	vst v63  }
0x132: {  	_ = 	snop  }
0x133: {  	[tilespmem:s19], [sflag:$0x2] =	stream.indirect_vreg.gather [hbm4b:s6+s2], $0x80, v4, vm0, $0xb8;
	[tilespmem:$0x1A800] =	vst v63  }
0x134: {  	_ = 	snop  }
0x135: {  	[tilespmem:s20], [sflag:$0x2] =	stream.indirect_vreg.gather [hbm4b:s3+s2], $0x80, v3, vm0, $0xb8;
	[tilespmem:$0x1A800] =	vst v63  }
0x136: {  	_ = 	snop  }
0x137: {  	[tilespmem:s21], [sflag:$0x2] =	stream.indirect_vreg.gather [hbm4b:s5+s2], $0x80, v3, vm0, $0xb8;
	[tilespmem:$0x1A800] =	vst v63  }
0x138: {  	_ = 	snop  }
0x139: {  	[tilespmem:s22], [sflag:$0x2] =	stream.indirect_vreg.gather [hbm4b:s6+s2], $0x80, v3, vm0, $0xb8;
	[tilespmem:$0x1A800] =	vst v63  }
0x13a: {  	v3 =	vld [tilespmem:s16+$0xFFFFFFF0];
	_ =	sdelay $0x4  }
0x13b: {  	v62 =	vshrl.u32 v3, $0x3  }
0x13c: {  	v4 =	vmul.u32 $0x30, v62  }
0x13d: {  	v3 =	vand.u32 $0x7, v3  }
0x13e: {  	v3 =	vor.u32 v3, v4  }
0x13f: {  	v4 =	vperm.xlane v3, v0;
	_ =	sdelay $0x1  }
0x140: {  	v4 =	vadd.s32 v1, v4;
	_ =	sdelay $0x3  }
0x141: {  	v3 =	vperm.xlane v3, v2  }
0x142: {  	[tilespmem:s23], [sflag:$0x2] =	stream.indirect_vreg.gather [hbm4b:s3+s2], $0x80, v4, vm0, $0xb8;
	[tilespmem:$0x1A800] =	vst v63  }
0x143: {  	v3 =	vadd.s32 v1, v3  }
0x144: {  	[tilespmem:s24], [sflag:$0x2] =	stream.indirect_vreg.gather [hbm4b:s5+s2], $0x80, v4, vm0, $0xb8;
	[tilespmem:$0x1A800] =	vst v63  }
0x145: {  	_ = 	snop  }
0x146: {  	[tilespmem:s25], [sflag:$0x2] =	stream.indirect_vreg.gather [hbm4b:s6+s2], $0x80, v4, vm0, $0xb8;
	[tilespmem:$0x1A800] =	vst v63  }
0x147: {  	_ = 	snop  }
0x148: {  	[tilespmem:s26], [sflag:$0x2] =	stream.indirect_vreg.gather [hbm4b:s3+s2], $0x80, v3, vm0, $0xb8;
	[tilespmem:$0x1A800] =	vst v63  }
0x149: {  	_ = 	snop  }
0x14a: {  	[tilespmem:s28], [sflag:$0x2] =	stream.indirect_vreg.gather [hbm4b:s5+s2], $0x80, v3, vm0, $0xb8;
	[tilespmem:$0x1A800] =	vst v63  }
0x14b: {  	_ = 	snop  }
0x14c: {  	[tilespmem:s29], [sflag:$0x2] =	stream.indirect_vreg.gather [hbm4b:s6+s2], $0x80, v3, vm0, $0xb8;
	[tilespmem:$0x1A800] =	vst v63  }
0x14d: {  	v3 =	vld [tilespmem:s16+$0x0];
	_ =	sdelay $0x4  }
0x14e: {  	v63 =	vshrl.u32 v3, $0x3  }
0x14f: {  	v4 =	vmul.u32 $0x30, v63  }
0x150: {  	v3 =	vand.u32 $0x7, v3  }
0x151: {  	v3 =	vor.u32 v3, v4  }
0x152: {  	v4 =	vperm.xlane v3, v0;
	_ =	sdelay $0x1  }
0x153: {  	v4 =	vadd.s32 v1, v4;
	_ =	sdelay $0x3  }
0x154: {  	v3 =	vperm.xlane v3, v2  }
0x155: {  	[tilespmem:s30], [sflag:$0x2] =	stream.indirect_vreg.gather [hbm4b:s3+s2], $0x80, v4, vm0, $0xb8;
	[tilespmem:$0x1A800] =	vst v63  }
0x156: {  	v3 =	vadd.s32 v1, v3  }
0x157: {  	[tilespmem:s31], [sflag:$0x2] =	stream.indirect_vreg.gather [hbm4b:s5+s2], $0x80, v4, vm0, $0xb8;
	[tilespmem:$0x1A800] =	vst v63  }
0x158: {  	_ = 	snop  }
0x159: {  	[tilespmem:s1], [sflag:$0x2] =	stream.indirect_vreg.gather [hbm4b:s6+s2], $0x80, v4, vm0, $0xb8;
	[tilespmem:$0x1A800] =	vst v63  }
0x15a: {  	_ = 	snop  }
0x15b: {  	[tilespmem:s0], [sflag:$0x2] =	stream.indirect_vreg.gather [hbm4b:s3+s2], $0x80, v3, vm0, $0xb8;
	[tilespmem:$0x1A800] =	vst v63  }
.Ltmp3:
0x15c: {  	_ = 	snop;
	(pc) =	sbr.rel .LBB2_2-.Ltmp3, $4  }
0x15d: {  	_ = 	snop  }
0x15e: {  	[tilespmem:s4], [sflag:$0x2] =	stream.indirect_vreg.gather [hbm4b:s5+s2], $0x80, v3, vm0, $0xb8;
	[tilespmem:$0x1A800] =	vst v63  }
0x15f: {  	s17 =	sadd.s32 $0x3000, s17;
	s16 =	sadd.s32 $0x100, s16  }
0x160: {  	[tilespmem:s7], [sflag:$0x2] =	stream.indirect_vreg.gather [hbm4b:s6+s2], $0x80, v3, vm0, $0xb8;
	[tilespmem:$0x1A800] =	vst v63  }
.LBB2_5:
0x161: {  	_ =	sfence.sel $0x180000  }
0x162: {  	[bflag:$0x0] =	sbarrier.arrive $0xFFFF  }
0x163: {  	_ =	strace $0x90000053  }
0x164: {  	s0 =	stileid.u32;
	[bflag:$0x2] =	sbarrier.arrive $0xFFFF  }
0x165: {  	p0 =	sne.s32 s0, $0x0;
	s0 =	rddreg [dreg:$0x1]  }
0x166: {  	s0 =	sadd.s32 @!p0 $0x100000, s0  }
0x167: {  	[sflag:s0] =	ssyncadd.tile.s32 @!p0 $0x1;
	_ =	shalt  }
.Lfunc_end2:
_tile_overlayer_lowered:
.L_overlay_start_2:
0x168: {  	(tag) =	ssettag $0x2  }
0x169: {  	s0 =	rddreg [dreg:$0x0];
	s2 =	stileid.u32  }
0x16a: {  	s1 =	rddreg [dreg:$0x1];
	p0 =	sne.s32 s2, $0x0  }
0x16b: {  	s3 =	rddreg [dreg:$0x2];
	[bflag:$0x3] =	sbarrier.arrive $0xFFFF;
	s2 =	simm.s32 @!p0 $0x1C05  }
0x16c: {  	[timem:s3], [sflag:s2] =	dma.local @!p0 [hbm:s0], s1  }
0x16d: {  	s0 =	simm.s32 @!p0 $0x5  }
0x16e: {  	_ =	swait.ge @!p0 [sflag:s0], s1  }
0x16f: {  	s1 =	ssub.s32 @!p0 $0x0, s1;
	[sflag:s0] =	ssyncset.done @!p0 $0x0  }
0x170: {  	[sflag:s0] =	ssyncadd.s32 @!p0 s1  }
0x171: {  	[bflag:$0x3] =	sbarrier.arrive $0xFFFF  }
0x172: {  	_ =	shalt  }

</sc_bundles>
